<compile_context>
chip_gen: v7x
topology: tpu7x:2x2x1
jax: 0.10.2.dev20260603
libtpu: 0.0.44.dev20260713+nightly
codegen_flags: <defaults>
</compile_context>

<pallas_src>
import jax
import jax.numpy as jnp
from jax import lax
from jax.experimental import pallas as pl
from jax.experimental.pallas import tpu as pltpu
from jax.experimental.pallas import tpu_sc as plsc

N = 10000
E = 320000
H1 = 8
C1 = 8
D1W = H1 * C1
C2 = 40

NPAD = 10240
ROWS_PER_TILE = NPAD // 16
EB = 128
BLK_PER_TILE = 82
NBLK = 32 * BLK_PER_TILE
EPAD = NBLK * EB

SW1 = 80
DW = 16
AW1 = 80
SW2 = 48
AW2 = 48

UNROLL = 4

_GDN = lax.GatherDimensionNumbers(
    offset_dims=(), collapsed_slice_dims=(0,), start_index_map=(0,))


def _vg(v, idx):
    return lax.gather(v, idx[:, None], dimension_numbers=_GDN,
                      slice_sizes=(1,),
                      mode=lax.GatherScatterMode.PROMISE_IN_BOUNDS)


def _lrelu(t):
    return jnp.maximum(t, 0.2 * t)


def _tc1_body(x_ref, w1_ref, asm_ref, adm_ref, s1_ref, d1_ref):
    x = x_ref[...]
    h = jnp.dot(x, w1_ref[...], preferred_element_type=jnp.float32)
    as1 = jnp.dot(h, asm_ref[...], preferred_element_type=jnp.float32)
    ad1 = jnp.dot(h, adm_ref[...], preferred_element_type=jnp.float32)
    s1_ref[...] = jnp.concatenate(
        [h, as1, jnp.zeros((N, 8), jnp.float32)], axis=1)
    gmax = jnp.max(as1, axis=0, keepdims=True)
    m1 = _lrelu(gmax + ad1)
    d1 = jnp.concatenate([ad1, m1], axis=1)
    d1_ref[...] = jnp.concatenate(
        [d1, jnp.zeros((NPAD - N, DW), jnp.float32)], axis=0)


def _tc2_body(acc_ref, b1_ref, w2_ref, asm_ref, adm_ref, s2_ref, d2_ref):
    a = acc_ref[...]
    a0 = a[:NPAD]
    a1 = a[NPAD:]
    num = a0[:N, :D1W] + a1[:N, :D1W]
    den = a0[:N, D1W:D1W + H1] + a1[:N, D1W:D1W + H1]
    e8 = (lax.broadcasted_iota(jnp.int32, (H1, D1W), 1) // C1
          == lax.broadcasted_iota(jnp.int32, (H1, D1W), 0)).astype(jnp.float32)
    den_exp = jnp.dot(den, e8, preferred_element_type=jnp.float32)
    o1 = num / (den_exp + 1e-16) + b1_ref[...]
    e1 = jnp.where(o1 > 0, o1, jnp.exp(jnp.minimum(o1, 0.0)) - 1.0)
    h2 = jnp.dot(e1, w2_ref[...], preferred_element_type=jnp.float32)
    as2 = jnp.dot(h2, asm_ref[...], preferred_element_type=jnp.float32)
    ad2 = jnp.dot(h2, adm_ref[...], preferred_element_type=jnp.float32)
    s2_ref[...] = jnp.concatenate([h2, as2], axis=1)
    gmax = jnp.max(as2, axis=0, keepdims=True)
    m2 = _lrelu(gmax + ad2)
    d2 = jnp.concatenate(
        [ad2[:, :1], m2[:, :1], jnp.zeros((N, DW - 2), jnp.float32)], axis=1)
    d2_ref[...] = jnp.concatenate(
        [d2, jnp.zeros((NPAD - N, DW), jnp.float32)], axis=0)


def _tc3_body(acc_ref, b2_ref, out_ref):
    a = acc_ref[...]
    a0 = a[:NPAD]
    a1 = a[NPAD:]
    num = a0[:N, :C2] + a1[:N, :C2]
    den = a0[:N, C2:C2 + 1] + a1[:N, C2:C2 + 1]
    o = num / (den + 1e-16) + b2_ref[...]
    m = jnp.max(o, axis=1, keepdims=True)
    s = o - m
    out_ref[...] = s - jnp.log(jnp.sum(jnp.exp(s), axis=1, keepdims=True))


def _cb1(sbuf, dbuf, mbuf):
    lane = lax.broadcasted_iota(jnp.int32, (16,), 0)
    idx_m = (lane & 7) + 8
    idx_b = [2 * k + (lane >> 3) for k in range(4)]

    @plsc.parallel_loop(0, EB, unroll=UNROLL)
    def e_body(e):
        dv = dbuf[e]
        sv4 = sbuf[e, pl.ds(64, 16)]
        t = sv4 + dv
        ev = jnp.exp(_lrelu(t) - _vg(dv, idx_m))
        for k in range(4):
            mbuf[e, pl.ds(k * 16, 16)] = (
                sbuf[e, pl.ds(k * 16, 16)] * _vg(ev, idx_b[k]))
        mbuf[e, pl.ds(64, 16)] = ev


def _cb2(sbuf, dbuf, mbuf):
    lane = lax.broadcasted_iota(jnp.int32, (16,), 0)
    idx0 = lane * 0
    idx1 = idx0 + 1
    idx8 = idx0 + 8
    is8 = lane == 8

    @plsc.parallel_loop(0, EB, unroll=UNROLL)
    def e_body(e):
        dv = dbuf[e]
        sv2 = sbuf[e, pl.ds(32, 16)]
        t = _vg(sv2, idx8) + _vg(dv, idx0)
        ev = jnp.exp(_lrelu(t) - _vg(dv, idx1))
        mbuf[e, pl.ds(0, 16)] = sbuf[e, pl.ds(0, 16)] * ev
        mbuf[e, pl.ds(16, 16)] = sbuf[e, pl.ds(16, 16)] * ev
        mbuf[e, pl.ds(32, 16)] = jnp.where(is8, ev, sv2 * ev)


def _sc_body(compute_block, s_hbm, d_hbm, src_hbm, dst_hbm, z_hbm, out_hbm,
             acc, src_all, dst_all,
             sbuf0, dbuf0, mbuf0, sbuf1, dbuf1, mbuf1,
             gs0, gd0, gs1, gd1, ss0, ss1):
    cid = lax.axis_index("c")
    sid = lax.axis_index("s")
    wid = cid * 16 + sid
    r0 = sid * ROWS_PER_TILE
    def _zi(c, u):
        pltpu.sync_copy(z_hbm.at[pl.ds(r0 + c * 128, 128)],
                        acc.at[pl.ds(r0 + c * 128, 128)])
        return u

    lax.fori_loop(0, ROWS_PER_TILE // 128, _zi, 0)
    pltpu.sync_copy(src_hbm.at[pl.ds(wid * BLK_PER_TILE, BLK_PER_TILE)],
                    src_all)
    pltpu.sync_copy(dst_hbm.at[pl.ds(wid * BLK_PER_TILE, BLK_PER_TILE)],
                    dst_all)
    plsc.subcore_barrier()

    bufs = ((sbuf0, dbuf0, mbuf0, gs0, gd0, ss0),
            (sbuf1, dbuf1, mbuf1, gs1, gd1, ss1))

    def g_start(b, p):
        sb, db, _, gs, gd, _ = bufs[p]
        pltpu.async_copy(s_hbm.at[src_all.at[b]], sb, gs)
        pltpu.async_copy(d_hbm.at[dst_all.at[b]], db, gd)

    def g_wait(b, p):
        sb, db, _, gs, gd, _ = bufs[p]
        pltpu.make_async_copy(s_hbm.at[src_all.at[b]], sb, gs).wait()
        pltpu.make_async_copy(d_hbm.at[dst_all.at[b]], db, gd).wait()

    def s_start(b, p):
        _, _, mb, _, _, ss = bufs[p]
        pltpu.async_copy(mb, acc.at[dst_all.at[b]], ss, add=True)

    def s_wait(b, p):
        _, _, mb, _, _, ss = bufs[p]
        pltpu.make_async_copy(mb, acc.at[dst_all.at[b]], ss).wait()

    g_start(0, 0)

    def outer(i, c):
        b0 = 2 * i
        b1 = b0 + 1
        b2 = b0 + 2
        g_start(b1, 1)
        g_wait(b0, 0)

        @pl.when(i >= 1)
        def _():
            s_wait(b0, 0)

        compute_block(bufs[0][0], bufs[0][1], bufs[0][2])
        s_start(b0, 0)

        @pl.when(b2 < BLK_PER_TILE)
        def _():
            g_start(b2, 0)

        g_wait(b1, 1)

        @pl.when(i >= 1)
        def _():
            s_wait(b1, 1)

        compute_block(bufs[1][0], bufs[1][1], bufs[1][2])
        s_start(b1, 1)
        return c

    lax.fori_loop(0, BLK_PER_TILE // 2, outer, 0)
    s_wait(0, 0)
    s_wait(1, 1)
    plsc.subcore_barrier()
    def _zo(c, u):
        pltpu.sync_copy(acc.at[pl.ds(r0 + c * 128, 128)],
                        out_hbm.at[pl.ds(cid * NPAD + r0 + c * 128, 128)])
        return u

    lax.fori_loop(0, ROWS_PER_TILE // 128, _zo, 0)


def _sc1_body(*args):
    _sc_body(_cb1, *args)


def _sc2_body(*args):
    _sc_body(_cb2, *args)


def _make_sc(body, sw, aw):
    mesh = plsc.VectorSubcoreMesh(core_axis_name="c", subcore_axis_name="s")
    return pl.kernel(
        body,
        out_type=jax.ShapeDtypeStruct((2 * NPAD, aw), jnp.float32),
        mesh=mesh,
        scratch_types=[
            pltpu.VMEM_SHARED((NPAD, aw), jnp.float32),
            pltpu.VMEM((BLK_PER_TILE, EB), jnp.int32),
            pltpu.VMEM((BLK_PER_TILE, EB), jnp.int32),
            pltpu.VMEM((EB, sw), jnp.float32),
            pltpu.VMEM((EB, DW), jnp.float32),
            pltpu.VMEM((EB, aw), jnp.float32),
            pltpu.VMEM((EB, sw), jnp.float32),
            pltpu.VMEM((EB, DW), jnp.float32),
            pltpu.VMEM((EB, aw), jnp.float32),
        ] + [pltpu.SemaphoreType.DMA] * 6,
        compiler_params=pltpu.CompilerParams(use_tc_tiling_on_sc=False),
    )


_sc1 = _make_sc(_sc1_body, SW1, AW1)
_sc2 = _make_sc(_sc2_body, SW2, AW2)

_tc1 = pl.pallas_call(
    _tc1_body,
    out_shape=(jax.ShapeDtypeStruct((N, SW1), jnp.float32),
               jax.ShapeDtypeStruct((NPAD, DW), jnp.float32)),
)

_tc2 = pl.pallas_call(
    _tc2_body,
    out_shape=(jax.ShapeDtypeStruct((N, SW2), jnp.float32),
               jax.ShapeDtypeStruct((NPAD, DW), jnp.float32)),
)

_tc3 = pl.pallas_call(
    _tc3_body,
    out_shape=jax.ShapeDtypeStruct((N, C2), jnp.float32),
)


@jax.jit
def kernel(x, edge_index, W1, att_src1, att_dst1, b1, W2, att_src2, att_dst2,
           b2):
    ei = edge_index.astype(jnp.int32)
    loop = jnp.arange(N, dtype=jnp.int32)
    npd = EPAD - E - N
    pad_dst = N + (jnp.arange(npd, dtype=jnp.int32) % (NPAD - N))
    src = jnp.concatenate([ei[0], loop, jnp.zeros((npd,), jnp.int32)])
    dst = jnp.concatenate([ei[1], loop, pad_dst])
    src = src.reshape(NBLK // 32, 32, EB).transpose(1, 0, 2).reshape(NBLK, EB)
    dst = dst.reshape(NBLK // 32, 32, EB).transpose(1, 0, 2).reshape(NBLK, EB)

    blk = (jnp.arange(D1W)[:, None] // C1 == jnp.arange(H1)[None, :])
    asm1 = att_src1.reshape(D1W, 1) * blk
    adm1 = att_dst1.reshape(D1W, 1) * blk
    asm2 = jnp.tile(att_src2.reshape(C2, 1), (1, 8))
    adm2 = jnp.tile(att_dst2.reshape(C2, 1), (1, 8))
    z1 = jnp.zeros((NPAD, AW1), jnp.float32)
    z2 = jnp.zeros((NPAD, AW2), jnp.float32)

    s1, d1 = _tc1(x, W1, asm1, adm1)
    acc1 = _sc1(s1, d1, src, dst, z1)
    s2, d2 = _tc2(acc1, b1.reshape(1, D1W), W2, asm2, adm2)
    acc2 = _sc2(s2, d2, src, dst, z2)
    return _tc3(acc2, b2.reshape(1, C2))

# --- scband reference (transcript-rebuilt; emitter-appended) ---
"""Pipeline reference for scband-gat-46772193853510 (READ-ONLY COPY).

The authoritative reference and input builder live on the scoring server;
editing this copy changes nothing except your own understanding.
"""

import jax, jax.numpy as jnp
import numpy as np

N = 10000
E = 320000
D_IN = 128
HEADS1 = 8
HID = 8
NUM_CLASSES = 40


def gat_conv(x, edge_index, W, att_src, att_dst, bias, heads, out_ch, num_nodes):
    # add self loops (PyG GATConv default add_self_loops=True)
    loop = jnp.arange(num_nodes, dtype=edge_index.dtype)
    ei = jnp.concatenate([edge_index, jnp.stack([loop, loop], axis=0)], axis=1)
    src, dst = ei[0], ei[1]
    h = (x @ W).reshape(num_nodes, heads, out_ch)
    alpha_src = (h * att_src[None]).sum(-1)  # [N, H]
    alpha_dst = (h * att_dst[None]).sum(-1)  # [N, H]
    alpha = alpha_src[src] + alpha_dst[dst]  # [E, H]
    alpha = jax.nn.leaky_relu(alpha, negative_slope=0.2)
    amax = jax.ops.segment_max(alpha, dst, num_segments=num_nodes)
    amax = jnp.where(jnp.isfinite(amax), amax, 0.0)
    ealpha = jnp.exp(alpha - amax[dst])
    denom = jax.ops.segment_sum(ealpha, dst, num_segments=num_nodes)
    coeff = ealpha / (denom[dst] + 1e-16)  # [E, H]
    msg = h[src] * coeff[:, :, None]  # [E, H, C]
    out = jax.ops.segment_sum(msg, dst, num_segments=num_nodes)  # [N, H, C]
    out = out.reshape(num_nodes, heads * out_ch) + bias
    return out


def setup_inputs(seed: int = 0) -> dict:
    key = jax.random.key(seed)
    ks = jax.random.split(key, 12)
    x = jax.random.normal(ks[0], (N, D_IN), dtype=jnp.float32)
    edge_index = jax.random.randint(ks[1], (2, E), 0, N, dtype=jnp.int64)
    W1 = jax.random.normal(ks[2], (D_IN, HEADS1 * HID), dtype=jnp.float32) * 0.1
    att_src1 = jax.random.normal(ks[3], (HEADS1, HID), dtype=jnp.float32) * 0.1
    att_dst1 = jax.random.normal(ks[4], (HEADS1, HID), dtype=jnp.float32) * 0.1
    b1 = jnp.zeros((HEADS1 * HID,), dtype=jnp.float32)
    W2 = jax.random.normal(ks[5], (HEADS1 * HID, NUM_CLASSES), dtype=jnp.float32) * 0.1
    att_src2 = jax.random.normal(ks[6], (1, NUM_CLASSES), dtype=jnp.float32) * 0.1
    att_dst2 = jax.random.normal(ks[7], (1, NUM_CLASSES), dtype=jnp.float32) * 0.1
    b2 = jnp.zeros((NUM_CLASSES,), dtype=jnp.float32)
    return {"x": x, "edge_index": edge_index, "W1": W1, "att_src1": att_src1, "att_dst1": att_dst1, "b1": b1, "W2": W2, "att_src2": att_src2, "att_dst2": att_dst2, "b2": b2}


def reference(x, edge_index, W1, att_src1, att_dst1, b1, W2, att_src2, att_dst2, b2):
    # dropout_adj with p=0 is identity
    h = gat_conv(x, edge_index, W1, att_src1, att_dst1, b1, HEADS1, HID, N)
    h = jax.nn.elu(h)
    out = gat_conv(h, edge_index, W2, att_src2, att_dst2, b2, 1, NUM_CLASSES, N)
    return jax.nn.log_softmax(out, axis=1)

if __name__ == "__main__":
    import jax
    _d = setup_inputs()
    print(jax.jit(kernel)(*tuple(_d.values())))

</pallas_src>

<mosaic_0001>
#map = affine_map<(d0, d1) -> (0, 0)>
module attributes {stable_mosaic.version = 14 : i64} {
  func.func @_sc2_body(%arg0: i32, %arg1: i32, %arg2: memref<10000x48xf32, #tpu.memory_space<hbm>>, %arg3: memref<10240x16xf32, #tpu.memory_space<hbm>>, %arg4: memref<2624x128xi32, #tpu.memory_space<hbm>>, %arg5: memref<2624x128xi32, #tpu.memory_space<hbm>>, %arg6: memref<10240x48xf32, #tpu.memory_space<hbm>>, %arg7: memref<20480x48xf32, #tpu.memory_space<hbm>>, %arg8: memref<10240x48xf32, #tpu.memory_space<vmem_shared>>, %arg9: memref<82x128xi32, #tpu.memory_space<vmem>>, %arg10: memref<82x128xi32, #tpu.memory_space<vmem>>, %arg11: memref<128x48xf32, #tpu.memory_space<vmem>>, %arg12: memref<128x16xf32, #tpu.memory_space<vmem>>, %arg13: memref<128x48xf32, #tpu.memory_space<vmem>>, %arg14: memref<128x48xf32, #tpu.memory_space<vmem>>, %arg15: memref<128x16xf32, #tpu.memory_space<vmem>>, %arg16: memref<128x48xf32, #tpu.memory_space<vmem>>, %arg17: memref<!tpu.dma_semaphore, #tpu.memory_space<semaphore_mem>>, %arg18: memref<!tpu.dma_semaphore, #tpu.memory_space<semaphore_mem>>, %arg19: memref<!tpu.dma_semaphore, #tpu.memory_space<semaphore_mem>>, %arg20: memref<!tpu.dma_semaphore, #tpu.memory_space<semaphore_mem>>, %arg21: memref<!tpu.dma_semaphore, #tpu.memory_space<semaphore_mem>>, %arg22: memref<!tpu.dma_semaphore, #tpu.memory_space<semaphore_mem>>) attributes {dimension_semantics = [#tpu.dimension_semantics<core_parallel>, #tpu.dimension_semantics<subcore_parallel>], iteration_bounds = array<i64: 2, 16>, scalar_prefetch = 0 : i64, scratch_operands = 15 : i64, tpu.core_type = #tpu.core_type<sc_vector_subcore>, window_params = [{transform_indices = #map}, {transform_indices = #map}, {transform_indices = #map}, {transform_indices = #map}, {transform_indices = #map}, {transform_indices = #map}]} {
    %mul3A = arith.constant 16 : i32
    %mul3A_0 = arith.muli %arg0, %mul3A : i32
    %add3A = arith.addi %mul3A_0, %arg1 : i32
    %mul3A_1 = arith.constant 640 : i32
    %mul3A_2 = arith.muli %arg1, %mul3A_1 : i32
    %scan3A = arith.constant 0 : i32
    %scan3A_3 = arith.constant 0 : i32
    %scan3A_4 = arith.constant 5 : i32
    %scan3A_5 = arith.addi %scan3A_3, %scan3A_4 : i32
    %scan3A_6 = arith.constant 1 : i32
    scf.for %scan3A_51 = %scan3A_3 to %scan3A_5 step %scan3A_6  : i32 {
      %mul3A_52 = arith.constant 128 : i32
      %mul3A_53 = arith.muli %scan3A_51, %mul3A_52 : i32
      %add3A_54 = arith.addi %mul3A_2, %mul3A_53 : i32
      %mul3A_55 = arith.constant 128 : i32
      %mul3A_56 = arith.muli %scan3A_51, %mul3A_55 : i32
      %add3A_57 = arith.addi %mul3A_2, %mul3A_56 : i32
      "tpu.region"() ({
        %run_scoped3A = tpu.sem_alloc : memref<!tpu.dma_semaphore, #tpu.memory_space<semaphore_mem>>
        %dma_start3A_58 = arith.constant 0 : i32
        %dma_start3A_59 = tpu.memref_slice %arg8[%add3A_57, %dma_start3A_58] : memref<10240x48xf32, #tpu.memory_space<vmem_shared>> -> memref<128x48xf32, #tpu.memory_space<vmem_shared>>
        %dma_start3A_60 = arith.constant 0 : i32
        %dma_start3A_61 = tpu.memref_slice %arg6[%add3A_54, %dma_start3A_60] : memref<10240x48xf32, #tpu.memory_space<hbm>> -> memref<128x48xf32, #tpu.memory_space<hbm>>
        tpu.enqueue_dma source(%dma_start3A_61 : memref<128x48xf32, #tpu.memory_space<hbm>>) target(%dma_start3A_59 : memref<128x48xf32, #tpu.memory_space<vmem_shared>>) target_semaphore(%run_scoped3A : memref<!tpu.dma_semaphore, #tpu.memory_space<semaphore_mem>>)
        %dma_wait3A_62 = arith.constant 0 : i32
        %dma_wait3A_63 = tpu.memref_slice %arg8[%add3A_57, %dma_wait3A_62] : memref<10240x48xf32, #tpu.memory_space<vmem_shared>> -> memref<128x48xf32, #tpu.memory_space<vmem_shared>>
        %dma_wait3A_64 = arith.constant 0 : i32
        %dma_wait3A_65 = tpu.memref_slice %arg6[%add3A_54, %dma_wait3A_64] : memref<10240x48xf32, #tpu.memory_space<hbm>> -> memref<128x48xf32, #tpu.memory_space<hbm>>
        tpu.wait_dma2 semaphore(%run_scoped3A : memref<!tpu.dma_semaphore, #tpu.memory_space<semaphore_mem>>) src(%dma_wait3A_65 : memref<128x48xf32, #tpu.memory_space<hbm>>) dst(%dma_wait3A_63 : memref<128x48xf32, #tpu.memory_space<vmem_shared>>)
        tpu.yield
      }) : () -> ()
    }
    %scan3A_7 = arith.constant 5 : i32
    %mul3A_8 = arith.constant 82 : i32
    %mul3A_9 = arith.muli %add3A, %mul3A_8 : i32
    "tpu.region"() ({
      %run_scoped3A = tpu.sem_alloc : memref<!tpu.dma_semaphore, #tpu.memory_space<semaphore_mem>>
      %dma_start3A_51 = arith.constant 0 : i32
      %dma_start3A_52 = tpu.memref_slice %arg4[%mul3A_9, %dma_start3A_51] : memref<2624x128xi32, #tpu.memory_space<hbm>> -> memref<82x128xi32, #tpu.memory_space<hbm>>
      %dma_start3A_53 = arith.constant 0 : i32
      %dma_start3A_54 = tpu.memref_slice %arg4[%mul3A_9, %dma_start3A_53] : memref<2624x128xi32, #tpu.memory_space<hbm>> -> memref<82x128xi32, #tpu.memory_space<hbm>>
      tpu.enqueue_dma source(%dma_start3A_54 : memref<82x128xi32, #tpu.memory_space<hbm>>) target(%arg9 : memref<82x128xi32, #tpu.memory_space<vmem>>) target_semaphore(%run_scoped3A : memref<!tpu.dma_semaphore, #tpu.memory_space<semaphore_mem>>)
      %dma_wait3A_55 = arith.constant 0 : i32
      %dma_wait3A_56 = tpu.memref_slice %arg4[%mul3A_9, %dma_wait3A_55] : memref<2624x128xi32, #tpu.memory_space<hbm>> -> memref<82x128xi32, #tpu.memory_space<hbm>>
      %dma_wait3A_57 = arith.constant 0 : i32
      %dma_wait3A_58 = tpu.memref_slice %arg4[%mul3A_9, %dma_wait3A_57] : memref<2624x128xi32, #tpu.memory_space<hbm>> -> memref<82x128xi32, #tpu.memory_space<hbm>>
      tpu.wait_dma2 semaphore(%run_scoped3A : memref<!tpu.dma_semaphore, #tpu.memory_space<semaphore_mem>>) src(%dma_wait3A_58 : memref<82x128xi32, #tpu.memory_space<hbm>>) dst(%arg9 : memref<82x128xi32, #tpu.memory_space<vmem>>)
      tpu.yield
    }) : () -> ()
    %mul3A_10 = arith.constant 82 : i32
    %mul3A_11 = arith.muli %add3A, %mul3A_10 : i32
    "tpu.region"() ({
      %run_scoped3A = tpu.sem_alloc : memref<!tpu.dma_semaphore, #tpu.memory_space<semaphore_mem>>
      %dma_start3A_51 = arith.constant 0 : i32
      %dma_start3A_52 = tpu.memref_slice %arg5[%mul3A_11, %dma_start3A_51] : memref<2624x128xi32, #tpu.memory_space<hbm>> -> memref<82x128xi32, #tpu.memory_space<hbm>>
      %dma_start3A_53 = arith.constant 0 : i32
      %dma_start3A_54 = tpu.memref_slice %arg5[%mul3A_11, %dma_start3A_53] : memref<2624x128xi32, #tpu.memory_space<hbm>> -> memref<82x128xi32, #tpu.memory_space<hbm>>
      tpu.enqueue_dma source(%dma_start3A_54 : memref<82x128xi32, #tpu.memory_space<hbm>>) target(%arg10 : memref<82x128xi32, #tpu.memory_space<vmem>>) target_semaphore(%run_scoped3A : memref<!tpu.dma_semaphore, #tpu.memory_space<semaphore_mem>>)
      %dma_wait3A_55 = arith.constant 0 : i32
      %dma_wait3A_56 = tpu.memref_slice %arg5[%mul3A_11, %dma_wait3A_55] : memref<2624x128xi32, #tpu.memory_space<hbm>> -> memref<82x128xi32, #tpu.memory_space<hbm>>
      %dma_wait3A_57 = arith.constant 0 : i32
      %dma_wait3A_58 = tpu.memref_slice %arg5[%mul3A_11, %dma_wait3A_57] : memref<2624x128xi32, #tpu.memory_space<hbm>> -> memref<82x128xi32, #tpu.memory_space<hbm>>
      tpu.wait_dma2 semaphore(%run_scoped3A : memref<!tpu.dma_semaphore, #tpu.memory_space<semaphore_mem>>) src(%dma_wait3A_58 : memref<82x128xi32, #tpu.memory_space<hbm>>) dst(%arg10 : memref<82x128xi32, #tpu.memory_space<vmem>>)
      tpu.yield
    }) : () -> ()
    %barrier3A = arith.constant 0 : index
    tpu.barrier barrier_id(%barrier3A)
    %dma_start3A = arith.constant 0 : i32
    %dma_start3A_12 = arith.constant 0 : i32
    %dma_start3A_13 = tpu.memref_slice %arg9[%dma_start3A, %dma_start3A_12] : memref<82x128xi32, #tpu.memory_space<vmem>> -> memref<1x128xi32, #tpu.memory_space<vmem>>
    %dma_start3A_14 = tpu.memref_squeeze %dma_start3A_13 : memref<1x128xi32, #tpu.memory_space<vmem>> -> memref<128xi32, #tpu.memory_space<vmem>>
    %dma_start3A_15 = arith.constant 0 : i32
    %dma_start3A_16 = arith.constant 0 : i32
    %dma_start3A_17 = tpu.memref_slice %arg2[%dma_start3A_15, %dma_start3A_16] : memref<10000x48xf32, #tpu.memory_space<hbm>> -> memref<10000x48xf32, #tpu.memory_space<hbm>>
    tpu.enqueue_indirect_dma source(%dma_start3A_17 : memref<10000x48xf32, #tpu.memory_space<hbm>>) target(%arg11 : memref<128x48xf32, #tpu.memory_space<vmem>>) offsets(%dma_start3A_14 : memref<128xi32, #tpu.memory_space<vmem>>) semaphore(%arg17 : memref<!tpu.dma_semaphore, #tpu.memory_space<semaphore_mem>>)
    %dma_start3A_18 = arith.constant 0 : i32
    %dma_start3A_19 = arith.constant 0 : i32
    %dma_start3A_20 = tpu.memref_slice %arg10[%dma_start3A_18, %dma_start3A_19] : memref<82x128xi32, #tpu.memory_space<vmem>> -> memref<1x128xi32, #tpu.memory_space<vmem>>
    %dma_start3A_21 = tpu.memref_squeeze %dma_start3A_20 : memref<1x128xi32, #tpu.memory_space<vmem>> -> memref<128xi32, #tpu.memory_space<vmem>>
    %dma_start3A_22 = arith.constant 0 : i32
    %dma_start3A_23 = arith.constant 0 : i32
    %dma_start3A_24 = tpu.memref_slice %arg3[%dma_start3A_22, %dma_start3A_23] : memref<10240x16xf32, #tpu.memory_space<hbm>> -> memref<10240x16xf32, #tpu.memory_space<hbm>>
    tpu.enqueue_indirect_dma source(%dma_start3A_24 : memref<10240x16xf32, #tpu.memory_space<hbm>>) target(%arg12 : memref<128x16xf32, #tpu.memory_space<vmem>>) offsets(%dma_start3A_21 : memref<128xi32, #tpu.memory_space<vmem>>) semaphore(%arg18 : memref<!tpu.dma_semaphore, #tpu.memory_space<semaphore_mem>>)
    %scan3A_25 = arith.constant 0 : i32
    %scan3A_26 = arith.constant 0 : i32
    %scan3A_27 = arith.constant 41 : i32
    %scan3A_28 = arith.addi %scan3A_26, %scan3A_27 : i32
    %scan3A_29 = arith.constant 1 : i32
    scf.for %scan3A_51 = %scan3A_26 to %scan3A_28 step %scan3A_29  : i32 {
      %mul3A_52 = arith.constant 2 : i32
      %mul3A_53 = arith.muli %mul3A_52, %scan3A_51 : i32
      %add3A_54 = arith.constant 1 : i32
      %add3A_55 = arith.addi %mul3A_53, %add3A_54 : i32
      %add3A_56 = arith.constant 2 : i32
      %add3A_57 = arith.addi %mul3A_53, %add3A_56 : i32
      %dma_start3A_58 = arith.constant 0 : i32
      %dma_start3A_59 = tpu.memref_slice %arg9[%add3A_55, %dma_start3A_58] : memref<82x128xi32, #tpu.memory_space<vmem>> -> memref<1x128xi32, #tpu.memory_space<vmem>>
      %dma_start3A_60 = tpu.memref_squeeze %dma_start3A_59 : memref<1x128xi32, #tpu.memory_space<vmem>> -> memref<128xi32, #tpu.memory_space<vmem>>
      %dma_start3A_61 = arith.constant 0 : i32
      %dma_start3A_62 = arith.constant 0 : i32
      %dma_start3A_63 = tpu.memref_slice %arg2[%dma_start3A_61, %dma_start3A_62] : memref<10000x48xf32, #tpu.memory_space<hbm>> -> memref<10000x48xf32, #tpu.memory_space<hbm>>
      tpu.enqueue_indirect_dma source(%dma_start3A_63 : memref<10000x48xf32, #tpu.memory_space<hbm>>) target(%arg14 : memref<128x48xf32, #tpu.memory_space<vmem>>) offsets(%dma_start3A_60 : memref<128xi32, #tpu.memory_space<vmem>>) semaphore(%arg19 : memref<!tpu.dma_semaphore, #tpu.memory_space<semaphore_mem>>)
      %dma_start3A_64 = arith.constant 0 : i32
      %dma_start3A_65 = tpu.memref_slice %arg10[%add3A_55, %dma_start3A_64] : memref<82x128xi32, #tpu.memory_space<vmem>> -> memref<1x128xi32, #tpu.memory_space<vmem>>
      %dma_start3A_66 = tpu.memref_squeeze %dma_start3A_65 : memref<1x128xi32, #tpu.memory_space<vmem>> -> memref<128xi32, #tpu.memory_space<vmem>>
      %dma_start3A_67 = arith.constant 0 : i32
      %dma_start3A_68 = arith.constant 0 : i32
      %dma_start3A_69 = tpu.memref_slice %arg3[%dma_start3A_67, %dma_start3A_68] : memref<10240x16xf32, #tpu.memory_space<hbm>> -> memref<10240x16xf32, #tpu.memory_space<hbm>>
      tpu.enqueue_indirect_dma source(%dma_start3A_69 : memref<10240x16xf32, #tpu.memory_space<hbm>>) target(%arg15 : memref<128x16xf32, #tpu.memory_space<vmem>>) offsets(%dma_start3A_66 : memref<128xi32, #tpu.memory_space<vmem>>) semaphore(%arg20 : memref<!tpu.dma_semaphore, #tpu.memory_space<semaphore_mem>>)
      %dma_wait3A_70 = arith.constant 0 : i32
      %dma_wait3A_71 = tpu.memref_slice %arg9[%mul3A_53, %dma_wait3A_70] : memref<82x128xi32, #tpu.memory_space<vmem>> -> memref<1x128xi32, #tpu.memory_space<vmem>>
      %dma_wait3A_72 = tpu.memref_squeeze %dma_wait3A_71 : memref<1x128xi32, #tpu.memory_space<vmem>> -> memref<128xi32, #tpu.memory_space<vmem>>
      %dma_wait3A_73 = arith.constant 0 : i32
      %dma_wait3A_74 = arith.constant 0 : i32
      %dma_wait3A_75 = tpu.memref_slice %arg2[%dma_wait3A_73, %dma_wait3A_74] : memref<10000x48xf32, #tpu.memory_space<hbm>> -> memref<10000x48xf32, #tpu.memory_space<hbm>>
      tpu.wait_indirect_dma semaphore(%arg17 : memref<!tpu.dma_semaphore, #tpu.memory_space<semaphore_mem>>) src(%dma_wait3A_75 : memref<10000x48xf32, #tpu.memory_space<hbm>>) dst(%arg11 : memref<128x48xf32, #tpu.memory_space<vmem>>)
      %dma_wait3A_76 = arith.constant 0 : i32
      %dma_wait3A_77 = tpu.memref_slice %arg10[%mul3A_53, %dma_wait3A_76] : memref<82x128xi32, #tpu.memory_space<vmem>> -> memref<1x128xi32, #tpu.memory_space<vmem>>
      %dma_wait3A_78 = tpu.memref_squeeze %dma_wait3A_77 : memref<1x128xi32, #tpu.memory_space<vmem>> -> memref<128xi32, #tpu.memory_space<vmem>>
      %dma_wait3A_79 = arith.constant 0 : i32
      %dma_wait3A_80 = arith.constant 0 : i32
      %dma_wait3A_81 = tpu.memref_slice %arg3[%dma_wait3A_79, %dma_wait3A_80] : memref<10240x16xf32, #tpu.memory_space<hbm>> -> memref<10240x16xf32, #tpu.memory_space<hbm>>
      tpu.wait_indirect_dma semaphore(%arg18 : memref<!tpu.dma_semaphore, #tpu.memory_space<semaphore_mem>>) src(%dma_wait3A_81 : memref<10240x16xf32, #tpu.memory_space<hbm>>) dst(%arg12 : memref<128x16xf32, #tpu.memory_space<vmem>>)
      %ge3A = arith.constant 1 : i32
      %ge3A_82 = arith.cmpi sge, %scan3A_51, %ge3A : i32
      %convert_element_type3A = arith.extui %ge3A_82 : i1 to i32
      %cond3A = arith.constant 0 : i32
      %cond3A_83 = arith.cmpi ne, %convert_element_type3A, %cond3A : i32
      scf.if %cond3A_83 {
        %dma_wait3A_146 = arith.constant 0 : i32
        %dma_wait3A_147 = tpu.memref_slice %arg10[%mul3A_53, %dma_wait3A_146] : memref<82x128xi32, #tpu.memory_space<vmem>> -> memref<1x128xi32, #tpu.memory_space<vmem>>
        %dma_wait3A_148 = tpu.memref_squeeze %dma_wait3A_147 : memref<1x128xi32, #tpu.memory_space<vmem>> -> memref<128xi32, #tpu.memory_space<vmem>>
        %dma_wait3A_149 = arith.constant 0 : i32
        %dma_wait3A_150 = arith.constant 0 : i32
        %dma_wait3A_151 = tpu.memref_slice %arg8[%dma_wait3A_149, %dma_wait3A_150] : memref<10240x48xf32, #tpu.memory_space<vmem_shared>> -> memref<10240x48xf32, #tpu.memory_space<vmem_shared>>
        tpu.wait_indirect_dma semaphore(%arg21 : memref<!tpu.dma_semaphore, #tpu.memory_space<semaphore_mem>>) src(%arg13 : memref<128x48xf32, #tpu.memory_space<vmem>>) dst(%dma_wait3A_151 : memref<10240x48xf32, #tpu.memory_space<vmem_shared>>)
      } else {
      }
      %iota3A = tpu.iota {dimensions = array<i32: 0>} : vector<16xi32>
      %mul3A_84 = arith.constant 0 : i32
      %mul3A_85 = vector.broadcast %mul3A_84 : i32 to vector<16xi32>
      %mul3A_86 = arith.muli %iota3A, %mul3A_85 : vector<16xi32>
      %add3A_87 = arith.constant 1 : i32
      %add3A_88 = vector.broadcast %add3A_87 : i32 to vector<16xi32>
      %add3A_89 = arith.addi %mul3A_86, %add3A_88 : vector<16xi32>
      %add3A_90 = arith.constant 8 : i32
      %add3A_91 = vector.broadcast %add3A_90 : i32 to vector<16xi32>
      %add3A_92 = arith.addi %mul3A_86, %add3A_91 : vector<16xi32>
      %eq3A = arith.constant 8 : i32
      %eq3A_93 = vector.broadcast %eq3A : i32 to vector<16xi32>
      %eq3A_94 = arith.cmpi eq, %iota3A, %eq3A_93 : vector<16xi32>
      %parallel_loop3A = arith.constant 0 : i32
      %parallel_loop3A_95 = arith.constant 128 : i32
      %parallel_loop3A_96 = arith.constant 1 : i32
      scf.for %parallel_loop3A_146 = %parallel_loop3A to %parallel_loop3A_95 step %parallel_loop3A_96  : i32 {
        %parallel_loop3A_147 = arith.index_cast %parallel_loop3A_146 : i32 to index
        %parallel_loop3A_148 = arith.constant 0 : index
        %parallel_loop3A_149 = tpu.vector_load %arg12[%parallel_loop3A_147, %parallel_loop3A_148] {strides = array<i32>} : memref<128x16xf32, #tpu.memory_space<vmem>>, vector<1x16xf32>,
        %parallel_loop3A_150 = vector.shape_cast %parallel_loop3A_149 : vector<1x16xf32> to vector<16xf32>
        %parallel_loop3A_151 = arith.index_cast %parallel_loop3A_146 : i32 to index
        %parallel_loop3A_152 = arith.constant 32 : index
        %parallel_loop3A_153 = tpu.vector_load %arg11[%parallel_loop3A_151, %parallel_loop3A_152] {strides = array<i32>} : memref<128x48xf32, #tpu.memory_space<vmem>>, vector<1x16xf32>,
        %parallel_loop3A_154 = vector.shape_cast %parallel_loop3A_153 : vector<1x16xf32> to vector<16xf32>
        %parallel_loop3A_155 = vector.shape_cast %add3A_92 : vector<16xi32> to vector<16x1xi32>
        %parallel_loop3A_156 = vector.shape_cast %parallel_loop3A_155 : vector<16x1xi32> to vector<16xi32>
        %parallel_loop3A_157 = tpu.dynamic_gather %parallel_loop3A_154[%parallel_loop3A_156] in [0] : vector<16xf32>, vector<16xi32> -> vector<16xf32>
        %parallel_loop3A_158 = vector.shape_cast %mul3A_86 : vector<16xi32> to vector<16x1xi32>
        %parallel_loop3A_159 = vector.shape_cast %parallel_loop3A_158 : vector<16x1xi32> to vector<16xi32>
        %parallel_loop3A_160 = tpu.dynamic_gather %parallel_loop3A_150[%parallel_loop3A_159] in [0] : vector<16xf32>, vector<16xi32> -> vector<16xf32>
        %parallel_loop3A_161 = arith.addf %parallel_loop3A_157, %parallel_loop3A_160 : vector<16xf32>
        %parallel_loop3A_162 = arith.constant 2.000000e-01 : f32
        %parallel_loop3A_163 = vector.broadcast %parallel_loop3A_162 : f32 to vector<16xf32>
        %parallel_loop3A_164 = arith.mulf %parallel_loop3A_163, %parallel_loop3A_161 : vector<16xf32>
        %parallel_loop3A_165 = arith.maximumf %parallel_loop3A_161, %parallel_loop3A_164 : vector<16xf32>
        %parallel_loop3A_166 = vector.shape_cast %add3A_89 : vector<16xi32> to vector<16x1xi32>
        %parallel_loop3A_167 = vector.shape_cast %parallel_loop3A_166 : vector<16x1xi32> to vector<16xi32>
        %parallel_loop3A_168 = tpu.dynamic_gather %parallel_loop3A_150[%parallel_loop3A_167] in [0] : vector<16xf32>, vector<16xi32> -> vector<16xf32>
        %parallel_loop3A_169 = arith.subf %parallel_loop3A_165, %parallel_loop3A_168 : vector<16xf32>
        %parallel_loop3A_170 = math.exp %parallel_loop3A_169 : vector<16xf32>
        %parallel_loop3A_171 = arith.index_cast %parallel_loop3A_146 : i32 to index
        %parallel_loop3A_172 = arith.constant 0 : index
        %parallel_loop3A_173 = tpu.vector_load %arg11[%parallel_loop3A_171, %parallel_loop3A_172] {strides = array<i32>} : memref<128x48xf32, #tpu.memory_space<vmem>>, vector<1x16xf32>,
        %parallel_loop3A_174 = vector.shape_cast %parallel_loop3A_173 : vector<1x16xf32> to vector<16xf32>
        %parallel_loop3A_175 = arith.mulf %parallel_loop3A_174, %parallel_loop3A_170 : vector<16xf32>
        %parallel_loop3A_176 = arith.index_cast %parallel_loop3A_146 : i32 to index
        %parallel_loop3A_177 = arith.constant 0 : index
        %parallel_loop3A_178 = tpu.vector_load %arg13[%parallel_loop3A_176, %parallel_loop3A_177] {strides = array<i32>} : memref<128x48xf32, #tpu.memory_space<vmem>>, vector<1x16xf32>,
        %parallel_loop3A_179 = vector.shape_cast %parallel_loop3A_178 : vector<1x16xf32> to vector<16xf32>
        %parallel_loop3A_180 = vector.shape_cast %parallel_loop3A_175 : vector<16xf32> to vector<1x16xf32>
        tpu.vector_store %arg13[%parallel_loop3A_176, %parallel_loop3A_177], %parallel_loop3A_180 {strides = array<i32>} : memref<128x48xf32, #tpu.memory_space<vmem>>, vector<1x16xf32>,
        %parallel_loop3A_181 = arith.index_cast %parallel_loop3A_146 : i32 to index
        %parallel_loop3A_182 = arith.constant 16 : index
        %parallel_loop3A_183 = tpu.vector_load %arg11[%parallel_loop3A_181, %parallel_loop3A_182] {strides = array<i32>} : memref<128x48xf32, #tpu.memory_space<vmem>>, vector<1x16xf32>,
        %parallel_loop3A_184 = vector.shape_cast %parallel_loop3A_183 : vector<1x16xf32> to vector<16xf32>
        %parallel_loop3A_185 = arith.mulf %parallel_loop3A_184, %parallel_loop3A_170 : vector<16xf32>
        %parallel_loop3A_186 = arith.index_cast %parallel_loop3A_146 : i32 to index
        %parallel_loop3A_187 = arith.constant 16 : index
        %parallel_loop3A_188 = tpu.vector_load %arg13[%parallel_loop3A_186, %parallel_loop3A_187] {strides = array<i32>} : memref<128x48xf32, #tpu.memory_space<vmem>>, vector<1x16xf32>,
        %parallel_loop3A_189 = vector.shape_cast %parallel_loop3A_188 : vector<1x16xf32> to vector<16xf32>
        %parallel_loop3A_190 = vector.shape_cast %parallel_loop3A_185 : vector<16xf32> to vector<1x16xf32>
        tpu.vector_store %arg13[%parallel_loop3A_186, %parallel_loop3A_187], %parallel_loop3A_190 {strides = array<i32>} : memref<128x48xf32, #tpu.memory_space<vmem>>, vector<1x16xf32>,
        %parallel_loop3A_191 = arith.mulf %parallel_loop3A_154, %parallel_loop3A_170 : vector<16xf32>
        %parallel_loop3A_192 = arith.select %eq3A_94, %parallel_loop3A_170, %parallel_loop3A_191 : vector<16xi1>, vector<16xf32>
        %parallel_loop3A_193 = arith.index_cast %parallel_loop3A_146 : i32 to index
        %parallel_loop3A_194 = arith.constant 32 : index
        %parallel_loop3A_195 = tpu.vector_load %arg13[%parallel_loop3A_193, %parallel_loop3A_194] {strides = array<i32>} : memref<128x48xf32, #tpu.memory_space<vmem>>, vector<1x16xf32>,
        %parallel_loop3A_196 = vector.shape_cast %parallel_loop3A_195 : vector<1x16xf32> to vector<16xf32>
        %parallel_loop3A_197 = vector.shape_cast %parallel_loop3A_192 : vector<16xf32> to vector<1x16xf32>
        tpu.vector_store %arg13[%parallel_loop3A_193, %parallel_loop3A_194], %parallel_loop3A_197 {strides = array<i32>} : memref<128x48xf32, #tpu.memory_space<vmem>>, vector<1x16xf32>,
      } {sc.loop_unroll_factor = 4 : i64, sc.parallel_access}
      %dma_start3A_97 = arith.constant 0 : i32
      %dma_start3A_98 = tpu.memref_slice %arg10[%mul3A_53, %dma_start3A_97] : memref<82x128xi32, #tpu.memory_space<vmem>> -> memref<1x128xi32, #tpu.memory_space<vmem>>
      %dma_start3A_99 = tpu.memref_squeeze %dma_start3A_98 : memref<1x128xi32, #tpu.memory_space<vmem>> -> memref<128xi32, #tpu.memory_space<vmem>>
      %dma_start3A_100 = arith.constant 0 : i32
      %dma_start3A_101 = arith.constant 0 : i32
      %dma_start3A_102 = tpu.memref_slice %arg8[%dma_start3A_100, %dma_start3A_101] : memref<10240x48xf32, #tpu.memory_space<vmem_shared>> -> memref<10240x48xf32, #tpu.memory_space<vmem_shared>>
      tpu.enqueue_indirect_dma source(%arg13 : memref<128x48xf32, #tpu.memory_space<vmem>>) target(%dma_start3A_102 : memref<10240x48xf32, #tpu.memory_space<vmem_shared>>) offsets(%dma_start3A_99 : memref<128xi32, #tpu.memory_space<vmem>>) semaphore(%arg21 : memref<!tpu.dma_semaphore, #tpu.memory_space<semaphore_mem>>) {add = true}
      %lt3A = arith.constant 82 : i32
      %lt3A_103 = arith.cmpi slt, %add3A_57, %lt3A : i32
      %convert_element_type3A_104 = arith.extui %lt3A_103 : i1 to i32
      %cond3A_105 = arith.constant 0 : i32
      %cond3A_106 = arith.cmpi ne, %convert_element_type3A_104, %cond3A_105 : i32
      scf.if %cond3A_106 {
        %dma_start3A_146 = arith.constant 0 : i32
        %dma_start3A_147 = tpu.memref_slice %arg9[%add3A_57, %dma_start3A_146] : memref<82x128xi32, #tpu.memory_space<vmem>> -> memref<1x128xi32, #tpu.memory_space<vmem>>
        %dma_start3A_148 = tpu.memref_squeeze %dma_start3A_147 : memref<1x128xi32, #tpu.memory_space<vmem>> -> memref<128xi32, #tpu.memory_space<vmem>>
        %dma_start3A_149 = arith.constant 0 : i32
        %dma_start3A_150 = arith.constant 0 : i32
        %dma_start3A_151 = tpu.memref_slice %arg2[%dma_start3A_149, %dma_start3A_150] : memref<10000x48xf32, #tpu.memory_space<hbm>> -> memref<10000x48xf32, #tpu.memory_space<hbm>>
        tpu.enqueue_indirect_dma source(%dma_start3A_151 : memref<10000x48xf32, #tpu.memory_space<hbm>>) target(%arg11 : memref<128x48xf32, #tpu.memory_space<vmem>>) offsets(%dma_start3A_148 : memref<128xi32, #tpu.memory_space<vmem>>) semaphore(%arg17 : memref<!tpu.dma_semaphore, #tpu.memory_space<semaphore_mem>>)
        %dma_start3A_152 = arith.constant 0 : i32
        %dma_start3A_153 = tpu.memref_slice %arg10[%add3A_57, %dma_start3A_152] : memref<82x128xi32, #tpu.memory_space<vmem>> -> memref<1x128xi32, #tpu.memory_space<vmem>>
        %dma_start3A_154 = tpu.memref_squeeze %dma_start3A_153 : memref<1x128xi32, #tpu.memory_space<vmem>> -> memref<128xi32, #tpu.memory_space<vmem>>
        %dma_start3A_155 = arith.constant 0 : i32
        %dma_start3A_156 = arith.constant 0 : i32
        %dma_start3A_157 = tpu.memref_slice %arg3[%dma_start3A_155, %dma_start3A_156] : memref<10240x16xf32, #tpu.memory_space<hbm>> -> memref<10240x16xf32, #tpu.memory_space<hbm>>
        tpu.enqueue_indirect_dma source(%dma_start3A_157 : memref<10240x16xf32, #tpu.memory_space<hbm>>) target(%arg12 : memref<128x16xf32, #tpu.memory_space<vmem>>) offsets(%dma_start3A_154 : memref<128xi32, #tpu.memory_space<vmem>>) semaphore(%arg18 : memref<!tpu.dma_semaphore, #tpu.memory_space<semaphore_mem>>)
      } else {
      }
      %dma_wait3A_107 = arith.constant 0 : i32
      %dma_wait3A_108 = tpu.memref_slice %arg9[%add3A_55, %dma_wait3A_107] : memref<82x128xi32, #tpu.memory_space<vmem>> -> memref<1x128xi32, #tpu.memory_space<vmem>>
      %dma_wait3A_109 = tpu.memref_squeeze %dma_wait3A_108 : memref<1x128xi32, #tpu.memory_space<vmem>> -> memref<128xi32, #tpu.memory_space<vmem>>
      %dma_wait3A_110 = arith.constant 0 : i32
      %dma_wait3A_111 = arith.constant 0 : i32
      %dma_wait3A_112 = tpu.memref_slice %arg2[%dma_wait3A_110, %dma_wait3A_111] : memref<10000x48xf32, #tpu.memory_space<hbm>> -> memref<10000x48xf32, #tpu.memory_space<hbm>>
      tpu.wait_indirect_dma semaphore(%arg19 : memref<!tpu.dma_semaphore, #tpu.memory_space<semaphore_mem>>) src(%dma_wait3A_112 : memref<10000x48xf32, #tpu.memory_space<hbm>>) dst(%arg14 : memref<128x48xf32, #tpu.memory_space<vmem>>)
      %dma_wait3A_113 = arith.constant 0 : i32
      %dma_wait3A_114 = tpu.memref_slice %arg10[%add3A_55, %dma_wait3A_113] : memref<82x128xi32, #tpu.memory_space<vmem>> -> memref<1x128xi32, #tpu.memory_space<vmem>>
      %dma_wait3A_115 = tpu.memref_squeeze %dma_wait3A_114 : memref<1x128xi32, #tpu.memory_space<vmem>> -> memref<128xi32, #tpu.memory_space<vmem>>
      %dma_wait3A_116 = arith.constant 0 : i32
      %dma_wait3A_117 = arith.constant 0 : i32
      %dma_wait3A_118 = tpu.memref_slice %arg3[%dma_wait3A_116, %dma_wait3A_117] : memref<10240x16xf32, #tpu.memory_space<hbm>> -> memref<10240x16xf32, #tpu.memory_space<hbm>>
      tpu.wait_indirect_dma semaphore(%arg20 : memref<!tpu.dma_semaphore, #tpu.memory_space<semaphore_mem>>) src(%dma_wait3A_118 : memref<10240x16xf32, #tpu.memory_space<hbm>>) dst(%arg15 : memref<128x16xf32, #tpu.memory_space<vmem>>)
      %ge3A_119 = arith.constant 1 : i32
      %ge3A_120 = arith.cmpi sge, %scan3A_51, %ge3A_119 : i32
      %convert_element_type3A_121 = arith.extui %ge3A_120 : i1 to i32
      %cond3A_122 = arith.constant 0 : i32
      %cond3A_123 = arith.cmpi ne, %convert_element_type3A_121, %cond3A_122 : i32
      scf.if %cond3A_123 {
        %dma_wait3A_146 = arith.constant 0 : i32
        %dma_wait3A_147 = tpu.memref_slice %arg10[%add3A_55, %dma_wait3A_146] : memref<82x128xi32, #tpu.memory_space<vmem>> -> memref<1x128xi32, #tpu.memory_space<vmem>>
        %dma_wait3A_148 = tpu.memref_squeeze %dma_wait3A_147 : memref<1x128xi32, #tpu.memory_space<vmem>> -> memref<128xi32, #tpu.memory_space<vmem>>
        %dma_wait3A_149 = arith.constant 0 : i32
        %dma_wait3A_150 = arith.constant 0 : i32
        %dma_wait3A_151 = tpu.memref_slice %arg8[%dma_wait3A_149, %dma_wait3A_150] : memref<10240x48xf32, #tpu.memory_space<vmem_shared>> -> memref<10240x48xf32, #tpu.memory_space<vmem_shared>>
        tpu.wait_indirect_dma semaphore(%arg22 : memref<!tpu.dma_semaphore, #tpu.memory_space<semaphore_mem>>) src(%arg16 : memref<128x48xf32, #tpu.memory_space<vmem>>) dst(%dma_wait3A_151 : memref<10240x48xf32, #tpu.memory_space<vmem_shared>>)
      } else {
      }
      %iota3A_124 = tpu.iota {dimensions = array<i32: 0>} : vector<16xi32>
      %mul3A_125 = arith.constant 0 : i32
      %mul3A_126 = vector.broadcast %mul3A_125 : i32 to vector<16xi32>
      %mul3A_127 = arith.muli %iota3A_124, %mul3A_126 : vector<16xi32>
      %add3A_128 = arith.constant 1 : i32
      %add3A_129 = vector.broadcast %add3A_128 : i32 to vector<16xi32>
      %add3A_130 = arith.addi %mul3A_127, %add3A_129 : vector<16xi32>
      %add3A_131 = arith.constant 8 : i32
      %add3A_132 = vector.broadcast %add3A_131 : i32 to vector<16xi32>
      %add3A_133 = arith.addi %mul3A_127, %add3A_132 : vector<16xi32>
      %eq3A_134 = arith.constant 8 : i32
      %eq3A_135 = vector.broadcast %eq3A_134 : i32 to vector<16xi32>
      %eq3A_136 = arith.cmpi eq, %iota3A_124, %eq3A_135 : vector<16xi32>
      %parallel_loop3A_137 = arith.constant 0 : i32
      %parallel_loop3A_138 = arith.constant 128 : i32
      %parallel_loop3A_139 = arith.constant 1 : i32
      scf.for %parallel_loop3A_146 = %parallel_loop3A_137 to %parallel_loop3A_138 step %parallel_loop3A_139  : i32 {
        %parallel_loop3A_147 = arith.index_cast %parallel_loop3A_146 : i32 to index
        %parallel_loop3A_148 = arith.constant 0 : index
        %parallel_loop3A_149 = tpu.vector_load %arg15[%parallel_loop3A_147, %parallel_loop3A_148] {strides = array<i32>} : memref<128x16xf32, #tpu.memory_space<vmem>>, vector<1x16xf32>,
        %parallel_loop3A_150 = vector.shape_cast %parallel_loop3A_149 : vector<1x16xf32> to vector<16xf32>
        %parallel_loop3A_151 = arith.index_cast %parallel_loop3A_146 : i32 to index
        %parallel_loop3A_152 = arith.constant 32 : index
        %parallel_loop3A_153 = tpu.vector_load %arg14[%parallel_loop3A_151, %parallel_loop3A_152] {strides = array<i32>} : memref<128x48xf32, #tpu.memory_space<vmem>>, vector<1x16xf32>,
        %parallel_loop3A_154 = vector.shape_cast %parallel_loop3A_153 : vector<1x16xf32> to vector<16xf32>
        %parallel_loop3A_155 = vector.shape_cast %add3A_133 : vector<16xi32> to vector<16x1xi32>
        %parallel_loop3A_156 = vector.shape_cast %parallel_loop3A_155 : vector<16x1xi32> to vector<16xi32>
        %parallel_loop3A_157 = tpu.dynamic_gather %parallel_loop3A_154[%parallel_loop3A_156] in [0] : vector<16xf32>, vector<16xi32> -> vector<16xf32>
        %parallel_loop3A_158 = vector.shape_cast %mul3A_127 : vector<16xi32> to vector<16x1xi32>
        %parallel_loop3A_159 = vector.shape_cast %parallel_loop3A_158 : vector<16x1xi32> to vector<16xi32>
        %parallel_loop3A_160 = tpu.dynamic_gather %parallel_loop3A_150[%parallel_loop3A_159] in [0] : vector<16xf32>, vector<16xi32> -> vector<16xf32>
        %parallel_loop3A_161 = arith.addf %parallel_loop3A_157, %parallel_loop3A_160 : vector<16xf32>
        %parallel_loop3A_162 = arith.constant 2.000000e-01 : f32
        %parallel_loop3A_163 = vector.broadcast %parallel_loop3A_162 : f32 to vector<16xf32>
        %parallel_loop3A_164 = arith.mulf %parallel_loop3A_163, %parallel_loop3A_161 : vector<16xf32>
        %parallel_loop3A_165 = arith.maximumf %parallel_loop3A_161, %parallel_loop3A_164 : vector<16xf32>
        %parallel_loop3A_166 = vector.shape_cast %add3A_130 : vector<16xi32> to vector<16x1xi32>
        %parallel_loop3A_167 = vector.shape_cast %parallel_loop3A_166 : vector<16x1xi32> to vector<16xi32>
        %parallel_loop3A_168 = tpu.dynamic_gather %parallel_loop3A_150[%parallel_loop3A_167] in [0] : vector<16xf32>, vector<16xi32> -> vector<16xf32>
        %parallel_loop3A_169 = arith.subf %parallel_loop3A_165, %parallel_loop3A_168 : vector<16xf32>
        %parallel_loop3A_170 = math.exp %parallel_loop3A_169 : vector<16xf32>
        %parallel_loop3A_171 = arith.index_cast %parallel_loop3A_146 : i32 to index
        %parallel_loop3A_172 = arith.constant 0 : index
        %parallel_loop3A_173 = tpu.vector_load %arg14[%parallel_loop3A_171, %parallel_loop3A_172] {strides = array<i32>} : memref<128x48xf32, #tpu.memory_space<vmem>>, vector<1x16xf32>,
        %parallel_loop3A_174 = vector.shape_cast %parallel_loop3A_173 : vector<1x16xf32> to vector<16xf32>
        %parallel_loop3A_175 = arith.mulf %parallel_loop3A_174, %parallel_loop3A_170 : vector<16xf32>
        %parallel_loop3A_176 = arith.index_cast %parallel_loop3A_146 : i32 to index
        %parallel_loop3A_177 = arith.constant 0 : index
        %parallel_loop3A_178 = tpu.vector_load %arg16[%parallel_loop3A_176, %parallel_loop3A_177] {strides = array<i32>} : memref<128x48xf32, #tpu.memory_space<vmem>>, vector<1x16xf32>,
        %parallel_loop3A_179 = vector.shape_cast %parallel_loop3A_178 : vector<1x16xf32> to vector<16xf32>
        %parallel_loop3A_180 = vector.shape_cast %parallel_loop3A_175 : vector<16xf32> to vector<1x16xf32>
        tpu.vector_store %arg16[%parallel_loop3A_176, %parallel_loop3A_177], %parallel_loop3A_180 {strides = array<i32>} : memref<128x48xf32, #tpu.memory_space<vmem>>, vector<1x16xf32>,
        %parallel_loop3A_181 = arith.index_cast %parallel_loop3A_146 : i32 to index
        %parallel_loop3A_182 = arith.constant 16 : index
        %parallel_loop3A_183 = tpu.vector_load %arg14[%parallel_loop3A_181, %parallel_loop3A_182] {strides = array<i32>} : memref<128x48xf32, #tpu.memory_space<vmem>>, vector<1x16xf32>,
        %parallel_loop3A_184 = vector.shape_cast %parallel_loop3A_183 : vector<1x16xf32> to vector<16xf32>
        %parallel_loop3A_185 = arith.mulf %parallel_loop3A_184, %parallel_loop3A_170 : vector<16xf32>
        %parallel_loop3A_186 = arith.index_cast %parallel_loop3A_146 : i32 to index
        %parallel_loop3A_187 = arith.constant 16 : index
        %parallel_loop3A_188 = tpu.vector_load %arg16[%parallel_loop3A_186, %parallel_loop3A_187] {strides = array<i32>} : memref<128x48xf32, #tpu.memory_space<vmem>>, vector<1x16xf32>,
        %parallel_loop3A_189 = vector.shape_cast %parallel_loop3A_188 : vector<1x16xf32> to vector<16xf32>
        %parallel_loop3A_190 = vector.shape_cast %parallel_loop3A_185 : vector<16xf32> to vector<1x16xf32>
        tpu.vector_store %arg16[%parallel_loop3A_186, %parallel_loop3A_187], %parallel_loop3A_190 {strides = array<i32>} : memref<128x48xf32, #tpu.memory_space<vmem>>, vector<1x16xf32>,
        %parallel_loop3A_191 = arith.mulf %parallel_loop3A_154, %parallel_loop3A_170 : vector<16xf32>
        %parallel_loop3A_192 = arith.select %eq3A_136, %parallel_loop3A_170, %parallel_loop3A_191 : vector<16xi1>, vector<16xf32>
        %parallel_loop3A_193 = arith.index_cast %parallel_loop3A_146 : i32 to index
        %parallel_loop3A_194 = arith.constant 32 : index
        %parallel_loop3A_195 = tpu.vector_load %arg16[%parallel_loop3A_193, %parallel_loop3A_194] {strides = array<i32>} : memref<128x48xf32, #tpu.memory_space<vmem>>, vector<1x16xf32>,
        %parallel_loop3A_196 = vector.shape_cast %parallel_loop3A_195 : vector<1x16xf32> to vector<16xf32>
        %parallel_loop3A_197 = vector.shape_cast %parallel_loop3A_192 : vector<16xf32> to vector<1x16xf32>
        tpu.vector_store %arg16[%parallel_loop3A_193, %parallel_loop3A_194], %parallel_loop3A_197 {strides = array<i32>} : memref<128x48xf32, #tpu.memory_space<vmem>>, vector<1x16xf32>,
      } {sc.loop_unroll_factor = 4 : i64, sc.parallel_access}
      %dma_start3A_140 = arith.constant 0 : i32
      %dma_start3A_141 = tpu.memref_slice %arg10[%add3A_55, %dma_start3A_140] : memref<82x128xi32, #tpu.memory_space<vmem>> -> memref<1x128xi32, #tpu.memory_space<vmem>>
      %dma_start3A_142 = tpu.memref_squeeze %dma_start3A_141 : memref<1x128xi32, #tpu.memory_space<vmem>> -> memref<128xi32, #tpu.memory_space<vmem>>
      %dma_start3A_143 = arith.constant 0 : i32
      %dma_start3A_144 = arith.constant 0 : i32
      %dma_start3A_145 = tpu.memref_slice %arg8[%dma_start3A_143, %dma_start3A_144] : memref<10240x48xf32, #tpu.memory_space<vmem_shared>> -> memref<10240x48xf32, #tpu.memory_space<vmem_shared>>
      tpu.enqueue_indirect_dma source(%arg16 : memref<128x48xf32, #tpu.memory_space<vmem>>) target(%dma_start3A_145 : memref<10240x48xf32, #tpu.memory_space<vmem_shared>>) offsets(%dma_start3A_142 : memref<128xi32, #tpu.memory_space<vmem>>) semaphore(%arg22 : memref<!tpu.dma_semaphore, #tpu.memory_space<semaphore_mem>>) {add = true}
    }
    %scan3A_30 = arith.constant 41 : i32
    %dma_wait3A = arith.constant 0 : i32
    %dma_wait3A_31 = arith.constant 0 : i32
    %dma_wait3A_32 = tpu.memref_slice %arg10[%dma_wait3A, %dma_wait3A_31] : memref<82x128xi32, #tpu.memory_space<vmem>> -> memref<1x128xi32, #tpu.memory_space<vmem>>
    %dma_wait3A_33 = tpu.memref_squeeze %dma_wait3A_32 : memref<1x128xi32, #tpu.memory_space<vmem>> -> memref<128xi32, #tpu.memory_space<vmem>>
    %dma_wait3A_34 = arith.constant 0 : i32
    %dma_wait3A_35 = arith.constant 0 : i32
    %dma_wait3A_36 = tpu.memref_slice %arg8[%dma_wait3A_34, %dma_wait3A_35] : memref<10240x48xf32, #tpu.memory_space<vmem_shared>> -> memref<10240x48xf32, #tpu.memory_space<vmem_shared>>
    tpu.wait_indirect_dma semaphore(%arg21 : memref<!tpu.dma_semaphore, #tpu.memory_space<semaphore_mem>>) src(%arg13 : memref<128x48xf32, #tpu.memory_space<vmem>>) dst(%dma_wait3A_36 : memref<10240x48xf32, #tpu.memory_space<vmem_shared>>)
    %dma_wait3A_37 = arith.constant 1 : i32
    %dma_wait3A_38 = arith.constant 0 : i32
    %dma_wait3A_39 = tpu.memref_slice %arg10[%dma_wait3A_37, %dma_wait3A_38] : memref<82x128xi32, #tpu.memory_space<vmem>> -> memref<1x128xi32, #tpu.memory_space<vmem>>
    %dma_wait3A_40 = tpu.memref_squeeze %dma_wait3A_39 : memref<1x128xi32, #tpu.memory_space<vmem>> -> memref<128xi32, #tpu.memory_space<vmem>>
    %dma_wait3A_41 = arith.constant 0 : i32
    %dma_wait3A_42 = arith.constant 0 : i32
    %dma_wait3A_43 = tpu.memref_slice %arg8[%dma_wait3A_41, %dma_wait3A_42] : memref<10240x48xf32, #tpu.memory_space<vmem_shared>> -> memref<10240x48xf32, #tpu.memory_space<vmem_shared>>
    tpu.wait_indirect_dma semaphore(%arg22 : memref<!tpu.dma_semaphore, #tpu.memory_space<semaphore_mem>>) src(%arg16 : memref<128x48xf32, #tpu.memory_space<vmem>>) dst(%dma_wait3A_43 : memref<10240x48xf32, #tpu.memory_space<vmem_shared>>)
    %barrier3A_44 = arith.constant 0 : index
    tpu.barrier barrier_id(%barrier3A_44)
    %scan3A_45 = arith.constant 0 : i32
    %scan3A_46 = arith.constant 0 : i32
    %scan3A_47 = arith.constant 5 : i32
    %scan3A_48 = arith.addi %scan3A_46, %scan3A_47 : i32
    %scan3A_49 = arith.constant 1 : i32
    scf.for %scan3A_51 = %scan3A_46 to %scan3A_48 step %scan3A_49  : i32 {
      %mul3A_52 = arith.constant 128 : i32
      %mul3A_53 = arith.muli %scan3A_51, %mul3A_52 : i32
      %add3A_54 = arith.addi %mul3A_2, %mul3A_53 : i32
      %mul3A_55 = arith.constant 10240 : i32
      %mul3A_56 = arith.muli %arg0, %mul3A_55 : i32
      %add3A_57 = arith.addi %mul3A_56, %mul3A_2 : i32
      %mul3A_58 = arith.constant 128 : i32
      %mul3A_59 = arith.muli %scan3A_51, %mul3A_58 : i32
      %add3A_60 = arith.addi %add3A_57, %mul3A_59 : i32
      "tpu.region"() ({
        %run_scoped3A = tpu.sem_alloc : memref<!tpu.dma_semaphore, #tpu.memory_space<semaphore_mem>>
        %dma_start3A_61 = arith.constant 0 : i32
        %dma_start3A_62 = tpu.memref_slice %arg7[%add3A_60, %dma_start3A_61] : memref<20480x48xf32, #tpu.memory_space<hbm>> -> memref<128x48xf32, #tpu.memory_space<hbm>>
        %dma_start3A_63 = arith.constant 0 : i32
        %dma_start3A_64 = tpu.memref_slice %arg8[%add3A_54, %dma_start3A_63] : memref<10240x48xf32, #tpu.memory_space<vmem_shared>> -> memref<128x48xf32, #tpu.memory_space<vmem_shared>>
        tpu.enqueue_dma source(%dma_start3A_64 : memref<128x48xf32, #tpu.memory_space<vmem_shared>>) target(%dma_start3A_62 : memref<128x48xf32, #tpu.memory_space<hbm>>) target_semaphore(%run_scoped3A : memref<!tpu.dma_semaphore, #tpu.memory_space<semaphore_mem>>)
        %dma_wait3A_65 = arith.constant 0 : i32
        %dma_wait3A_66 = tpu.memref_slice %arg7[%add3A_60, %dma_wait3A_65] : memref<20480x48xf32, #tpu.memory_space<hbm>> -> memref<128x48xf32, #tpu.memory_space<hbm>>
        %dma_wait3A_67 = arith.constant 0 : i32
        %dma_wait3A_68 = tpu.memref_slice %arg8[%add3A_54, %dma_wait3A_67] : memref<10240x48xf32, #tpu.memory_space<vmem_shared>> -> memref<128x48xf32, #tpu.memory_space<vmem_shared>>
        tpu.wait_dma2 semaphore(%run_scoped3A : memref<!tpu.dma_semaphore, #tpu.memory_space<semaphore_mem>>) src(%dma_wait3A_68 : memref<128x48xf32, #tpu.memory_space<vmem_shared>>) dst(%dma_wait3A_66 : memref<128x48xf32, #tpu.memory_space<hbm>>)
        tpu.yield
      }) : () -> ()
    }
    %scan3A_50 = arith.constant 5 : i32
    return
  }
}

#map = affine_map<(d0, d1) -> (0, 0)>
module attributes {stable_mosaic.version = 14 : i64} {
  func.func @_sc1_body(%arg0: i32, %arg1: i32, %arg2: memref<10000x80xf32, #tpu.memory_space<hbm>>, %arg3: memref<10240x16xf32, #tpu.memory_space<hbm>>, %arg4: memref<2624x128xi32, #tpu.memory_space<hbm>>, %arg5: memref<2624x128xi32, #tpu.memory_space<hbm>>, %arg6: memref<10240x80xf32, #tpu.memory_space<hbm>>, %arg7: memref<20480x80xf32, #tpu.memory_space<hbm>>, %arg8: memref<10240x80xf32, #tpu.memory_space<vmem_shared>>, %arg9: memref<82x128xi32, #tpu.memory_space<vmem>>, %arg10: memref<82x128xi32, #tpu.memory_space<vmem>>, %arg11: memref<128x80xf32, #tpu.memory_space<vmem>>, %arg12: memref<128x16xf32, #tpu.memory_space<vmem>>, %arg13: memref<128x80xf32, #tpu.memory_space<vmem>>, %arg14: memref<128x80xf32, #tpu.memory_space<vmem>>, %arg15: memref<128x16xf32, #tpu.memory_space<vmem>>, %arg16: memref<128x80xf32, #tpu.memory_space<vmem>>, %arg17: memref<!tpu.dma_semaphore, #tpu.memory_space<semaphore_mem>>, %arg18: memref<!tpu.dma_semaphore, #tpu.memory_space<semaphore_mem>>, %arg19: memref<!tpu.dma_semaphore, #tpu.memory_space<semaphore_mem>>, %arg20: memref<!tpu.dma_semaphore, #tpu.memory_space<semaphore_mem>>, %arg21: memref<!tpu.dma_semaphore, #tpu.memory_space<semaphore_mem>>, %arg22: memref<!tpu.dma_semaphore, #tpu.memory_space<semaphore_mem>>) attributes {dimension_semantics = [#tpu.dimension_semantics<core_parallel>, #tpu.dimension_semantics<subcore_parallel>], iteration_bounds = array<i64: 2, 16>, scalar_prefetch = 0 : i64, scratch_operands = 15 : i64, tpu.core_type = #tpu.core_type<sc_vector_subcore>, window_params = [{transform_indices = #map}, {transform_indices = #map}, {transform_indices = #map}, {transform_indices = #map}, {transform_indices = #map}, {transform_indices = #map}]} {
    %mul3A = arith.constant 16 : i32
    %mul3A_0 = arith.muli %arg0, %mul3A : i32
    %add3A = arith.addi %mul3A_0, %arg1 : i32
    %mul3A_1 = arith.constant 640 : i32
    %mul3A_2 = arith.muli %arg1, %mul3A_1 : i32
    %scan3A = arith.constant 0 : i32
    %scan3A_3 = arith.constant 0 : i32
    %scan3A_4 = arith.constant 5 : i32
    %scan3A_5 = arith.addi %scan3A_3, %scan3A_4 : i32
    %scan3A_6 = arith.constant 1 : i32
    scf.for %scan3A_51 = %scan3A_3 to %scan3A_5 step %scan3A_6  : i32 {
      %mul3A_52 = arith.constant 128 : i32
      %mul3A_53 = arith.muli %scan3A_51, %mul3A_52 : i32
      %add3A_54 = arith.addi %mul3A_2, %mul3A_53 : i32
      %mul3A_55 = arith.constant 128 : i32
      %mul3A_56 = arith.muli %scan3A_51, %mul3A_55 : i32
      %add3A_57 = arith.addi %mul3A_2, %mul3A_56 : i32
      "tpu.region"() ({
        %run_scoped3A = tpu.sem_alloc : memref<!tpu.dma_semaphore, #tpu.memory_space<semaphore_mem>>
        %dma_start3A_58 = arith.constant 0 : i32
        %dma_start3A_59 = tpu.memref_slice %arg8[%add3A_57, %dma_start3A_58] : memref<10240x80xf32, #tpu.memory_space<vmem_shared>> -> memref<128x80xf32, #tpu.memory_space<vmem_shared>>
        %dma_start3A_60 = arith.constant 0 : i32
        %dma_start3A_61 = tpu.memref_slice %arg6[%add3A_54, %dma_start3A_60] : memref<10240x80xf32, #tpu.memory_space<hbm>> -> memref<128x80xf32, #tpu.memory_space<hbm>>
        tpu.enqueue_dma source(%dma_start3A_61 : memref<128x80xf32, #tpu.memory_space<hbm>>) target(%dma_start3A_59 : memref<128x80xf32, #tpu.memory_space<vmem_shared>>) target_semaphore(%run_scoped3A : memref<!tpu.dma_semaphore, #tpu.memory_space<semaphore_mem>>)
        %dma_wait3A_62 = arith.constant 0 : i32
        %dma_wait3A_63 = tpu.memref_slice %arg8[%add3A_57, %dma_wait3A_62] : memref<10240x80xf32, #tpu.memory_space<vmem_shared>> -> memref<128x80xf32, #tpu.memory_space<vmem_shared>>
        %dma_wait3A_64 = arith.constant 0 : i32
        %dma_wait3A_65 = tpu.memref_slice %arg6[%add3A_54, %dma_wait3A_64] : memref<10240x80xf32, #tpu.memory_space<hbm>> -> memref<128x80xf32, #tpu.memory_space<hbm>>
        tpu.wait_dma2 semaphore(%run_scoped3A : memref<!tpu.dma_semaphore, #tpu.memory_space<semaphore_mem>>) src(%dma_wait3A_65 : memref<128x80xf32, #tpu.memory_space<hbm>>) dst(%dma_wait3A_63 : memref<128x80xf32, #tpu.memory_space<vmem_shared>>)
        tpu.yield
      }) : () -> ()
    }
    %scan3A_7 = arith.constant 5 : i32
    %mul3A_8 = arith.constant 82 : i32
    %mul3A_9 = arith.muli %add3A, %mul3A_8 : i32
    "tpu.region"() ({
      %run_scoped3A = tpu.sem_alloc : memref<!tpu.dma_semaphore, #tpu.memory_space<semaphore_mem>>
      %dma_start3A_51 = arith.constant 0 : i32
      %dma_start3A_52 = tpu.memref_slice %arg4[%mul3A_9, %dma_start3A_51] : memref<2624x128xi32, #tpu.memory_space<hbm>> -> memref<82x128xi32, #tpu.memory_space<hbm>>
      %dma_start3A_53 = arith.constant 0 : i32
      %dma_start3A_54 = tpu.memref_slice %arg4[%mul3A_9, %dma_start3A_53] : memref<2624x128xi32, #tpu.memory_space<hbm>> -> memref<82x128xi32, #tpu.memory_space<hbm>>
      tpu.enqueue_dma source(%dma_start3A_54 : memref<82x128xi32, #tpu.memory_space<hbm>>) target(%arg9 : memref<82x128xi32, #tpu.memory_space<vmem>>) target_semaphore(%run_scoped3A : memref<!tpu.dma_semaphore, #tpu.memory_space<semaphore_mem>>)
      %dma_wait3A_55 = arith.constant 0 : i32
      %dma_wait3A_56 = tpu.memref_slice %arg4[%mul3A_9, %dma_wait3A_55] : memref<2624x128xi32, #tpu.memory_space<hbm>> -> memref<82x128xi32, #tpu.memory_space<hbm>>
      %dma_wait3A_57 = arith.constant 0 : i32
      %dma_wait3A_58 = tpu.memref_slice %arg4[%mul3A_9, %dma_wait3A_57] : memref<2624x128xi32, #tpu.memory_space<hbm>> -> memref<82x128xi32, #tpu.memory_space<hbm>>
      tpu.wait_dma2 semaphore(%run_scoped3A : memref<!tpu.dma_semaphore, #tpu.memory_space<semaphore_mem>>) src(%dma_wait3A_58 : memref<82x128xi32, #tpu.memory_space<hbm>>) dst(%arg9 : memref<82x128xi32, #tpu.memory_space<vmem>>)
      tpu.yield
    }) : () -> ()
    %mul3A_10 = arith.constant 82 : i32
    %mul3A_11 = arith.muli %add3A, %mul3A_10 : i32
    "tpu.region"() ({
      %run_scoped3A = tpu.sem_alloc : memref<!tpu.dma_semaphore, #tpu.memory_space<semaphore_mem>>
      %dma_start3A_51 = arith.constant 0 : i32
      %dma_start3A_52 = tpu.memref_slice %arg5[%mul3A_11, %dma_start3A_51] : memref<2624x128xi32, #tpu.memory_space<hbm>> -> memref<82x128xi32, #tpu.memory_space<hbm>>
      %dma_start3A_53 = arith.constant 0 : i32
      %dma_start3A_54 = tpu.memref_slice %arg5[%mul3A_11, %dma_start3A_53] : memref<2624x128xi32, #tpu.memory_space<hbm>> -> memref<82x128xi32, #tpu.memory_space<hbm>>
      tpu.enqueue_dma source(%dma_start3A_54 : memref<82x128xi32, #tpu.memory_space<hbm>>) target(%arg10 : memref<82x128xi32, #tpu.memory_space<vmem>>) target_semaphore(%run_scoped3A : memref<!tpu.dma_semaphore, #tpu.memory_space<semaphore_mem>>)
      %dma_wait3A_55 = arith.constant 0 : i32
      %dma_wait3A_56 = tpu.memref_slice %arg5[%mul3A_11, %dma_wait3A_55] : memref<2624x128xi32, #tpu.memory_space<hbm>> -> memref<82x128xi32, #tpu.memory_space<hbm>>
      %dma_wait3A_57 = arith.constant 0 : i32
      %dma_wait3A_58 = tpu.memref_slice %arg5[%mul3A_11, %dma_wait3A_57] : memref<2624x128xi32, #tpu.memory_space<hbm>> -> memref<82x128xi32, #tpu.memory_space<hbm>>
      tpu.wait_dma2 semaphore(%run_scoped3A : memref<!tpu.dma_semaphore, #tpu.memory_space<semaphore_mem>>) src(%dma_wait3A_58 : memref<82x128xi32, #tpu.memory_space<hbm>>) dst(%arg10 : memref<82x128xi32, #tpu.memory_space<vmem>>)
      tpu.yield
    }) : () -> ()
    %barrier3A = arith.constant 0 : index
    tpu.barrier barrier_id(%barrier3A)
    %dma_start3A = arith.constant 0 : i32
    %dma_start3A_12 = arith.constant 0 : i32
    %dma_start3A_13 = tpu.memref_slice %arg9[%dma_start3A, %dma_start3A_12] : memref<82x128xi32, #tpu.memory_space<vmem>> -> memref<1x128xi32, #tpu.memory_space<vmem>>
    %dma_start3A_14 = tpu.memref_squeeze %dma_start3A_13 : memref<1x128xi32, #tpu.memory_space<vmem>> -> memref<128xi32, #tpu.memory_space<vmem>>
    %dma_start3A_15 = arith.constant 0 : i32
    %dma_start3A_16 = arith.constant 0 : i32
    %dma_start3A_17 = tpu.memref_slice %arg2[%dma_start3A_15, %dma_start3A_16] : memref<10000x80xf32, #tpu.memory_space<hbm>> -> memref<10000x80xf32, #tpu.memory_space<hbm>>
    tpu.enqueue_indirect_dma source(%dma_start3A_17 : memref<10000x80xf32, #tpu.memory_space<hbm>>) target(%arg11 : memref<128x80xf32, #tpu.memory_space<vmem>>) offsets(%dma_start3A_14 : memref<128xi32, #tpu.memory_space<vmem>>) semaphore(%arg17 : memref<!tpu.dma_semaphore, #tpu.memory_space<semaphore_mem>>)
    %dma_start3A_18 = arith.constant 0 : i32
    %dma_start3A_19 = arith.constant 0 : i32
    %dma_start3A_20 = tpu.memref_slice %arg10[%dma_start3A_18, %dma_start3A_19] : memref<82x128xi32, #tpu.memory_space<vmem>> -> memref<1x128xi32, #tpu.memory_space<vmem>>
    %dma_start3A_21 = tpu.memref_squeeze %dma_start3A_20 : memref<1x128xi32, #tpu.memory_space<vmem>> -> memref<128xi32, #tpu.memory_space<vmem>>
    %dma_start3A_22 = arith.constant 0 : i32
    %dma_start3A_23 = arith.constant 0 : i32
    %dma_start3A_24 = tpu.memref_slice %arg3[%dma_start3A_22, %dma_start3A_23] : memref<10240x16xf32, #tpu.memory_space<hbm>> -> memref<10240x16xf32, #tpu.memory_space<hbm>>
    tpu.enqueue_indirect_dma source(%dma_start3A_24 : memref<10240x16xf32, #tpu.memory_space<hbm>>) target(%arg12 : memref<128x16xf32, #tpu.memory_space<vmem>>) offsets(%dma_start3A_21 : memref<128xi32, #tpu.memory_space<vmem>>) semaphore(%arg18 : memref<!tpu.dma_semaphore, #tpu.memory_space<semaphore_mem>>)
    %scan3A_25 = arith.constant 0 : i32
    %scan3A_26 = arith.constant 0 : i32
    %scan3A_27 = arith.constant 41 : i32
    %scan3A_28 = arith.addi %scan3A_26, %scan3A_27 : i32
    %scan3A_29 = arith.constant 1 : i32
    scf.for %scan3A_51 = %scan3A_26 to %scan3A_28 step %scan3A_29  : i32 {
      %mul3A_52 = arith.constant 2 : i32
      %mul3A_53 = arith.muli %mul3A_52, %scan3A_51 : i32
      %add3A_54 = arith.constant 1 : i32
      %add3A_55 = arith.addi %mul3A_53, %add3A_54 : i32
      %add3A_56 = arith.constant 2 : i32
      %add3A_57 = arith.addi %mul3A_53, %add3A_56 : i32
      %dma_start3A_58 = arith.constant 0 : i32
      %dma_start3A_59 = tpu.memref_slice %arg9[%add3A_55, %dma_start3A_58] : memref<82x128xi32, #tpu.memory_space<vmem>> -> memref<1x128xi32, #tpu.memory_space<vmem>>
      %dma_start3A_60 = tpu.memref_squeeze %dma_start3A_59 : memref<1x128xi32, #tpu.memory_space<vmem>> -> memref<128xi32, #tpu.memory_space<vmem>>
      %dma_start3A_61 = arith.constant 0 : i32
      %dma_start3A_62 = arith.constant 0 : i32
      %dma_start3A_63 = tpu.memref_slice %arg2[%dma_start3A_61, %dma_start3A_62] : memref<10000x80xf32, #tpu.memory_space<hbm>> -> memref<10000x80xf32, #tpu.memory_space<hbm>>
      tpu.enqueue_indirect_dma source(%dma_start3A_63 : memref<10000x80xf32, #tpu.memory_space<hbm>>) target(%arg14 : memref<128x80xf32, #tpu.memory_space<vmem>>) offsets(%dma_start3A_60 : memref<128xi32, #tpu.memory_space<vmem>>) semaphore(%arg19 : memref<!tpu.dma_semaphore, #tpu.memory_space<semaphore_mem>>)
      %dma_start3A_64 = arith.constant 0 : i32
      %dma_start3A_65 = tpu.memref_slice %arg10[%add3A_55, %dma_start3A_64] : memref<82x128xi32, #tpu.memory_space<vmem>> -> memref<1x128xi32, #tpu.memory_space<vmem>>
      %dma_start3A_66 = tpu.memref_squeeze %dma_start3A_65 : memref<1x128xi32, #tpu.memory_space<vmem>> -> memref<128xi32, #tpu.memory_space<vmem>>
      %dma_start3A_67 = arith.constant 0 : i32
      %dma_start3A_68 = arith.constant 0 : i32
      %dma_start3A_69 = tpu.memref_slice %arg3[%dma_start3A_67, %dma_start3A_68] : memref<10240x16xf32, #tpu.memory_space<hbm>> -> memref<10240x16xf32, #tpu.memory_space<hbm>>
      tpu.enqueue_indirect_dma source(%dma_start3A_69 : memref<10240x16xf32, #tpu.memory_space<hbm>>) target(%arg15 : memref<128x16xf32, #tpu.memory_space<vmem>>) offsets(%dma_start3A_66 : memref<128xi32, #tpu.memory_space<vmem>>) semaphore(%arg20 : memref<!tpu.dma_semaphore, #tpu.memory_space<semaphore_mem>>)
      %dma_wait3A_70 = arith.constant 0 : i32
      %dma_wait3A_71 = tpu.memref_slice %arg9[%mul3A_53, %dma_wait3A_70] : memref<82x128xi32, #tpu.memory_space<vmem>> -> memref<1x128xi32, #tpu.memory_space<vmem>>
      %dma_wait3A_72 = tpu.memref_squeeze %dma_wait3A_71 : memref<1x128xi32, #tpu.memory_space<vmem>> -> memref<128xi32, #tpu.memory_space<vmem>>
      %dma_wait3A_73 = arith.constant 0 : i32
      %dma_wait3A_74 = arith.constant 0 : i32
      %dma_wait3A_75 = tpu.memref_slice %arg2[%dma_wait3A_73, %dma_wait3A_74] : memref<10000x80xf32, #tpu.memory_space<hbm>> -> memref<10000x80xf32, #tpu.memory_space<hbm>>
      tpu.wait_indirect_dma semaphore(%arg17 : memref<!tpu.dma_semaphore, #tpu.memory_space<semaphore_mem>>) src(%dma_wait3A_75 : memref<10000x80xf32, #tpu.memory_space<hbm>>) dst(%arg11 : memref<128x80xf32, #tpu.memory_space<vmem>>)
      %dma_wait3A_76 = arith.constant 0 : i32
      %dma_wait3A_77 = tpu.memref_slice %arg10[%mul3A_53, %dma_wait3A_76] : memref<82x128xi32, #tpu.memory_space<vmem>> -> memref<1x128xi32, #tpu.memory_space<vmem>>
      %dma_wait3A_78 = tpu.memref_squeeze %dma_wait3A_77 : memref<1x128xi32, #tpu.memory_space<vmem>> -> memref<128xi32, #tpu.memory_space<vmem>>
      %dma_wait3A_79 = arith.constant 0 : i32
      %dma_wait3A_80 = arith.constant 0 : i32
      %dma_wait3A_81 = tpu.memref_slice %arg3[%dma_wait3A_79, %dma_wait3A_80] : memref<10240x16xf32, #tpu.memory_space<hbm>> -> memref<10240x16xf32, #tpu.memory_space<hbm>>
      tpu.wait_indirect_dma semaphore(%arg18 : memref<!tpu.dma_semaphore, #tpu.memory_space<semaphore_mem>>) src(%dma_wait3A_81 : memref<10240x16xf32, #tpu.memory_space<hbm>>) dst(%arg12 : memref<128x16xf32, #tpu.memory_space<vmem>>)
      %ge3A = arith.constant 1 : i32
      %ge3A_82 = arith.cmpi sge, %scan3A_51, %ge3A : i32
      %convert_element_type3A = arith.extui %ge3A_82 : i1 to i32
      %cond3A = arith.constant 0 : i32
      %cond3A_83 = arith.cmpi ne, %convert_element_type3A, %cond3A : i32
      scf.if %cond3A_83 {
        %dma_wait3A_181 = arith.constant 0 : i32
        %dma_wait3A_182 = tpu.memref_slice %arg10[%mul3A_53, %dma_wait3A_181] : memref<82x128xi32, #tpu.memory_space<vmem>> -> memref<1x128xi32, #tpu.memory_space<vmem>>
        %dma_wait3A_183 = tpu.memref_squeeze %dma_wait3A_182 : memref<1x128xi32, #tpu.memory_space<vmem>> -> memref<128xi32, #tpu.memory_space<vmem>>
        %dma_wait3A_184 = arith.constant 0 : i32
        %dma_wait3A_185 = arith.constant 0 : i32
        %dma_wait3A_186 = tpu.memref_slice %arg8[%dma_wait3A_184, %dma_wait3A_185] : memref<10240x80xf32, #tpu.memory_space<vmem_shared>> -> memref<10240x80xf32, #tpu.memory_space<vmem_shared>>
        tpu.wait_indirect_dma semaphore(%arg21 : memref<!tpu.dma_semaphore, #tpu.memory_space<semaphore_mem>>) src(%arg13 : memref<128x80xf32, #tpu.memory_space<vmem>>) dst(%dma_wait3A_186 : memref<10240x80xf32, #tpu.memory_space<vmem_shared>>)
      } else {
      }
      %iota3A = tpu.iota {dimensions = array<i32: 0>} : vector<16xi32>
      %and3A = arith.constant 7 : i32
      %and3A_84 = vector.broadcast %and3A : i32 to vector<16xi32>
      %and3A_85 = arith.andi %iota3A, %and3A_84 : vector<16xi32>
      %add3A_86 = arith.constant 8 : i32
      %add3A_87 = vector.broadcast %add3A_86 : i32 to vector<16xi32>
      %add3A_88 = arith.addi %and3A_85, %add3A_87 : vector<16xi32>
      %shift_right_arithmetic3A = arith.constant 3 : i32
      %shift_right_arithmetic3A_89 = vector.broadcast %shift_right_arithmetic3A : i32 to vector<16xi32>
      %shift_right_arithmetic3A_90 = arith.shrsi %iota3A, %shift_right_arithmetic3A_89 : vector<16xi32>
      %add3A_91 = arith.constant 0 : i32
      %add3A_92 = vector.broadcast %add3A_91 : i32 to vector<16xi32>
      %add3A_93 = arith.addi %add3A_92, %shift_right_arithmetic3A_90 : vector<16xi32>
      %shift_right_arithmetic3A_94 = arith.constant 3 : i32
      %shift_right_arithmetic3A_95 = vector.broadcast %shift_right_arithmetic3A_94 : i32 to vector<16xi32>
      %shift_right_arithmetic3A_96 = arith.shrsi %iota3A, %shift_right_arithmetic3A_95 : vector<16xi32>
      %add3A_97 = arith.constant 2 : i32
      %add3A_98 = vector.broadcast %add3A_97 : i32 to vector<16xi32>
      %add3A_99 = arith.addi %add3A_98, %shift_right_arithmetic3A_96 : vector<16xi32>
      %shift_right_arithmetic3A_100 = arith.constant 3 : i32
      %shift_right_arithmetic3A_101 = vector.broadcast %shift_right_arithmetic3A_100 : i32 to vector<16xi32>
      %shift_right_arithmetic3A_102 = arith.shrsi %iota3A, %shift_right_arithmetic3A_101 : vector<16xi32>
      %add3A_103 = arith.constant 4 : i32
      %add3A_104 = vector.broadcast %add3A_103 : i32 to vector<16xi32>
      %add3A_105 = arith.addi %add3A_104, %shift_right_arithmetic3A_102 : vector<16xi32>
      %shift_right_arithmetic3A_106 = arith.constant 3 : i32
      %shift_right_arithmetic3A_107 = vector.broadcast %shift_right_arithmetic3A_106 : i32 to vector<16xi32>
      %shift_right_arithmetic3A_108 = arith.shrsi %iota3A, %shift_right_arithmetic3A_107 : vector<16xi32>
      %add3A_109 = arith.constant 6 : i32
      %add3A_110 = vector.broadcast %add3A_109 : i32 to vector<16xi32>
      %add3A_111 = arith.addi %add3A_110, %shift_right_arithmetic3A_108 : vector<16xi32>
      %parallel_loop3A = arith.constant 0 : i32
      %parallel_loop3A_112 = arith.constant 128 : i32
      %parallel_loop3A_113 = arith.constant 1 : i32
      scf.for %parallel_loop3A_181 = %parallel_loop3A to %parallel_loop3A_112 step %parallel_loop3A_113  : i32 {
        %parallel_loop3A_182 = arith.index_cast %parallel_loop3A_181 : i32 to index
        %parallel_loop3A_183 = arith.constant 0 : index
        %parallel_loop3A_184 = tpu.vector_load %arg12[%parallel_loop3A_182, %parallel_loop3A_183] {strides = array<i32>} : memref<128x16xf32, #tpu.memory_space<vmem>>, vector<1x16xf32>,
        %parallel_loop3A_185 = vector.shape_cast %parallel_loop3A_184 : vector<1x16xf32> to vector<16xf32>
        %parallel_loop3A_186 = arith.index_cast %parallel_loop3A_181 : i32 to index
        %parallel_loop3A_187 = arith.constant 64 : index
        %parallel_loop3A_188 = tpu.vector_load %arg11[%parallel_loop3A_186, %parallel_loop3A_187] {strides = array<i32>} : memref<128x80xf32, #tpu.memory_space<vmem>>, vector<1x16xf32>,
        %parallel_loop3A_189 = vector.shape_cast %parallel_loop3A_188 : vector<1x16xf32> to vector<16xf32>
        %parallel_loop3A_190 = arith.addf %parallel_loop3A_189, %parallel_loop3A_185 : vector<16xf32>
        %parallel_loop3A_191 = arith.constant 2.000000e-01 : f32
        %parallel_loop3A_192 = vector.broadcast %parallel_loop3A_191 : f32 to vector<16xf32>
        %parallel_loop3A_193 = arith.mulf %parallel_loop3A_192, %parallel_loop3A_190 : vector<16xf32>
        %parallel_loop3A_194 = arith.maximumf %parallel_loop3A_190, %parallel_loop3A_193 : vector<16xf32>
        %parallel_loop3A_195 = vector.shape_cast %add3A_88 : vector<16xi32> to vector<16x1xi32>
        %parallel_loop3A_196 = vector.shape_cast %parallel_loop3A_195 : vector<16x1xi32> to vector<16xi32>
        %parallel_loop3A_197 = tpu.dynamic_gather %parallel_loop3A_185[%parallel_loop3A_196] in [0] : vector<16xf32>, vector<16xi32> -> vector<16xf32>
        %parallel_loop3A_198 = arith.subf %parallel_loop3A_194, %parallel_loop3A_197 : vector<16xf32>
        %parallel_loop3A_199 = math.exp %parallel_loop3A_198 : vector<16xf32>
        %parallel_loop3A_200 = arith.index_cast %parallel_loop3A_181 : i32 to index
        %parallel_loop3A_201 = arith.constant 0 : index
        %parallel_loop3A_202 = tpu.vector_load %arg11[%parallel_loop3A_200, %parallel_loop3A_201] {strides = array<i32>} : memref<128x80xf32, #tpu.memory_space<vmem>>, vector<1x16xf32>,
        %parallel_loop3A_203 = vector.shape_cast %parallel_loop3A_202 : vector<1x16xf32> to vector<16xf32>
        %parallel_loop3A_204 = vector.shape_cast %add3A_93 : vector<16xi32> to vector<16x1xi32>
        %parallel_loop3A_205 = vector.shape_cast %parallel_loop3A_204 : vector<16x1xi32> to vector<16xi32>
        %parallel_loop3A_206 = tpu.dynamic_gather %parallel_loop3A_199[%parallel_loop3A_205] in [0] : vector<16xf32>, vector<16xi32> -> vector<16xf32>
        %parallel_loop3A_207 = arith.mulf %parallel_loop3A_203, %parallel_loop3A_206 : vector<16xf32>
        %parallel_loop3A_208 = arith.index_cast %parallel_loop3A_181 : i32 to index
        %parallel_loop3A_209 = arith.constant 0 : index
        %parallel_loop3A_210 = tpu.vector_load %arg13[%parallel_loop3A_208, %parallel_loop3A_209] {strides = array<i32>} : memref<128x80xf32, #tpu.memory_space<vmem>>, vector<1x16xf32>,
        %parallel_loop3A_211 = vector.shape_cast %parallel_loop3A_210 : vector<1x16xf32> to vector<16xf32>
        %parallel_loop3A_212 = vector.shape_cast %parallel_loop3A_207 : vector<16xf32> to vector<1x16xf32>
        tpu.vector_store %arg13[%parallel_loop3A_208, %parallel_loop3A_209], %parallel_loop3A_212 {strides = array<i32>} : memref<128x80xf32, #tpu.memory_space<vmem>>, vector<1x16xf32>,
        %parallel_loop3A_213 = arith.index_cast %parallel_loop3A_181 : i32 to index
        %parallel_loop3A_214 = arith.constant 16 : index
        %parallel_loop3A_215 = tpu.vector_load %arg11[%parallel_loop3A_213, %parallel_loop3A_214] {strides = array<i32>} : memref<128x80xf32, #tpu.memory_space<vmem>>, vector<1x16xf32>,
        %parallel_loop3A_216 = vector.shape_cast %parallel_loop3A_215 : vector<1x16xf32> to vector<16xf32>
        %parallel_loop3A_217 = vector.shape_cast %add3A_99 : vector<16xi32> to vector<16x1xi32>
        %parallel_loop3A_218 = vector.shape_cast %parallel_loop3A_217 : vector<16x1xi32> to vector<16xi32>
        %parallel_loop3A_219 = tpu.dynamic_gather %parallel_loop3A_199[%parallel_loop3A_218] in [0] : vector<16xf32>, vector<16xi32> -> vector<16xf32>
        %parallel_loop3A_220 = arith.mulf %parallel_loop3A_216, %parallel_loop3A_219 : vector<16xf32>
        %parallel_loop3A_221 = arith.index_cast %parallel_loop3A_181 : i32 to index
        %parallel_loop3A_222 = arith.constant 16 : index
        %parallel_loop3A_223 = tpu.vector_load %arg13[%parallel_loop3A_221, %parallel_loop3A_222] {strides = array<i32>} : memref<128x80xf32, #tpu.memory_space<vmem>>, vector<1x16xf32>,
        %parallel_loop3A_224 = vector.shape_cast %parallel_loop3A_223 : vector<1x16xf32> to vector<16xf32>
        %parallel_loop3A_225 = vector.shape_cast %parallel_loop3A_220 : vector<16xf32> to vector<1x16xf32>
        tpu.vector_store %arg13[%parallel_loop3A_221, %parallel_loop3A_222], %parallel_loop3A_225 {strides = array<i32>} : memref<128x80xf32, #tpu.memory_space<vmem>>, vector<1x16xf32>,
        %parallel_loop3A_226 = arith.index_cast %parallel_loop3A_181 : i32 to index
        %parallel_loop3A_227 = arith.constant 32 : index
        %parallel_loop3A_228 = tpu.vector_load %arg11[%parallel_loop3A_226, %parallel_loop3A_227] {strides = array<i32>} : memref<128x80xf32, #tpu.memory_space<vmem>>, vector<1x16xf32>,
        %parallel_loop3A_229 = vector.shape_cast %parallel_loop3A_228 : vector<1x16xf32> to vector<16xf32>
        %parallel_loop3A_230 = vector.shape_cast %add3A_105 : vector<16xi32> to vector<16x1xi32>
        %parallel_loop3A_231 = vector.shape_cast %parallel_loop3A_230 : vector<16x1xi32> to vector<16xi32>
        %parallel_loop3A_232 = tpu.dynamic_gather %parallel_loop3A_199[%parallel_loop3A_231] in [0] : vector<16xf32>, vector<16xi32> -> vector<16xf32>
        %parallel_loop3A_233 = arith.mulf %parallel_loop3A_229, %parallel_loop3A_232 : vector<16xf32>
        %parallel_loop3A_234 = arith.index_cast %parallel_loop3A_181 : i32 to index
        %parallel_loop3A_235 = arith.constant 32 : index
        %parallel_loop3A_236 = tpu.vector_load %arg13[%parallel_loop3A_234, %parallel_loop3A_235] {strides = array<i32>} : memref<128x80xf32, #tpu.memory_space<vmem>>, vector<1x16xf32>,
        %parallel_loop3A_237 = vector.shape_cast %parallel_loop3A_236 : vector<1x16xf32> to vector<16xf32>
        %parallel_loop3A_238 = vector.shape_cast %parallel_loop3A_233 : vector<16xf32> to vector<1x16xf32>
        tpu.vector_store %arg13[%parallel_loop3A_234, %parallel_loop3A_235], %parallel_loop3A_238 {strides = array<i32>} : memref<128x80xf32, #tpu.memory_space<vmem>>, vector<1x16xf32>,
        %parallel_loop3A_239 = arith.index_cast %parallel_loop3A_181 : i32 to index
        %parallel_loop3A_240 = arith.constant 48 : index
        %parallel_loop3A_241 = tpu.vector_load %arg11[%parallel_loop3A_239, %parallel_loop3A_240] {strides = array<i32>} : memref<128x80xf32, #tpu.memory_space<vmem>>, vector<1x16xf32>,
        %parallel_loop3A_242 = vector.shape_cast %parallel_loop3A_241 : vector<1x16xf32> to vector<16xf32>
        %parallel_loop3A_243 = vector.shape_cast %add3A_111 : vector<16xi32> to vector<16x1xi32>
        %parallel_loop3A_244 = vector.shape_cast %parallel_loop3A_243 : vector<16x1xi32> to vector<16xi32>
        %parallel_loop3A_245 = tpu.dynamic_gather %parallel_loop3A_199[%parallel_loop3A_244] in [0] : vector<16xf32>, vector<16xi32> -> vector<16xf32>
        %parallel_loop3A_246 = arith.mulf %parallel_loop3A_242, %parallel_loop3A_245 : vector<16xf32>
        %parallel_loop3A_247 = arith.index_cast %parallel_loop3A_181 : i32 to index
        %parallel_loop3A_248 = arith.constant 48 : index
        %parallel_loop3A_249 = tpu.vector_load %arg13[%parallel_loop3A_247, %parallel_loop3A_248] {strides = array<i32>} : memref<128x80xf32, #tpu.memory_space<vmem>>, vector<1x16xf32>,
        %parallel_loop3A_250 = vector.shape_cast %parallel_loop3A_249 : vector<1x16xf32> to vector<16xf32>
        %parallel_loop3A_251 = vector.shape_cast %parallel_loop3A_246 : vector<16xf32> to vector<1x16xf32>
        tpu.vector_store %arg13[%parallel_loop3A_247, %parallel_loop3A_248], %parallel_loop3A_251 {strides = array<i32>} : memref<128x80xf32, #tpu.memory_space<vmem>>, vector<1x16xf32>,
        %parallel_loop3A_252 = arith.index_cast %parallel_loop3A_181 : i32 to index
        %parallel_loop3A_253 = arith.constant 64 : index
        %parallel_loop3A_254 = tpu.vector_load %arg13[%parallel_loop3A_252, %parallel_loop3A_253] {strides = array<i32>} : memref<128x80xf32, #tpu.memory_space<vmem>>, vector<1x16xf32>,
        %parallel_loop3A_255 = vector.shape_cast %parallel_loop3A_254 : vector<1x16xf32> to vector<16xf32>
        %parallel_loop3A_256 = vector.shape_cast %parallel_loop3A_199 : vector<16xf32> to vector<1x16xf32>
        tpu.vector_store %arg13[%parallel_loop3A_252, %parallel_loop3A_253], %parallel_loop3A_256 {strides = array<i32>} : memref<128x80xf32, #tpu.memory_space<vmem>>, vector<1x16xf32>,
      } {sc.loop_unroll_factor = 4 : i64, sc.parallel_access}
      %dma_start3A_114 = arith.constant 0 : i32
      %dma_start3A_115 = tpu.memref_slice %arg10[%mul3A_53, %dma_start3A_114] : memref<82x128xi32, #tpu.memory_space<vmem>> -> memref<1x128xi32, #tpu.memory_space<vmem>>
      %dma_start3A_116 = tpu.memref_squeeze %dma_start3A_115 : memref<1x128xi32, #tpu.memory_space<vmem>> -> memref<128xi32, #tpu.memory_space<vmem>>
      %dma_start3A_117 = arith.constant 0 : i32
      %dma_start3A_118 = arith.constant 0 : i32
      %dma_start3A_119 = tpu.memref_slice %arg8[%dma_start3A_117, %dma_start3A_118] : memref<10240x80xf32, #tpu.memory_space<vmem_shared>> -> memref<10240x80xf32, #tpu.memory_space<vmem_shared>>
      tpu.enqueue_indirect_dma source(%arg13 : memref<128x80xf32, #tpu.memory_space<vmem>>) target(%dma_start3A_119 : memref<10240x80xf32, #tpu.memory_space<vmem_shared>>) offsets(%dma_start3A_116 : memref<128xi32, #tpu.memory_space<vmem>>) semaphore(%arg21 : memref<!tpu.dma_semaphore, #tpu.memory_space<semaphore_mem>>) {add = true}
      %lt3A = arith.constant 82 : i32
      %lt3A_120 = arith.cmpi slt, %add3A_57, %lt3A : i32
      %convert_element_type3A_121 = arith.extui %lt3A_120 : i1 to i32
      %cond3A_122 = arith.constant 0 : i32
      %cond3A_123 = arith.cmpi ne, %convert_element_type3A_121, %cond3A_122 : i32
      scf.if %cond3A_123 {
        %dma_start3A_181 = arith.constant 0 : i32
        %dma_start3A_182 = tpu.memref_slice %arg9[%add3A_57, %dma_start3A_181] : memref<82x128xi32, #tpu.memory_space<vmem>> -> memref<1x128xi32, #tpu.memory_space<vmem>>
        %dma_start3A_183 = tpu.memref_squeeze %dma_start3A_182 : memref<1x128xi32, #tpu.memory_space<vmem>> -> memref<128xi32, #tpu.memory_space<vmem>>
        %dma_start3A_184 = arith.constant 0 : i32
        %dma_start3A_185 = arith.constant 0 : i32
        %dma_start3A_186 = tpu.memref_slice %arg2[%dma_start3A_184, %dma_start3A_185] : memref<10000x80xf32, #tpu.memory_space<hbm>> -> memref<10000x80xf32, #tpu.memory_space<hbm>>
        tpu.enqueue_indirect_dma source(%dma_start3A_186 : memref<10000x80xf32, #tpu.memory_space<hbm>>) target(%arg11 : memref<128x80xf32, #tpu.memory_space<vmem>>) offsets(%dma_start3A_183 : memref<128xi32, #tpu.memory_space<vmem>>) semaphore(%arg17 : memref<!tpu.dma_semaphore, #tpu.memory_space<semaphore_mem>>)
        %dma_start3A_187 = arith.constant 0 : i32
        %dma_start3A_188 = tpu.memref_slice %arg10[%add3A_57, %dma_start3A_187] : memref<82x128xi32, #tpu.memory_space<vmem>> -> memref<1x128xi32, #tpu.memory_space<vmem>>
        %dma_start3A_189 = tpu.memref_squeeze %dma_start3A_188 : memref<1x128xi32, #tpu.memory_space<vmem>> -> memref<128xi32, #tpu.memory_space<vmem>>
        %dma_start3A_190 = arith.constant 0 : i32
        %dma_start3A_191 = arith.constant 0 : i32
        %dma_start3A_192 = tpu.memref_slice %arg3[%dma_start3A_190, %dma_start3A_191] : memref<10240x16xf32, #tpu.memory_space<hbm>> -> memref<10240x16xf32, #tpu.memory_space<hbm>>
        tpu.enqueue_indirect_dma source(%dma_start3A_192 : memref<10240x16xf32, #tpu.memory_space<hbm>>) target(%arg12 : memref<128x16xf32, #tpu.memory_space<vmem>>) offsets(%dma_start3A_189 : memref<128xi32, #tpu.memory_space<vmem>>) semaphore(%arg18 : memref<!tpu.dma_semaphore, #tpu.memory_space<semaphore_mem>>)
      } else {
      }
      %dma_wait3A_124 = arith.constant 0 : i32
      %dma_wait3A_125 = tpu.memref_slice %arg9[%add3A_55, %dma_wait3A_124] : memref<82x128xi32, #tpu.memory_space<vmem>> -> memref<1x128xi32, #tpu.memory_space<vmem>>
      %dma_wait3A_126 = tpu.memref_squeeze %dma_wait3A_125 : memref<1x128xi32, #tpu.memory_space<vmem>> -> memref<128xi32, #tpu.memory_space<vmem>>
      %dma_wait3A_127 = arith.constant 0 : i32
      %dma_wait3A_128 = arith.constant 0 : i32
      %dma_wait3A_129 = tpu.memref_slice %arg2[%dma_wait3A_127, %dma_wait3A_128] : memref<10000x80xf32, #tpu.memory_space<hbm>> -> memref<10000x80xf32, #tpu.memory_space<hbm>>
      tpu.wait_indirect_dma semaphore(%arg19 : memref<!tpu.dma_semaphore, #tpu.memory_space<semaphore_mem>>) src(%dma_wait3A_129 : memref<10000x80xf32, #tpu.memory_space<hbm>>) dst(%arg14 : memref<128x80xf32, #tpu.memory_space<vmem>>)
      %dma_wait3A_130 = arith.constant 0 : i32
      %dma_wait3A_131 = tpu.memref_slice %arg10[%add3A_55, %dma_wait3A_130] : memref<82x128xi32, #tpu.memory_space<vmem>> -> memref<1x128xi32, #tpu.memory_space<vmem>>
      %dma_wait3A_132 = tpu.memref_squeeze %dma_wait3A_131 : memref<1x128xi32, #tpu.memory_space<vmem>> -> memref<128xi32, #tpu.memory_space<vmem>>
      %dma_wait3A_133 = arith.constant 0 : i32
      %dma_wait3A_134 = arith.constant 0 : i32
      %dma_wait3A_135 = tpu.memref_slice %arg3[%dma_wait3A_133, %dma_wait3A_134] : memref<10240x16xf32, #tpu.memory_space<hbm>> -> memref<10240x16xf32, #tpu.memory_space<hbm>>
      tpu.wait_indirect_dma semaphore(%arg20 : memref<!tpu.dma_semaphore, #tpu.memory_space<semaphore_mem>>) src(%dma_wait3A_135 : memref<10240x16xf32, #tpu.memory_space<hbm>>) dst(%arg15 : memref<128x16xf32, #tpu.memory_space<vmem>>)
      %ge3A_136 = arith.constant 1 : i32
      %ge3A_137 = arith.cmpi sge, %scan3A_51, %ge3A_136 : i32
      %convert_element_type3A_138 = arith.extui %ge3A_137 : i1 to i32
      %cond3A_139 = arith.constant 0 : i32
      %cond3A_140 = arith.cmpi ne, %convert_element_type3A_138, %cond3A_139 : i32
      scf.if %cond3A_140 {
        %dma_wait3A_181 = arith.constant 0 : i32
        %dma_wait3A_182 = tpu.memref_slice %arg10[%add3A_55, %dma_wait3A_181] : memref<82x128xi32, #tpu.memory_space<vmem>> -> memref<1x128xi32, #tpu.memory_space<vmem>>
        %dma_wait3A_183 = tpu.memref_squeeze %dma_wait3A_182 : memref<1x128xi32, #tpu.memory_space<vmem>> -> memref<128xi32, #tpu.memory_space<vmem>>
        %dma_wait3A_184 = arith.constant 0 : i32
        %dma_wait3A_185 = arith.constant 0 : i32
        %dma_wait3A_186 = tpu.memref_slice %arg8[%dma_wait3A_184, %dma_wait3A_185] : memref<10240x80xf32, #tpu.memory_space<vmem_shared>> -> memref<10240x80xf32, #tpu.memory_space<vmem_shared>>
        tpu.wait_indirect_dma semaphore(%arg22 : memref<!tpu.dma_semaphore, #tpu.memory_space<semaphore_mem>>) src(%arg16 : memref<128x80xf32, #tpu.memory_space<vmem>>) dst(%dma_wait3A_186 : memref<10240x80xf32, #tpu.memory_space<vmem_shared>>)
      } else {
      }
      %iota3A_141 = tpu.iota {dimensions = array<i32: 0>} : vector<16xi32>
      %and3A_142 = arith.constant 7 : i32
      %and3A_143 = vector.broadcast %and3A_142 : i32 to vector<16xi32>
      %and3A_144 = arith.andi %iota3A_141, %and3A_143 : vector<16xi32>
      %add3A_145 = arith.constant 8 : i32
      %add3A_146 = vector.broadcast %add3A_145 : i32 to vector<16xi32>
      %add3A_147 = arith.addi %and3A_144, %add3A_146 : vector<16xi32>
      %shift_right_arithmetic3A_148 = arith.constant 3 : i32
      %shift_right_arithmetic3A_149 = vector.broadcast %shift_right_arithmetic3A_148 : i32 to vector<16xi32>
      %shift_right_arithmetic3A_150 = arith.shrsi %iota3A_141, %shift_right_arithmetic3A_149 : vector<16xi32>
      %add3A_151 = arith.constant 0 : i32
      %add3A_152 = vector.broadcast %add3A_151 : i32 to vector<16xi32>
      %add3A_153 = arith.addi %add3A_152, %shift_right_arithmetic3A_150 : vector<16xi32>
      %shift_right_arithmetic3A_154 = arith.constant 3 : i32
      %shift_right_arithmetic3A_155 = vector.broadcast %shift_right_arithmetic3A_154 : i32 to vector<16xi32>
      %shift_right_arithmetic3A_156 = arith.shrsi %iota3A_141, %shift_right_arithmetic3A_155 : vector<16xi32>
      %add3A_157 = arith.constant 2 : i32
      %add3A_158 = vector.broadcast %add3A_157 : i32 to vector<16xi32>
      %add3A_159 = arith.addi %add3A_158, %shift_right_arithmetic3A_156 : vector<16xi32>
      %shift_right_arithmetic3A_160 = arith.constant 3 : i32
      %shift_right_arithmetic3A_161 = vector.broadcast %shift_right_arithmetic3A_160 : i32 to vector<16xi32>
      %shift_right_arithmetic3A_162 = arith.shrsi %iota3A_141, %shift_right_arithmetic3A_161 : vector<16xi32>
      %add3A_163 = arith.constant 4 : i32
      %add3A_164 = vector.broadcast %add3A_163 : i32 to vector<16xi32>
      %add3A_165 = arith.addi %add3A_164, %shift_right_arithmetic3A_162 : vector<16xi32>
      %shift_right_arithmetic3A_166 = arith.constant 3 : i32
      %shift_right_arithmetic3A_167 = vector.broadcast %shift_right_arithmetic3A_166 : i32 to vector<16xi32>
      %shift_right_arithmetic3A_168 = arith.shrsi %iota3A_141, %shift_right_arithmetic3A_167 : vector<16xi32>
      %add3A_169 = arith.constant 6 : i32
      %add3A_170 = vector.broadcast %add3A_169 : i32 to vector<16xi32>
      %add3A_171 = arith.addi %add3A_170, %shift_right_arithmetic3A_168 : vector<16xi32>
      %parallel_loop3A_172 = arith.constant 0 : i32
      %parallel_loop3A_173 = arith.constant 128 : i32
      %parallel_loop3A_174 = arith.constant 1 : i32
      scf.for %parallel_loop3A_181 = %parallel_loop3A_172 to %parallel_loop3A_173 step %parallel_loop3A_174  : i32 {
        %parallel_loop3A_182 = arith.index_cast %parallel_loop3A_181 : i32 to index
        %parallel_loop3A_183 = arith.constant 0 : index
        %parallel_loop3A_184 = tpu.vector_load %arg15[%parallel_loop3A_182, %parallel_loop3A_183] {strides = array<i32>} : memref<128x16xf32, #tpu.memory_space<vmem>>, vector<1x16xf32>,
        %parallel_loop3A_185 = vector.shape_cast %parallel_loop3A_184 : vector<1x16xf32> to vector<16xf32>
        %parallel_loop3A_186 = arith.index_cast %parallel_loop3A_181 : i32 to index
        %parallel_loop3A_187 = arith.constant 64 : index
        %parallel_loop3A_188 = tpu.vector_load %arg14[%parallel_loop3A_186, %parallel_loop3A_187] {strides = array<i32>} : memref<128x80xf32, #tpu.memory_space<vmem>>, vector<1x16xf32>,
        %parallel_loop3A_189 = vector.shape_cast %parallel_loop3A_188 : vector<1x16xf32> to vector<16xf32>
        %parallel_loop3A_190 = arith.addf %parallel_loop3A_189, %parallel_loop3A_185 : vector<16xf32>
        %parallel_loop3A_191 = arith.constant 2.000000e-01 : f32
        %parallel_loop3A_192 = vector.broadcast %parallel_loop3A_191 : f32 to vector<16xf32>
        %parallel_loop3A_193 = arith.mulf %parallel_loop3A_192, %parallel_loop3A_190 : vector<16xf32>
        %parallel_loop3A_194 = arith.maximumf %parallel_loop3A_190, %parallel_loop3A_193 : vector<16xf32>
        %parallel_loop3A_195 = vector.shape_cast %add3A_147 : vector<16xi32> to vector<16x1xi32>
        %parallel_loop3A_196 = vector.shape_cast %parallel_loop3A_195 : vector<16x1xi32> to vector<16xi32>
        %parallel_loop3A_197 = tpu.dynamic_gather %parallel_loop3A_185[%parallel_loop3A_196] in [0] : vector<16xf32>, vector<16xi32> -> vector<16xf32>
        %parallel_loop3A_198 = arith.subf %parallel_loop3A_194, %parallel_loop3A_197 : vector<16xf32>
        %parallel_loop3A_199 = math.exp %parallel_loop3A_198 : vector<16xf32>
        %parallel_loop3A_200 = arith.index_cast %parallel_loop3A_181 : i32 to index
        %parallel_loop3A_201 = arith.constant 0 : index
        %parallel_loop3A_202 = tpu.vector_load %arg14[%parallel_loop3A_200, %parallel_loop3A_201] {strides = array<i32>} : memref<128x80xf32, #tpu.memory_space<vmem>>, vector<1x16xf32>,
        %parallel_loop3A_203 = vector.shape_cast %parallel_loop3A_202 : vector<1x16xf32> to vector<16xf32>
        %parallel_loop3A_204 = vector.shape_cast %add3A_153 : vector<16xi32> to vector<16x1xi32>
        %parallel_loop3A_205 = vector.shape_cast %parallel_loop3A_204 : vector<16x1xi32> to vector<16xi32>
        %parallel_loop3A_206 = tpu.dynamic_gather %parallel_loop3A_199[%parallel_loop3A_205] in [0] : vector<16xf32>, vector<16xi32> -> vector<16xf32>
        %parallel_loop3A_207 = arith.mulf %parallel_loop3A_203, %parallel_loop3A_206 : vector<16xf32>
        %parallel_loop3A_208 = arith.index_cast %parallel_loop3A_181 : i32 to index
        %parallel_loop3A_209 = arith.constant 0 : index
        %parallel_loop3A_210 = tpu.vector_load %arg16[%parallel_loop3A_208, %parallel_loop3A_209] {strides = array<i32>} : memref<128x80xf32, #tpu.memory_space<vmem>>, vector<1x16xf32>,
        %parallel_loop3A_211 = vector.shape_cast %parallel_loop3A_210 : vector<1x16xf32> to vector<16xf32>
        %parallel_loop3A_212 = vector.shape_cast %parallel_loop3A_207 : vector<16xf32> to vector<1x16xf32>
        tpu.vector_store %arg16[%parallel_loop3A_208, %parallel_loop3A_209], %parallel_loop3A_212 {strides = array<i32>} : memref<128x80xf32, #tpu.memory_space<vmem>>, vector<1x16xf32>,
        %parallel_loop3A_213 = arith.index_cast %parallel_loop3A_181 : i32 to index
        %parallel_loop3A_214 = arith.constant 16 : index
        %parallel_loop3A_215 = tpu.vector_load %arg14[%parallel_loop3A_213, %parallel_loop3A_214] {strides = array<i32>} : memref<128x80xf32, #tpu.memory_space<vmem>>, vector<1x16xf32>,
        %parallel_loop3A_216 = vector.shape_cast %parallel_loop3A_215 : vector<1x16xf32> to vector<16xf32>
        %parallel_loop3A_217 = vector.shape_cast %add3A_159 : vector<16xi32> to vector<16x1xi32>
        %parallel_loop3A_218 = vector.shape_cast %parallel_loop3A_217 : vector<16x1xi32> to vector<16xi32>
        %parallel_loop3A_219 = tpu.dynamic_gather %parallel_loop3A_199[%parallel_loop3A_218] in [0] : vector<16xf32>, vector<16xi32> -> vector<16xf32>
        %parallel_loop3A_220 = arith.mulf %parallel_loop3A_216, %parallel_loop3A_219 : vector<16xf32>
        %parallel_loop3A_221 = arith.index_cast %parallel_loop3A_181 : i32 to index
        %parallel_loop3A_222 = arith.constant 16 : index
        %parallel_loop3A_223 = tpu.vector_load %arg16[%parallel_loop3A_221, %parallel_loop3A_222] {strides = array<i32>} : memref<128x80xf32, #tpu.memory_space<vmem>>, vector<1x16xf32>,
        %parallel_loop3A_224 = vector.shape_cast %parallel_loop3A_223 : vector<1x16xf32> to vector<16xf32>
        %parallel_loop3A_225 = vector.shape_cast %parallel_loop3A_220 : vector<16xf32> to vector<1x16xf32>
        tpu.vector_store %arg16[%parallel_loop3A_221, %parallel_loop3A_222], %parallel_loop3A_225 {strides = array<i32>} : memref<128x80xf32, #tpu.memory_space<vmem>>, vector<1x16xf32>,
        %parallel_loop3A_226 = arith.index_cast %parallel_loop3A_181 : i32 to index
        %parallel_loop3A_227 = arith.constant 32 : index
        %parallel_loop3A_228 = tpu.vector_load %arg14[%parallel_loop3A_226, %parallel_loop3A_227] {strides = array<i32>} : memref<128x80xf32, #tpu.memory_space<vmem>>, vector<1x16xf32>,
        %parallel_loop3A_229 = vector.shape_cast %parallel_loop3A_228 : vector<1x16xf32> to vector<16xf32>
        %parallel_loop3A_230 = vector.shape_cast %add3A_165 : vector<16xi32> to vector<16x1xi32>
        %parallel_loop3A_231 = vector.shape_cast %parallel_loop3A_230 : vector<16x1xi32> to vector<16xi32>
        %parallel_loop3A_232 = tpu.dynamic_gather %parallel_loop3A_199[%parallel_loop3A_231] in [0] : vector<16xf32>, vector<16xi32> -> vector<16xf32>
        %parallel_loop3A_233 = arith.mulf %parallel_loop3A_229, %parallel_loop3A_232 : vector<16xf32>
        %parallel_loop3A_234 = arith.index_cast %parallel_loop3A_181 : i32 to index
        %parallel_loop3A_235 = arith.constant 32 : index
        %parallel_loop3A_236 = tpu.vector_load %arg16[%parallel_loop3A_234, %parallel_loop3A_235] {strides = array<i32>} : memref<128x80xf32, #tpu.memory_space<vmem>>, vector<1x16xf32>,
        %parallel_loop3A_237 = vector.shape_cast %parallel_loop3A_236 : vector<1x16xf32> to vector<16xf32>
        %parallel_loop3A_238 = vector.shape_cast %parallel_loop3A_233 : vector<16xf32> to vector<1x16xf32>
        tpu.vector_store %arg16[%parallel_loop3A_234, %parallel_loop3A_235], %parallel_loop3A_238 {strides = array<i32>} : memref<128x80xf32, #tpu.memory_space<vmem>>, vector<1x16xf32>,
        %parallel_loop3A_239 = arith.index_cast %parallel_loop3A_181 : i32 to index
        %parallel_loop3A_240 = arith.constant 48 : index
        %parallel_loop3A_241 = tpu.vector_load %arg14[%parallel_loop3A_239, %parallel_loop3A_240] {strides = array<i32>} : memref<128x80xf32, #tpu.memory_space<vmem>>, vector<1x16xf32>,
        %parallel_loop3A_242 = vector.shape_cast %parallel_loop3A_241 : vector<1x16xf32> to vector<16xf32>
        %parallel_loop3A_243 = vector.shape_cast %add3A_171 : vector<16xi32> to vector<16x1xi32>
        %parallel_loop3A_244 = vector.shape_cast %parallel_loop3A_243 : vector<16x1xi32> to vector<16xi32>
        %parallel_loop3A_245 = tpu.dynamic_gather %parallel_loop3A_199[%parallel_loop3A_244] in [0] : vector<16xf32>, vector<16xi32> -> vector<16xf32>
        %parallel_loop3A_246 = arith.mulf %parallel_loop3A_242, %parallel_loop3A_245 : vector<16xf32>
        %parallel_loop3A_247 = arith.index_cast %parallel_loop3A_181 : i32 to index
        %parallel_loop3A_248 = arith.constant 48 : index
        %parallel_loop3A_249 = tpu.vector_load %arg16[%parallel_loop3A_247, %parallel_loop3A_248] {strides = array<i32>} : memref<128x80xf32, #tpu.memory_space<vmem>>, vector<1x16xf32>,
        %parallel_loop3A_250 = vector.shape_cast %parallel_loop3A_249 : vector<1x16xf32> to vector<16xf32>
        %parallel_loop3A_251 = vector.shape_cast %parallel_loop3A_246 : vector<16xf32> to vector<1x16xf32>
        tpu.vector_store %arg16[%parallel_loop3A_247, %parallel_loop3A_248], %parallel_loop3A_251 {strides = array<i32>} : memref<128x80xf32, #tpu.memory_space<vmem>>, vector<1x16xf32>,
        %parallel_loop3A_252 = arith.index_cast %parallel_loop3A_181 : i32 to index
        %parallel_loop3A_253 = arith.constant 64 : index
        %parallel_loop3A_254 = tpu.vector_load %arg16[%parallel_loop3A_252, %parallel_loop3A_253] {strides = array<i32>} : memref<128x80xf32, #tpu.memory_space<vmem>>, vector<1x16xf32>,
        %parallel_loop3A_255 = vector.shape_cast %parallel_loop3A_254 : vector<1x16xf32> to vector<16xf32>
        %parallel_loop3A_256 = vector.shape_cast %parallel_loop3A_199 : vector<16xf32> to vector<1x16xf32>
        tpu.vector_store %arg16[%parallel_loop3A_252, %parallel_loop3A_253], %parallel_loop3A_256 {strides = array<i32>} : memref<128x80xf32, #tpu.memory_space<vmem>>, vector<1x16xf32>,
      } {sc.loop_unroll_factor = 4 : i64, sc.parallel_access}
      %dma_start3A_175 = arith.constant 0 : i32
      %dma_start3A_176 = tpu.memref_slice %arg10[%add3A_55, %dma_start3A_175] : memref<82x128xi32, #tpu.memory_space<vmem>> -> memref<1x128xi32, #tpu.memory_space<vmem>>
      %dma_start3A_177 = tpu.memref_squeeze %dma_start3A_176 : memref<1x128xi32, #tpu.memory_space<vmem>> -> memref<128xi32, #tpu.memory_space<vmem>>
      %dma_start3A_178 = arith.constant 0 : i32
      %dma_start3A_179 = arith.constant 0 : i32
      %dma_start3A_180 = tpu.memref_slice %arg8[%dma_start3A_178, %dma_start3A_179] : memref<10240x80xf32, #tpu.memory_space<vmem_shared>> -> memref<10240x80xf32, #tpu.memory_space<vmem_shared>>
      tpu.enqueue_indirect_dma source(%arg16 : memref<128x80xf32, #tpu.memory_space<vmem>>) target(%dma_start3A_180 : memref<10240x80xf32, #tpu.memory_space<vmem_shared>>) offsets(%dma_start3A_177 : memref<128xi32, #tpu.memory_space<vmem>>) semaphore(%arg22 : memref<!tpu.dma_semaphore, #tpu.memory_space<semaphore_mem>>) {add = true}
    }
    %scan3A_30 = arith.constant 41 : i32
    %dma_wait3A = arith.constant 0 : i32
    %dma_wait3A_31 = arith.constant 0 : i32
    %dma_wait3A_32 = tpu.memref_slice %arg10[%dma_wait3A, %dma_wait3A_31] : memref<82x128xi32, #tpu.memory_space<vmem>> -> memref<1x128xi32, #tpu.memory_space<vmem>>
    %dma_wait3A_33 = tpu.memref_squeeze %dma_wait3A_32 : memref<1x128xi32, #tpu.memory_space<vmem>> -> memref<128xi32, #tpu.memory_space<vmem>>
    %dma_wait3A_34 = arith.constant 0 : i32
    %dma_wait3A_35 = arith.constant 0 : i32
    %dma_wait3A_36 = tpu.memref_slice %arg8[%dma_wait3A_34, %dma_wait3A_35] : memref<10240x80xf32, #tpu.memory_space<vmem_shared>> -> memref<10240x80xf32, #tpu.memory_space<vmem_shared>>
    tpu.wait_indirect_dma semaphore(%arg21 : memref<!tpu.dma_semaphore, #tpu.memory_space<semaphore_mem>>) src(%arg13 : memref<128x80xf32, #tpu.memory_space<vmem>>) dst(%dma_wait3A_36 : memref<10240x80xf32, #tpu.memory_space<vmem_shared>>)
    %dma_wait3A_37 = arith.constant 1 : i32
    %dma_wait3A_38 = arith.constant 0 : i32
    %dma_wait3A_39 = tpu.memref_slice %arg10[%dma_wait3A_37, %dma_wait3A_38] : memref<82x128xi32, #tpu.memory_space<vmem>> -> memref<1x128xi32, #tpu.memory_space<vmem>>
    %dma_wait3A_40 = tpu.memref_squeeze %dma_wait3A_39 : memref<1x128xi32, #tpu.memory_space<vmem>> -> memref<128xi32, #tpu.memory_space<vmem>>
    %dma_wait3A_41 = arith.constant 0 : i32
    %dma_wait3A_42 = arith.constant 0 : i32
    %dma_wait3A_43 = tpu.memref_slice %arg8[%dma_wait3A_41, %dma_wait3A_42] : memref<10240x80xf32, #tpu.memory_space<vmem_shared>> -> memref<10240x80xf32, #tpu.memory_space<vmem_shared>>
    tpu.wait_indirect_dma semaphore(%arg22 : memref<!tpu.dma_semaphore, #tpu.memory_space<semaphore_mem>>) src(%arg16 : memref<128x80xf32, #tpu.memory_space<vmem>>) dst(%dma_wait3A_43 : memref<10240x80xf32, #tpu.memory_space<vmem_shared>>)
    %barrier3A_44 = arith.constant 0 : index
    tpu.barrier barrier_id(%barrier3A_44)
    %scan3A_45 = arith.constant 0 : i32
    %scan3A_46 = arith.constant 0 : i32
    %scan3A_47 = arith.constant 5 : i32
    %scan3A_48 = arith.addi %scan3A_46, %scan3A_47 : i32
    %scan3A_49 = arith.constant 1 : i32
    scf.for %scan3A_51 = %scan3A_46 to %scan3A_48 step %scan3A_49  : i32 {
      %mul3A_52 = arith.constant 128 : i32
      %mul3A_53 = arith.muli %scan3A_51, %mul3A_52 : i32
      %add3A_54 = arith.addi %mul3A_2, %mul3A_53 : i32
      %mul3A_55 = arith.constant 10240 : i32
      %mul3A_56 = arith.muli %arg0, %mul3A_55 : i32
      %add3A_57 = arith.addi %mul3A_56, %mul3A_2 : i32
      %mul3A_58 = arith.constant 128 : i32
      %mul3A_59 = arith.muli %scan3A_51, %mul3A_58 : i32
      %add3A_60 = arith.addi %add3A_57, %mul3A_59 : i32
      "tpu.region"() ({
        %run_scoped3A = tpu.sem_alloc : memref<!tpu.dma_semaphore, #tpu.memory_space<semaphore_mem>>
        %dma_start3A_61 = arith.constant 0 : i32
        %dma_start3A_62 = tpu.memref_slice %arg7[%add3A_60, %dma_start3A_61] : memref<20480x80xf32, #tpu.memory_space<hbm>> -> memref<128x80xf32, #tpu.memory_space<hbm>>
        %dma_start3A_63 = arith.constant 0 : i32
        %dma_start3A_64 = tpu.memref_slice %arg8[%add3A_54, %dma_start3A_63] : memref<10240x80xf32, #tpu.memory_space<vmem_shared>> -> memref<128x80xf32, #tpu.memory_space<vmem_shared>>
        tpu.enqueue_dma source(%dma_start3A_64 : memref<128x80xf32, #tpu.memory_space<vmem_shared>>) target(%dma_start3A_62 : memref<128x80xf32, #tpu.memory_space<hbm>>) target_semaphore(%run_scoped3A : memref<!tpu.dma_semaphore, #tpu.memory_space<semaphore_mem>>)
        %dma_wait3A_65 = arith.constant 0 : i32
        %dma_wait3A_66 = tpu.memref_slice %arg7[%add3A_60, %dma_wait3A_65] : memref<20480x80xf32, #tpu.memory_space<hbm>> -> memref<128x80xf32, #tpu.memory_space<hbm>>
        %dma_wait3A_67 = arith.constant 0 : i32
        %dma_wait3A_68 = tpu.memref_slice %arg8[%add3A_54, %dma_wait3A_67] : memref<10240x80xf32, #tpu.memory_space<vmem_shared>> -> memref<128x80xf32, #tpu.memory_space<vmem_shared>>
        tpu.wait_dma2 semaphore(%run_scoped3A : memref<!tpu.dma_semaphore, #tpu.memory_space<semaphore_mem>>) src(%dma_wait3A_68 : memref<128x80xf32, #tpu.memory_space<vmem_shared>>) dst(%dma_wait3A_66 : memref<128x80xf32, #tpu.memory_space<hbm>>)
        tpu.yield
      }) : () -> ()
    }
    %scan3A_50 = arith.constant 5 : i32
    return
  }
}

module attributes {stable_mosaic.version = 14 : i64} {
  func.func @_tc1_body(%arg0: memref<10000x128xf32, #tpu.memory_space<vmem>>, %arg1: memref<128x64xf32, #tpu.memory_space<vmem>>, %arg2: memref<64x8xf32, #tpu.memory_space<vmem>>, %arg3: memref<64x8xf32, #tpu.memory_space<vmem>>, %arg4: memref<10000x80xf32, #tpu.memory_space<vmem>>, %arg5: memref<10240x16xf32, #tpu.memory_space<vmem>>) attributes {dimension_semantics = [], scalar_prefetch = 0 : i64, scratch_operands = 0 : i64, tpu.core_type = #tpu.core_type<tc>} {
    %get3A = arith.constant 0 : index
    %get3A_0 = arith.constant 0 : index
    %get3A_1 = vector.load %arg0[%get3A, %get3A_0] : memref<10000x128xf32, #tpu.memory_space<vmem>>, vector<10000x128xf32>
    %get3A_2 = arith.constant 0 : index
    %get3A_3 = arith.constant 0 : index
    %get3A_4 = vector.load %arg1[%get3A_2, %get3A_3] : memref<128x64xf32, #tpu.memory_space<vmem>>, vector<128x64xf32>
    %dot_general3A = arith.constant dense<0.000000e+00> : vector<10000x64xf32>
    %dot_general3A_5 = tpu.matmul %get3A_1, %get3A_4, %dot_general3A {dimension_numbers = #tpu.dot_dimension_numbers<[1], [0], [0], [1], [0, 0, 1, 1], [], []>, transpose_lhs_hint = false} : vector<10000x128xf32>, vector<128x64xf32>, vector<10000x64xf32> -> vector<10000x64xf32>
    %get3A_6 = arith.constant 0 : index
    %get3A_7 = arith.constant 0 : index
    %get3A_8 = vector.load %arg2[%get3A_6, %get3A_7] : memref<64x8xf32, #tpu.memory_space<vmem>>, vector<64x8xf32>
    %dot_general3A_9 = arith.constant dense<0.000000e+00> : vector<10000x8xf32>
    %dot_general3A_10 = tpu.matmul %dot_general3A_5, %get3A_8, %dot_general3A_9 {dimension_numbers = #tpu.dot_dimension_numbers<[1], [0], [0], [1], [0, 0, 1, 1], [], []>, transpose_lhs_hint = false} : vector<10000x64xf32>, vector<64x8xf32>, vector<10000x8xf32> -> vector<10000x8xf32>
    %get3A_11 = arith.constant 0 : index
    %get3A_12 = arith.constant 0 : index
    %get3A_13 = vector.load %arg3[%get3A_11, %get3A_12] : memref<64x8xf32, #tpu.memory_space<vmem>>, vector<64x8xf32>
    %dot_general3A_14 = arith.constant dense<0.000000e+00> : vector<10000x8xf32>
    %dot_general3A_15 = tpu.matmul %dot_general3A_5, %get3A_13, %dot_general3A_14 {dimension_numbers = #tpu.dot_dimension_numbers<[1], [0], [0], [1], [0, 0, 1, 1], [], []>, transpose_lhs_hint = false} : vector<10000x64xf32>, vector<64x8xf32>, vector<10000x8xf32> -> vector<10000x8xf32>
    %broadcast_in_dim3A = arith.constant 0.000000e+00 : f32
    %broadcast_in_dim3A_16 = vector.broadcast %broadcast_in_dim3A : f32 to vector<10000x8xf32>
    %concatenate3A = tpu.concatenate %dot_general3A_5, %dot_general3A_10, %broadcast_in_dim3A_16 in 1 : vector<10000x64xf32>, vector<10000x8xf32>, vector<10000x8xf32> -> vector<10000x80xf32>
    %swap3A = arith.constant 0 : index
    %swap3A_17 = arith.constant 0 : index
    %swap3A_18 = vector.load %arg4[%swap3A, %swap3A_17] : memref<10000x80xf32, #tpu.memory_space<vmem>>, vector<10000x80xf32>
    tpu.vector_store %arg4[%swap3A, %swap3A_17], %concatenate3A {strides = array<i32>} : memref<10000x80xf32, #tpu.memory_space<vmem>>, vector<10000x80xf32>,
    %reduce_max3A = arith.constant dense<0xFF800000> : vector<8xf32>
    %reduce_max3A_19 = vector.multi_reduction <maximumf>, %dot_general3A_10, %reduce_max3A [0] : vector<10000x8xf32> to vector<8xf32>
    %broadcast_in_dim3A_20 = vector.shape_cast %reduce_max3A_19 : vector<8xf32> to vector<1x8xf32>
    %add3A = vector.broadcast %broadcast_in_dim3A_20 : vector<1x8xf32> to vector<10000x8xf32>
    %add3A_21 = arith.addf %add3A, %dot_general3A_15 : vector<10000x8xf32>
    %mul3A = arith.constant 2.000000e-01 : f32
    %mul3A_22 = vector.broadcast %mul3A : f32 to vector<10000x8xf32>
    %mul3A_23 = arith.mulf %mul3A_22, %add3A_21 : vector<10000x8xf32>
    %max3A = arith.maximumf %add3A_21, %mul3A_23 : vector<10000x8xf32>
    %concatenate3A_24 = tpu.concatenate %dot_general3A_15, %max3A in 1 : vector<10000x8xf32>, vector<10000x8xf32> -> vector<10000x16xf32>
    %broadcast_in_dim3A_25 = arith.constant 0.000000e+00 : f32
    %broadcast_in_dim3A_26 = vector.broadcast %broadcast_in_dim3A_25 : f32 to vector<240x16xf32>
    %concatenate3A_27 = tpu.concatenate %concatenate3A_24, %broadcast_in_dim3A_26 in 0 : vector<10000x16xf32>, vector<240x16xf32> -> vector<10240x16xf32>
    %swap3A_28 = arith.constant 0 : index
    %swap3A_29 = arith.constant 0 : index
    %swap3A_30 = vector.load %arg5[%swap3A_28, %swap3A_29] : memref<10240x16xf32, #tpu.memory_space<vmem>>, vector<10240x16xf32>
    tpu.vector_store %arg5[%swap3A_28, %swap3A_29], %concatenate3A_27 {strides = array<i32>} : memref<10240x16xf32, #tpu.memory_space<vmem>>, vector<10240x16xf32>,
    return
  }
}

module attributes {stable_mosaic.version = 14 : i64} {
  func.func @_tc2_body(%arg0: memref<20480x80xf32, #tpu.memory_space<vmem>>, %arg1: memref<1x64xf32, #tpu.memory_space<vmem>>, %arg2: memref<64x40xf32, #tpu.memory_space<vmem>>, %arg3: memref<40x8xf32, #tpu.memory_space<vmem>>, %arg4: memref<40x8xf32, #tpu.memory_space<vmem>>, %arg5: memref<10000x48xf32, #tpu.memory_space<vmem>>, %arg6: memref<10240x16xf32, #tpu.memory_space<vmem>>) attributes {dimension_semantics = [], scalar_prefetch = 0 : i64, scratch_operands = 0 : i64, tpu.core_type = #tpu.core_type<tc>} {
    %get3A = arith.constant 0 : index
    %get3A_0 = arith.constant 0 : index
    %get3A_1 = vector.load %arg0[%get3A, %get3A_0] : memref<20480x80xf32, #tpu.memory_space<vmem>>, vector<20480x80xf32>
    %slice3A = vector.extract_strided_slice %get3A_1 {offsets = [0, 0], sizes = [10240, 80], strides = [1, 1]} : vector<20480x80xf32> to vector<10240x80xf32>
    %slice3A_2 = vector.extract_strided_slice %get3A_1 {offsets = [10240, 0], sizes = [10240, 80], strides = [1, 1]} : vector<20480x80xf32> to vector<10240x80xf32>
    %slice3A_3 = vector.extract_strided_slice %slice3A {offsets = [0, 0], sizes = [10000, 64], strides = [1, 1]} : vector<10240x80xf32> to vector<10000x64xf32>
    %slice3A_4 = vector.extract_strided_slice %slice3A_2 {offsets = [0, 0], sizes = [10000, 64], strides = [1, 1]} : vector<10240x80xf32> to vector<10000x64xf32>
    %add3A = arith.addf %slice3A_3, %slice3A_4 : vector<10000x64xf32>
    %slice3A_5 = vector.extract_strided_slice %slice3A {offsets = [0, 64], sizes = [10000, 8], strides = [1, 1]} : vector<10240x80xf32> to vector<10000x8xf32>
    %slice3A_6 = vector.extract_strided_slice %slice3A_2 {offsets = [0, 64], sizes = [10000, 8], strides = [1, 1]} : vector<10240x80xf32> to vector<10000x8xf32>
    %add3A_7 = arith.addf %slice3A_5, %slice3A_6 : vector<10000x8xf32>
    %iota3A = tpu.iota {dimensions = array<i32: 1>} : vector<8x64xi32>
    %jit3A = arith.constant 8 : i32
    %div3A = vector.broadcast %jit3A : i32 to vector<8x64xi32>
    %div3A_8 = arith.divsi %iota3A, %div3A : vector<8x64xi32>
    %sign3A = arith.constant 0 : i32
    %sign3A_9 = vector.broadcast %sign3A : i32 to vector<8x64xi32>
    %sign3A_10 = arith.cmpi sgt, %iota3A, %sign3A_9 : vector<8x64xi32>
    %sign3A_11 = arith.extui %sign3A_10 : vector<8x64xi1> to vector<8x64xi32>
    %sign3A_12 = arith.constant 0 : i32
    %sign3A_13 = vector.broadcast %sign3A_12 : i32 to vector<8x64xi32>
    %sign3A_14 = arith.cmpi slt, %iota3A, %sign3A_13 : vector<8x64xi32>
    %sign3A_15 = arith.extui %sign3A_14 : vector<8x64xi1> to vector<8x64xi32>
    %sign3A_16 = arith.subi %sign3A_11, %sign3A_15 : vector<8x64xi32>
    %sign3A_17 = arith.constant 0 : i32
    %sign3A_18 = arith.cmpi sgt, %jit3A, %sign3A_17 : i32
    %sign3A_19 = arith.extui %sign3A_18 : i1 to i32
    %sign3A_20 = arith.constant 0 : i32
    %sign3A_21 = arith.cmpi slt, %jit3A, %sign3A_20 : i32
    %sign3A_22 = arith.extui %sign3A_21 : i1 to i32
    %sign3A_23 = arith.subi %sign3A_19, %sign3A_22 : i32
    %ne3A = vector.broadcast %sign3A_23 : i32 to vector<8x64xi32>
    %ne3A_24 = arith.cmpi ne, %sign3A_16, %ne3A : vector<8x64xi32>
    %rem3A = vector.broadcast %jit3A : i32 to vector<8x64xi32>
    %rem3A_25 = arith.remsi %iota3A, %rem3A : vector<8x64xi32>
    %ne3A_26 = arith.constant 0 : i32
    %ne3A_27 = vector.broadcast %ne3A_26 : i32 to vector<8x64xi32>
    %ne3A_28 = arith.cmpi ne, %rem3A_25, %ne3A_27 : vector<8x64xi32>
    %and3A = arith.andi %ne3A_24, %ne3A_28 : vector<8x64xi1>
    %sub3A = arith.constant 1 : i32
    %sub3A_29 = vector.broadcast %sub3A : i32 to vector<8x64xi32>
    %sub3A_30 = arith.subi %div3A_8, %sub3A_29 : vector<8x64xi32>
    %select_n3A = arith.select %and3A, %sub3A_30, %div3A_8 : vector<8x64xi1>, vector<8x64xi32>
    %iota3A_31 = tpu.iota {dimensions = array<i32: 0>} : vector<8x64xi32>
    %eq3A = arith.cmpi eq, %select_n3A, %iota3A_31 : vector<8x64xi32>
    %convert_element_type3A = arith.extui %eq3A : vector<8x64xi1> to vector<8x64xi32>
    %convert_element_type3A_32 = arith.sitofp %convert_element_type3A : vector<8x64xi32> to vector<8x64xf32>
    %dot_general3A = arith.constant dense<0.000000e+00> : vector<10000x64xf32>
    %dot_general3A_33 = tpu.matmul %add3A_7, %convert_element_type3A_32, %dot_general3A {dimension_numbers = #tpu.dot_dimension_numbers<[1], [0], [0], [1], [0, 0, 1, 1], [], []>, transpose_lhs_hint = false} : vector<10000x8xf32>, vector<8x64xf32>, vector<10000x64xf32> -> vector<10000x64xf32>
    %add3A_34 = arith.constant 1.000000e-16 : f32
    %add3A_35 = vector.broadcast %add3A_34 : f32 to vector<10000x64xf32>
    %add3A_36 = arith.addf %dot_general3A_33, %add3A_35 : vector<10000x64xf32>
    %div3A_37 = arith.divf %add3A, %add3A_36 : vector<10000x64xf32>
    %get3A_38 = arith.constant 0 : index
    %get3A_39 = arith.constant 0 : index
    %get3A_40 = vector.load %arg1[%get3A_38, %get3A_39] : memref<1x64xf32, #tpu.memory_space<vmem>>, vector<1x64xf32>
    %add3A_41 = vector.broadcast %get3A_40 : vector<1x64xf32> to vector<10000x64xf32>
    %add3A_42 = arith.addf %div3A_37, %add3A_41 : vector<10000x64xf32>
    %gt3A = arith.constant 0.000000e+00 : f32
    %gt3A_43 = vector.broadcast %gt3A : f32 to vector<10000x64xf32>
    %gt3A_44 = arith.cmpf ogt, %add3A_42, %gt3A_43 : vector<10000x64xf32>
    %min3A = arith.constant 0.000000e+00 : f32
    %min3A_45 = vector.broadcast %min3A : f32 to vector<10000x64xf32>
    %min3A_46 = arith.minimumf %add3A_42, %min3A_45 : vector<10000x64xf32>
    %exp3A = math.exp %min3A_46 : vector<10000x64xf32>
    %sub3A_47 = arith.constant 1.000000e+00 : f32
    %sub3A_48 = vector.broadcast %sub3A_47 : f32 to vector<10000x64xf32>
    %sub3A_49 = arith.subf %exp3A, %sub3A_48 : vector<10000x64xf32>
    %select_n3A_50 = arith.select %gt3A_44, %add3A_42, %sub3A_49 : vector<10000x64xi1>, vector<10000x64xf32>
    %get3A_51 = arith.constant 0 : index
    %get3A_52 = arith.constant 0 : index
    %get3A_53 = vector.load %arg2[%get3A_51, %get3A_52] : memref<64x40xf32, #tpu.memory_space<vmem>>, vector<64x40xf32>
    %dot_general3A_54 = arith.constant dense<0.000000e+00> : vector<10000x40xf32>
    %dot_general3A_55 = tpu.matmul %select_n3A_50, %get3A_53, %dot_general3A_54 {dimension_numbers = #tpu.dot_dimension_numbers<[1], [0], [0], [1], [0, 0, 1, 1], [], []>, transpose_lhs_hint = false} : vector<10000x64xf32>, vector<64x40xf32>, vector<10000x40xf32> -> vector<10000x40xf32>
    %get3A_56 = arith.constant 0 : index
    %get3A_57 = arith.constant 0 : index
    %get3A_58 = vector.load %arg3[%get3A_56, %get3A_57] : memref<40x8xf32, #tpu.memory_space<vmem>>, vector<40x8xf32>
    %dot_general3A_59 = arith.constant dense<0.000000e+00> : vector<10000x8xf32>
    %dot_general3A_60 = tpu.matmul %dot_general3A_55, %get3A_58, %dot_general3A_59 {dimension_numbers = #tpu.dot_dimension_numbers<[1], [0], [0], [1], [0, 0, 1, 1], [], []>, transpose_lhs_hint = false} : vector<10000x40xf32>, vector<40x8xf32>, vector<10000x8xf32> -> vector<10000x8xf32>
    %get3A_61 = arith.constant 0 : index
    %get3A_62 = arith.constant 0 : index
    %get3A_63 = vector.load %arg4[%get3A_61, %get3A_62] : memref<40x8xf32, #tpu.memory_space<vmem>>, vector<40x8xf32>
    %dot_general3A_64 = arith.constant dense<0.000000e+00> : vector<10000x8xf32>
    %dot_general3A_65 = tpu.matmul %dot_general3A_55, %get3A_63, %dot_general3A_64 {dimension_numbers = #tpu.dot_dimension_numbers<[1], [0], [0], [1], [0, 0, 1, 1], [], []>, transpose_lhs_hint = false} : vector<10000x40xf32>, vector<40x8xf32>, vector<10000x8xf32> -> vector<10000x8xf32>
    %concatenate3A = tpu.concatenate %dot_general3A_55, %dot_general3A_60 in 1 : vector<10000x40xf32>, vector<10000x8xf32> -> vector<10000x48xf32>
    %swap3A = arith.constant 0 : index
    %swap3A_66 = arith.constant 0 : index
    %swap3A_67 = vector.load %arg5[%swap3A, %swap3A_66] : memref<10000x48xf32, #tpu.memory_space<vmem>>, vector<10000x48xf32>
    tpu.vector_store %arg5[%swap3A, %swap3A_66], %concatenate3A {strides = array<i32>} : memref<10000x48xf32, #tpu.memory_space<vmem>>, vector<10000x48xf32>,
    %reduce_max3A = arith.constant dense<0xFF800000> : vector<8xf32>
    %reduce_max3A_68 = vector.multi_reduction <maximumf>, %dot_general3A_60, %reduce_max3A [0] : vector<10000x8xf32> to vector<8xf32>
    %broadcast_in_dim3A = vector.shape_cast %reduce_max3A_68 : vector<8xf32> to vector<1x8xf32>
    %add3A_69 = vector.broadcast %broadcast_in_dim3A : vector<1x8xf32> to vector<10000x8xf32>
    %add3A_70 = arith.addf %add3A_69, %dot_general3A_65 : vector<10000x8xf32>
    %mul3A = arith.constant 2.000000e-01 : f32
    %mul3A_71 = vector.broadcast %mul3A : f32 to vector<10000x8xf32>
    %mul3A_72 = arith.mulf %mul3A_71, %add3A_70 : vector<10000x8xf32>
    %max3A = arith.maximumf %add3A_70, %mul3A_72 : vector<10000x8xf32>
    %slice3A_73 = vector.extract_strided_slice %dot_general3A_65 {offsets = [0, 0], sizes = [10000, 1], strides = [1, 1]} : vector<10000x8xf32> to vector<10000x1xf32>
    %slice3A_74 = vector.extract_strided_slice %max3A {offsets = [0, 0], sizes = [10000, 1], strides = [1, 1]} : vector<10000x8xf32> to vector<10000x1xf32>
    %broadcast_in_dim3A_75 = arith.constant 0.000000e+00 : f32
    %broadcast_in_dim3A_76 = vector.broadcast %broadcast_in_dim3A_75 : f32 to vector<10000x14xf32>
    %concatenate3A_77 = tpu.concatenate %slice3A_73, %slice3A_74, %broadcast_in_dim3A_76 in 1 : vector<10000x1xf32>, vector<10000x1xf32>, vector<10000x14xf32> -> vector<10000x16xf32>
    %broadcast_in_dim3A_78 = arith.constant 0.000000e+00 : f32
    %broadcast_in_dim3A_79 = vector.broadcast %broadcast_in_dim3A_78 : f32 to vector<240x16xf32>
    %concatenate3A_80 = tpu.concatenate %concatenate3A_77, %broadcast_in_dim3A_79 in 0 : vector<10000x16xf32>, vector<240x16xf32> -> vector<10240x16xf32>
    %swap3A_81 = arith.constant 0 : index
    %swap3A_82 = arith.constant 0 : index
    %swap3A_83 = vector.load %arg6[%swap3A_81, %swap3A_82] : memref<10240x16xf32, #tpu.memory_space<vmem>>, vector<10240x16xf32>
    tpu.vector_store %arg6[%swap3A_81, %swap3A_82], %concatenate3A_80 {strides = array<i32>} : memref<10240x16xf32, #tpu.memory_space<vmem>>, vector<10240x16xf32>,
    return
  }
}

module attributes {stable_mosaic.version = 14 : i64} {
  func.func @_tc3_body(%arg0: memref<20480x48xf32, #tpu.memory_space<vmem>>, %arg1: memref<1x40xf32, #tpu.memory_space<vmem>>, %arg2: memref<10000x40xf32, #tpu.memory_space<vmem>>) attributes {dimension_semantics = [], scalar_prefetch = 0 : i64, scratch_operands = 0 : i64, tpu.core_type = #tpu.core_type<tc>} {
    %get3A = arith.constant 0 : index
    %get3A_0 = arith.constant 0 : index
    %get3A_1 = vector.load %arg0[%get3A, %get3A_0] : memref<20480x48xf32, #tpu.memory_space<vmem>>, vector<20480x48xf32>
    %slice3A = vector.extract_strided_slice %get3A_1 {offsets = [0, 0], sizes = [10240, 48], strides = [1, 1]} : vector<20480x48xf32> to vector<10240x48xf32>
    %slice3A_2 = vector.extract_strided_slice %get3A_1 {offsets = [10240, 0], sizes = [10240, 48], strides = [1, 1]} : vector<20480x48xf32> to vector<10240x48xf32>
    %slice3A_3 = vector.extract_strided_slice %slice3A {offsets = [0, 0], sizes = [10000, 40], strides = [1, 1]} : vector<10240x48xf32> to vector<10000x40xf32>
    %slice3A_4 = vector.extract_strided_slice %slice3A_2 {offsets = [0, 0], sizes = [10000, 40], strides = [1, 1]} : vector<10240x48xf32> to vector<10000x40xf32>
    %add3A = arith.addf %slice3A_3, %slice3A_4 : vector<10000x40xf32>
    %slice3A_5 = vector.extract_strided_slice %slice3A {offsets = [0, 40], sizes = [10000, 1], strides = [1, 1]} : vector<10240x48xf32> to vector<10000x1xf32>
    %slice3A_6 = vector.extract_strided_slice %slice3A_2 {offsets = [0, 40], sizes = [10000, 1], strides = [1, 1]} : vector<10240x48xf32> to vector<10000x1xf32>
    %add3A_7 = arith.addf %slice3A_5, %slice3A_6 : vector<10000x1xf32>
    %add3A_8 = arith.constant 1.000000e-16 : f32
    %add3A_9 = vector.broadcast %add3A_8 : f32 to vector<10000x1xf32>
    %add3A_10 = arith.addf %add3A_7, %add3A_9 : vector<10000x1xf32>
    %div3A = vector.broadcast %add3A_10 : vector<10000x1xf32> to vector<10000x40xf32>
    %div3A_11 = arith.divf %add3A, %div3A : vector<10000x40xf32>
    %get3A_12 = arith.constant 0 : index
    %get3A_13 = arith.constant 0 : index
    %get3A_14 = vector.load %arg1[%get3A_12, %get3A_13] : memref<1x40xf32, #tpu.memory_space<vmem>>, vector<1x40xf32>
    %add3A_15 = vector.broadcast %get3A_14 : vector<1x40xf32> to vector<10000x40xf32>
    %add3A_16 = arith.addf %div3A_11, %add3A_15 : vector<10000x40xf32>
    %reduce_max3A = arith.constant dense<0xFF800000> : vector<10000xf32>
    %reduce_max3A_17 = vector.multi_reduction <maximumf>, %add3A_16, %reduce_max3A [1] : vector<10000x40xf32> to vector<10000xf32>
    %broadcast_in_dim3A = vector.shape_cast %reduce_max3A_17 : vector<10000xf32> to vector<10000x1xf32>
    %sub3A = vector.broadcast %broadcast_in_dim3A : vector<10000x1xf32> to vector<10000x40xf32>
    %sub3A_18 = arith.subf %add3A_16, %sub3A : vector<10000x40xf32>
    %exp3A = math.exp %sub3A_18 : vector<10000x40xf32>
    %reduce_sum3A = arith.constant dense<0.000000e+00> : vector<10000xf32>
    %reduce_sum3A_19 = vector.multi_reduction <add>, %exp3A, %reduce_sum3A [1] : vector<10000x40xf32> to vector<10000xf32>
    %broadcast_in_dim3A_20 = vector.shape_cast %reduce_sum3A_19 : vector<10000xf32> to vector<10000x1xf32>
    %log3A = math.log %broadcast_in_dim3A_20 : vector<10000x1xf32>
    %sub3A_21 = vector.broadcast %log3A : vector<10000x1xf32> to vector<10000x40xf32>
    %sub3A_22 = arith.subf %sub3A_18, %sub3A_21 : vector<10000x40xf32>
    %swap3A = arith.constant 0 : index
    %swap3A_23 = arith.constant 0 : index
    %swap3A_24 = vector.load %arg2[%swap3A, %swap3A_23] : memref<10000x40xf32, #tpu.memory_space<vmem>>, vector<10000x40xf32>
    tpu.vector_store %arg2[%swap3A, %swap3A_23], %sub3A_22 {strides = array<i32>} : memref<10000x40xf32, #tpu.memory_space<vmem>>, vector<10000x40xf32>,
    return
  }
}

</mosaic_0001>

<sc_bundles>
// kernel: kernel.10.cloned.1.call-start
scs
__scs_entry_jumppad:
0x0: {  	(pc) =	sbr.rel $0x88, $3  }
0x1: {  	(tag) =	ssettag $0x0;
	lr =	simm.s32 $0x1  }
0x2: {  	[smem:$0x3F97] =	sst lr;
	_ =	strace $0xD0000000  }
0x3: {  	_ = 	snop  }
0x4: {  	_ = 	snop  }
0x5: {  	_ = 	snop  }
0x6: {  	_ = 	snop  }
0x7: {  	_ = 	snop  }
__scs_overlays_trampoline_lowered:
0x8: {  	[smem:$0x3FA6] =	sst s0  }
0x9: {  	[smem:$0x3FA7] =	sst s1  }
0xa: {  	[smem:$0x3FA8] =	sst s2  }
0xb: {  	[smem:$0x3FA9] =	sst s3  }
0xc: {  	[smem:$0x3FAA] =	sst s4  }
0xd: {  	[smem:$0x3FAB] =	sst s5  }
0xe: {  	[smem:$0x3FAC] =	sst s6  }
0xf: {  	[smem:$0x3FAD] =	sst s7  }
0x10: {  	[smem:$0x3FAE] =	sst s8  }
0x11: {  	[smem:$0x3FAF] =	sst s9;
	s0 =	simm.s32 @!p0 $0x0  }
0x12: {  	s1 =	sld [smem:$0x3F95];
	s0 =	simm.s32 @p0 $0x1  }
0x13: {  	[smem:$0x3FB0] =	sst s0;
	s0 =	simm.s32 @!p1 $0x0  }
0x14: {  	s2 =	sld [smem:$0x3F94];
	s0 =	simm.s32 @p1 $0x1  }
0x15: {  	[smem:$0x3FB1] =	sst s0;
	s0 =	simm.s32 @!p2 $0x0  }
0x16: {  	s3 =	sld [smem:$0x3FDB];
	s0 =	simm.s32 @p2 $0x1  }
0x17: {  	s4 =	simm.s32 $0x1BF5;
	[smem:$0x3FB3] =	sst s0  }
0x18: {  	s0 =	sld [smem:$0x3F96];
	_ =	swait.ge [sflag:s4], $0x0  }
0x19: {  	s7 =	sld [smem:$0x3F97]  }
0x1a: {  	s8 =	sadd.s32 $0xFFFFE003, lr  }
0x1b: {  	s9 =	sadd.s32 $0xFFFFFEF7, lr;
	s5 =	simm.s32 $0xFFFFFFFF;
	p2 =	slt.u32 s8, $0xFFFFF086  }
0x1c: {  	p1 =	slt.u32 s9, $0xF7A;
	s5 =	simm.s32 @!p2 $0x0  }
0x1d: {  	s5 =	simm.s32 @p1 $0x1;
	p0 =	seq.s32 s7, s2  }
0x1e: {  	s7 =	smul.u32 @!p0 $0xF7A, s2;
	p2 =	seq.s32 @!p0 s5, $0x0  }
0x1f: {  	s9 =	smul.u32 $0xF7A, s1;
	s8 =	simm.s32 @!p0 $0x1BF5;
	p2 =	por !p2, p0  }
0x20: {  	[sflag:s8] =	ssyncset.s32 @!p0 $0xFFFFF086;
	s6 =	sadd.s32 @!p0 s3, s7;
	s7 =	simm.s32 @!p0 $0x108  }
0x21: {  	s3 =	sadd.s32 s3, s9;
	s6 =	sadd.s32 @!p0 $0x88, s6;
	s7 =	simm.s32 @p2 $0x1082  }
0x22: {  	[simem:s7], [sflag:s8] =	dma.local @!p0 [hbm:s6], $0xF7A  }
0x23: {  	s9 =	sor.u32 $0xD0000000, s2;
	s6 =	simm.s32 $0x108;
	_ =	swait.ge @!p0 [sflag:s8], $0x0  }
0x24: {  	s3 =	sadd.s32 $0x88, s3;
	s6 =	simm.s32 @!p1 $0x1082;
	[sflag:s4] =	ssyncset.s32 $0xFFFFF086  }
0x25: {  	[simem:s6], [sflag:s4] =	dma.local [hbm:s3], $0xF7A  }
0x26: {  	[smem:$0x3F97] =	sst s1;
	(tag) =	ssettag s2;
	_ =	strace s9  }
0x27: {  	s1 =	sld [smem:$0x3FA7]  }
0x28: {  	s2 =	sld [smem:$0x3FA8]  }
0x29: {  	s4 =	sld [smem:$0x3FAA]  }
0x2a: {  	p0 =	seq.s32 s5, $0x0;
	s5 =	sld [smem:$0x3FAB]  }
0x2b: {  	s6 =	sld [smem:$0x3FAC]  }
0x2c: {  	s7 =	sld [smem:$0x3FAD]  }
0x2d: {  	s3 =	simm.s32 $0x108;
	s8 =	sld [smem:$0x3FAE]  }
0x2e: {  	s3 =	simm.s32 @!p0 $0x1082;
	s9 =	sld [smem:$0x3FAF]  }
0x2f: {  	lr =	sadd.s32 s0, s3;
	s0 =	sld [smem:$0x3FA6]  }
0x30: {  	s3 =	sld [smem:$0x3FA9]  }
0x31: {  	[smem:$0x3FB2] =	sst s10  }
0x32: {  	s10 =	sld [smem:$0x3FB0];
	_ =	sdelay $0x3  }
0x33: {  	p0 =	seq.s32 s10, $0x1;
	s10 =	sld [smem:$0x3FB2];
	_ =	sdelay $0x3  }
0x34: {  	[smem:$0x3FB2] =	sst s10  }
0x35: {  	s10 =	sld [smem:$0x3FB1];
	_ =	sdelay $0x3  }
0x36: {  	p1 =	seq.s32 s10, $0x1;
	s10 =	sld [smem:$0x3FB2];
	_ =	sdelay $0x3  }
0x37: {  	[smem:$0x3FB2] =	sst s10  }
0x38: {  	s10 =	sld [smem:$0x3FB3]  }
0x39: {  	_ = 	snop;
	(pc) =	sbr.ind lr, $3  }
0x3a: {  	_ = 	snop  }
0x3b: {  	_ = 	snop  }
0x3c: {  	p2 =	seq.s32 s10, $0x1;
	s10 =	sld [smem:$0x3FB2]  }
0x3d: {  	_ =	shalt  }
0x3e: {  	_ =	shalt  }
0x3f: {  	_ =	shalt  }
0x40: {  	_ =	shalt  }
0x41: {  	_ =	shalt  }
0x42: {  	_ =	shalt  }
0x43: {  	_ =	shalt  }
0x44: {  	_ =	shalt  }
0x45: {  	_ =	shalt  }
0x46: {  	_ =	shalt  }
0x47: {  	_ =	shalt  }
0x48: {  	_ =	shalt  }
0x49: {  	_ =	shalt  }
0x4a: {  	_ =	shalt  }
0x4b: {  	_ =	shalt  }
0x4c: {  	_ =	shalt  }
0x4d: {  	_ =	shalt  }
0x4e: {  	_ =	shalt  }
0x4f: {  	_ =	shalt  }
0x50: {  	_ =	shalt  }
0x51: {  	_ =	shalt  }
0x52: {  	_ =	shalt  }
0x53: {  	_ =	shalt  }
0x54: {  	_ =	shalt  }
0x55: {  	_ =	shalt  }
0x56: {  	_ =	shalt  }
0x57: {  	_ =	shalt  }
0x58: {  	_ =	shalt  }
0x59: {  	_ =	shalt  }
0x5a: {  	_ =	shalt  }
0x5b: {  	_ =	shalt  }
0x5c: {  	_ =	shalt  }
0x5d: {  	_ =	shalt  }
0x5e: {  	_ =	shalt  }
0x5f: {  	_ =	shalt  }
0x60: {  	_ =	shalt  }
0x61: {  	_ =	shalt  }
0x62: {  	_ =	shalt  }
0x63: {  	_ =	shalt  }
0x64: {  	_ =	shalt  }
0x65: {  	_ =	shalt  }
0x66: {  	_ =	shalt  }
0x67: {  	_ =	shalt  }
0x68: {  	_ =	shalt  }
0x69: {  	_ =	shalt  }
0x6a: {  	_ =	shalt  }
0x6b: {  	_ =	shalt  }
0x6c: {  	_ =	shalt  }
0x6d: {  	_ =	shalt  }
0x6e: {  	_ =	shalt  }
0x6f: {  	_ =	shalt  }
0x70: {  	_ =	shalt  }
0x71: {  	_ =	shalt  }
0x72: {  	_ =	shalt  }
0x73: {  	_ =	shalt  }
0x74: {  	_ =	shalt  }
0x75: {  	_ =	shalt  }
0x76: {  	_ =	shalt  }
0x77: {  	_ =	shalt  }
0x78: {  	_ =	shalt  }
0x79: {  	_ =	shalt  }
0x7a: {  	_ =	shalt  }
0x7b: {  	_ =	shalt  }
0x7c: {  	_ =	shalt  }
0x7d: {  	_ =	shalt  }
0x7e: {  	_ =	shalt  }
0x7f: {  	_ =	shalt  }
0x80: {  	_ =	shalt  }
0x81: {  	_ =	shalt  }
0x82: {  	_ =	shalt  }
0x83: {  	_ =	shalt  }
0x84: {  	_ =	shalt  }
0x85: {  	_ =	shalt  }
0x86: {  	_ =	shalt  }
0x87: {  	_ =	shalt  }
.Lfunc_end0:
.L_simem_size_0:
called_computation.1_lowered:
.L_overlay_start_0:
0x88: {  	s2 =	sld [smem:$0x3FD9]  }
0x89: {  	s3 =	sld [smem:$0x3FFE];
	_ =	sdelay $0x1  }
0x8a: {  	s1 =	srdreg.scid  }
0x8b: {  	s0 =	sand.u32 $0x1, s1  }
0x8c: {  	s17 =	sshll.u32 s0, $0xA;
	s2 =	sadd.s32 s3, s2  }
0x8d: {  	s2 =	sadd.s32 s2, s17  }
0x8e: {  	[smem:$0x3FBE] =	sst s2  }
0x8f: {  	_ = 	snop  }
0x90: {  	s2 =	sld [smem:$0x3FD0];
	(tm) =	ssettm $0x1  }
0x91: {  	s18 =	sld [smem:$0x3FFB];
	_ =	sdelay $0x3  }
0x92: {  	_ =	strace s18  }
0x93: {  	s3 =	sld [smem:$0x3FFC];
	_ =	sdelay $0x3  }
0x94: {  	_ =	strace s3  }
0x95: {  	s3 =	sld [smem:$0x3FFD];
	_ =	sdelay $0x3  }
0x96: {  	_ =	strace s3  }
0x97: {  	_ =	strace $0x8FFFFFFF  }
0x98: {  	s19 =	sld [smem:$0x3FDB];
	_ =	sdelay $0x1  }
0x99: {  	s4 =	simm.s32 $_scs_section_size  }
0x9a: {  	s5 =	simm.s32 $_size__tile_overlayer_lowered;
	s6 =	simm.s32 $_tile_overlayer_lowered  }
0x9b: {  	s22 =	simm.s32 $0x1BFF;
	s21 =	sshll.u32 s6, $0x1;
	s3 =	sadd.s32 s4, s19  }
0x9c: {  	s7 =	simm.s32 $0x0;
	s20 =	sshll.u32 s5, $0x1;
	s5 =	sadd.s32 s21, s3  }
0x9d: {  	[timem:s7], [sflag:s22] =	dma.local [hbm:s5], s20  }
0x9e: {  	_ =	swait.ge [sflag:s22], s20  }
0x9f: {  	s4 =	ssub.s32 $0x0, s20;
	[sflag:s22] =	ssyncset.done $0x0  }
0xa0: {  	[sflag:s22] =	ssyncadd.s32 s4;
	_ =	sdelay $0x1  }
0xa1: {  	s23 =	simm.s32 $0x1B8B  }
0xa2: {  	_ =	swait.ge [sflag:s23], $0x1  }
0xa3: {  	[sflag:s23] =	ssyncset.done $0x0  }
0xa4: {  	s25 =	simm.s32 $0x1B8E;
	s24 =	sld [smem:$0x3FFE];
	[sflag:s23] =	ssyncadd.s32 $0xFFFFFFFF  }
0xa5: {  	s26 =	simm.s32 $execute0_lowered;
	[smem:$0x3FD2] =	sst s25  }
0xa6: {  	s5 =	sshll.u32 s26, $0x1;
	_ =	strace $0x80000049;
	[dreg:$0x1] =	wrdreg $0xFFFFFFFF  }
0xa7: {  	s28 =	simm.s32 $_size_execute0_lowered;
	s3 =	sadd.s32 s3, s5;
	[dreg:$0x0] =	wrdreg $0x0  }
0xa8: {  	s5 =	sshll.u32 s28, $0x1;
	[dreg:$0x2] =	wrdreg s3  }
0xa9: {  	[dreg:$0x3] =	wrdreg s5  }
0xaa: {  	[dreg:$0x4] =	wrdreg $0xC0  }
0xab: {  	_ =	task [dreg:s7], $0x5FFFF  }
0xac: {  	[dreg:$0x1] =	wrdreg $0xFFFFFFFF  }
0xad: {  	[dreg:$0x0] =	wrdreg $0x60  }
0xae: {  	[dreg:$0x2] =	wrdreg s24  }
0xaf: {  	[dreg:$0x3] =	wrdreg s2  }
0xb0: {  	[dreg:$0x4] =	wrdreg $0x0  }
0xb1: {  	[dreg:$0x5] =	wrdreg $0x9  }
0xb2: {  	_ =	task.clear_ibuf [dreg:s7], $0x6FFFF;
	_ =	strace $0x90000049  }
0xb3: {  	s29 =	simm.s32 $0x9;
	_ =	strace $0x8000004B  }
0xb4: {  	_ =	swait.ge [sflag:s29], $0x1  }
0xb5: {  	[sflag:s29] =	ssyncadd.s32 $0xFFFFFFFF  }
0xb6: {  	_ =	strace $0x9000004B  }
0xb7: {  	_ =	sfence  }
0xb8: {  	s30 =	sld [smem:$0x0];
	_ =	sdelay $0x2  }
0xb9: {  	s31 =	sshll.u32 s1, $0xD;
	s1 =	sshrl.u32 s1, $0x2  }
0xba: {  	s3 =	sand.u32 $0x4000, s31;
	s1 =	sadd.s32 s1, s30  }
0xbb: {  	s0 =	sor.u32 s3, s0;
	s1 =	sshll.u32 s1, $0x11  }
0xbc: {  	s0 =	sor.u32 s1, s0  }
0xbd: {  	s0 =	sadd.s32 $0x8F2B, s0  }
0xbe: {  	[sflag:s0] =	ssyncadd.remote.s32 $0x1  }
0xbf: {  	_ =	sfence.sel $0xFFFF  }
0xc0: {  	[dreg:$0x0] =	wrdreg $0xFFFFFFFF;
	(pc) =	sbr.abs _section_cstart, $3  }
0xc1: {  	[dreg:$0x1] =	wrdreg $0xFFFFFFFF  }
0xc2: {  	_ =	task.clear_ibuf [dreg:s7], $0x2FFFF;
	_ =	strace $0x9FFFFFFF  }
0xc3: {  	(tm) =	ssettm $0x7FFFFFFF  }
tec
execute0_lowered:
.L_overlay_start_1:
0x0: {  	(tag) =	ssettag $0x1  }
0x1: {  	s0 =	rddreg [dreg:$0x0]  }
0x2: {  	s1 =	rddreg [dreg:$0x1]  }
0x3: {  	s2 =	rddreg [dreg:$0x2]  }
0x4: {  	s3 =	srdreg.scid;
	s13 =	stileid.u32  }
0x5: {  	s4 =	simm.s32 $0x0;
	s31 =	simm.s32 $0x7;
	s3 =	sand.u32 $0x1, s3  }
0x6: {  	s6 =	smul.u32 $0x280, s13;
	[smem:$0x7FF] =	sst s4;
	s4 =	sadd.s32 $0x1400, s0  }
0x7: {  	s11 =	sadd.s32 $0x29000, s0;
	s25 =	smul.u32 $0x7800, s13;
	s24 =	sshll.u32 s3, $0x4  }
0x8: {  	s5 =	smul.u32 $0x2800, s3;
	_ =	strace $0x8000004A;
	s3 =	ssub.s32 $0x2, s3  }
0x9: {  	s7 =	sor.u32 s13, s24;
	s10 =	sshrl.u32 s3, $0x1;
	s28 =	sadd.s32 $0x80, s6  }
0xa: {  	s29 =	sshrl.u32 s25, $0x3;
	s30 =	sadd.s32 s25, s2;
	s14 =	sadd.s32 $0x3000, s25  }
0xb: {  	s16 =	sadd.s32 $0x4800, s25;
	s17 =	sadd.s32 $0x6000, s25;
	s7 =	smul.u32 $0x520, s7  }
0xc: {  	s8 =	sadd.s32 s5, s6;
	s5 =	sadd.s32 $0x10000, s0;
	s6 =	smul.u32 $0x30, s28  }
0xd: {  	s3 =	ssub.s32 s3, s10;
	s10 =	sshll.u32 s13, $0x6;
	s13 =	smul.u32 $0x1E000, s13  }
0xe: {  	s15 =	sshrl.u32 s14, $0x3;
	s8 =	smul.u32 $0x6, s8;
	s3 =	smax.u32 s3, $0x1  }
0xf: {  	s10 =	sor.u32 $0x1C07, s10;
	s9 =	sadd.s32 s7, s0;
	s1 =	sadd.s32 s1, s7  }
0x10: {  	[dreg:$0x6] =	wrdreg s3;
	s3 =	sadd.s32 s11, s29;
	s12 =	sshrl.u32 s6, $0x3  }
0x11: {  	s6 =	sadd.s32 s6, s2;
	s19 =	sadd.s32 $0xC000, s13;
	s20 =	sadd.s32 $0x12000, s13  }
0x12: {  	s7 =	sshrl.u32 s30, $0x3;
	s0 =	sadd.s32 s8, s0;
	[dreg:$0x4] =	wrdreg s1  }
0x13: {  	s26 =	sadd.s32 $0x1EC00, s9;
	[dreg:$0x7] =	wrdreg s3;
	s3 =	sadd.s32 s11, s12  }
0x14: {  	s9 =	sadd.s32 s14, s2;
	s12 =	sadd.s32 s16, s2;
	s1 =	smul.u32 $0xC0, s28  }
0x15: {  	s8 =	sadd.s32 s17, s2;
	s14 =	sshrl.u32 s13, $0x2;
	[dreg:$0x11] =	wrdreg s7  }
0x16: {  	s13 =	sadd.s32 $0x18000, s13;
	s6 =	sshrl.u32 s6, $0x3;
	[dreg:$0x5] =	wrdreg s26  }
0x17: {  	s7 =	simm.s32 $0x11A00;
	[dreg:$0x8] =	wrdreg s3;
	s3 =	sadd.s32 s11, s15  }
0x18: {  	s18 =	sadd.s32 s14, s2;
	s14 =	sshrl.u32 s20, $0x2;
	[dreg:$0x12] =	wrdreg s6  }
0x19: {  	s13 =	sshrl.u32 s13, $0x2;
	s15 =	sadd.s32 $0x38000, s0;
	[dreg:$0x9] =	wrdreg s3  }
0x1a: {  	s21 =	sadd.s32 $0x38300, s0;
	s22 =	sadd.s32 $0x38600, s0;
	[dreg:$0xc] =	wrdreg s15  }
0x1b: {  	s23 =	sadd.s32 $0x38900, s0;
	s0 =	sadd.s32 $0x38C00, s0;
	[dreg:$0xd] =	wrdreg s21  }
0x1c: {  	s25 =	sshrl.u32 s9, $0x3;
	s26 =	sshrl.u32 s12, $0x3;
	[dreg:$0xe] =	wrdreg s22  }
0x1d: {  	s28 =	sshrl.u32 s8, $0x3;
	s6 =	simm.s32 $0x10200;
	[dreg:$0xf] =	wrdreg s23  }
0x1e: {  	s8 =	simm.s32 $0x1;
	s9 =	simm.s32 $0x2;
	[dreg:$0x10] =	wrdreg s0  }
0x1f: {  	s12 =	simm.s32 $0x3;
	s3 =	sshrl.u32 s16, $0x3;
	[dreg:$0x13] =	wrdreg s25  }
0x20: {  	s1 =	sshrl.u32 s1, $0x2;
	s14 =	sadd.s32 s14, s2;
	[dreg:$0x14] =	wrdreg s26  }
0x21: {  	s24 =	sadd.s32 s13, s2;
	[dreg:$0x15] =	wrdreg s28;
	s13 =	simm.s32 $0x4  }
0x22: {  	s15 =	simm.s32 $0x6;
	s3 =	sadd.s32 s11, s3;
	s1 =	sadd.s32 s1, s2  }
0x23: {  	s30 =	sshrl.u32 s14, $0x3;
	s0 =	sshrl.u32 s24, $0x3;
	[dreg:$0xa] =	wrdreg s3  }
0x24: {  	s14 =	simm.s32 $0x12200;
	s3 =	sshrl.u32 s17, $0x3;
	[dreg:$0x19] =	wrdreg s30  }
0x25: {  	s1 =	sshrl.u32 s1, $0x3;
	[dreg:$0x1a] =	wrdreg s0;
	s0 =	simm.s32 $0x5  }
0x26: {  	s3 =	sadd.s32 s11, s3;
	s11 =	sshrl.u32 s19, $0x2;
	[dreg:$0x17] =	wrdreg s1  }
0x27: {  	[dreg:$0xb] =	wrdreg s3;
	s11 =	sadd.s32 s11, s2;
	s3 =	sshrl.u32 s18, $0x3  }
0x28: {  	v0 =	vimm.s32 $0x8;
	s1 =	simm.s32 $0x0;
	[dreg:$0x16] =	wrdreg s3;
	s29 =	sshrl.u32 s11, $0x3  }
0x29: {  	v1 =	vimm.s32 $0x0;
	v2 =	vimm.s32 $0x1;
	vm0 =	vcmask $0x1F24;
	s3 =	simm.s32 $0x80;
	s11 =	simm.s32 $0xEA00;
	[dreg:$0x18] =	wrdreg s29  }
.LBB2_1:
0x2a: {  	s16 =	rddreg [dreg:$0x7]  }
0x2b: {  	s17 =	rddreg [dreg:$0x11]  }
0x2c: {  	[spmem:s17], [sflag:s10] =	dma.local [hbm:s16], $0x300  }
0x2d: {  	_ =	swait.ge [sflag:s31], $0x300  }
0x2e: {  	[sflag:s31] =	ssyncset.done $0x0;
	s17 =	rddreg [dreg:$0x8]  }
0x2f: {  	s18 =	rddreg [dreg:$0x12];
	[sflag:s31] =	ssyncadd.s32 $0xFFFFFD00  }
0x30: {  	[spmem:s18], [sflag:s10] =	dma.local [hbm:s17], $0x300  }
0x31: {  	_ =	swait.ge [sflag:s31], $0x300  }
0x32: {  	[sflag:s31] =	ssyncset.done $0x0;
	s19 =	rddreg [dreg:$0x9]  }
0x33: {  	s20 =	rddreg [dreg:$0x13];
	[sflag:s31] =	ssyncadd.s32 $0xFFFFFD00  }
0x34: {  	[spmem:s20], [sflag:s10] =	dma.local [hbm:s19], $0x300  }
0x35: {  	_ =	swait.ge [sflag:s31], $0x300  }
0x36: {  	[sflag:s31] =	ssyncset.done $0x0;
	s21 =	rddreg [dreg:$0xa]  }
0x37: {  	s22 =	rddreg [dreg:$0x14];
	[sflag:s31] =	ssyncadd.s32 $0xFFFFFD00  }
0x38: {  	[spmem:s22], [sflag:s10] =	dma.local [hbm:s21], $0x300  }
0x39: {  	_ =	swait.ge [sflag:s31], $0x300  }
0x3a: {  	[sflag:s31] =	ssyncset.done $0x0;
	s23 =	rddreg [dreg:$0xb]  }
0x3b: {  	s24 =	rddreg [dreg:$0x15];
	[sflag:s31] =	ssyncadd.s32 $0xFFFFFD00  }
0x3c: {  	[spmem:s24], [sflag:s10] =	dma.local [hbm:s23], $0x300  }
0x3d: {  	_ =	swait.ge [sflag:s31], $0x300  }
0x3e: {  	s25 =	simm.s32 $0x0;
	[sflag:s31] =	ssyncset.done $0x0  }
0x3f: {  	s18 =	simm.s32 $0x7800;
	s26 =	rddreg [dreg:$0x4];
	[sflag:s31] =	ssyncadd.s32 $0xFFFFFD00  }
0x40: {  	[tilespmem:s18], [sflag:$0x7] =	stream.linear.gather [hbm4b:s26+s25], $0x2900, $0x38;
	[tilespmem:$0x13A00] =	vst v63  }
0x41: {  	_ =	swait.ge [sflag:s31], $0x2900  }
0x42: {  	[sflag:s31] =	ssyncset.done $0x0  }
0x43: {  	s19 =	simm.s32 $0xA100;
	s28 =	rddreg [dreg:$0x5];
	[sflag:s31] =	ssyncadd.s32 $0xFFFFD700  }
0x44: {  	[tilespmem:s19], [sflag:$0x7] =	stream.linear.gather [hbm4b:s28+s25], $0x2900, $0x38;
	[tilespmem:$0x13A00] =	vst v63  }
0x45: {  	_ =	swait.ge [sflag:s31], $0x2900  }
0x46: {  	[sflag:s31] =	ssyncset.done $0x0  }
0x47: {  	[sflag:s31] =	ssyncadd.s32 $0xFFFFD700  }
0x48: {  	s29 =	simm.s32 $0xCA00;
	[bflag:$0x0] =	sbarrier.arrive $0xFFFF  }
0x49: {  	[tilespmem:s29], [sflag:$0x1] =	stream.indirect.gather [hbm4b:s4+s3], $0x30, s18, s3, $0xb8;
	[tilespmem:$0x13A00] =	vst v63  }
0x4a: {  	s30 =	simm.s32 $0xE200;
	s16 =	simm.s32 $0x0  }
0x4b: {  	[tilespmem:s30], [sflag:$0x2] =	stream.indirect.gather [hbm4b:s5+s3], $0x10, s19, s3, $0xb8;
	[tilespmem:$0x13A00] =	vst v63  }
.LBB2_2:
0x4c: {  	s18 =	sshll.u32 s16, $0x8  }
0x4d: {  	s17 =	sadd.s32 $0x7880, s18  }
0x4e: {  	[tilespmem:s6], [sflag:$0x3] =	stream.indirect.gather [hbm4b:s4+s3], $0x30, s17, s3, $0xb8;
	[tilespmem:$0x13A00] =	vst v63  }
0x4f: {  	s17 =	sadd.s32 $0xA180, s18  }
0x50: {  	[tilespmem:s7], [sflag:$0x4] =	stream.indirect.gather [hbm4b:s5+s3], $0x10, s17, s3, $0xb8;
	[tilespmem:$0x13A00] =	vst v63  }
0x51: {  	_ =	swait.ge [sflag:s8], $0x1800  }
0x52: {  	[sflag:s8] =	ssyncset.done $0x0  }
0x53: {  	[sflag:s8] =	ssyncadd.s32 $0xFFFFE800  }
0x54: {  	_ =	swait.ge [sflag:s9], $0x800  }
0x55: {  	p0 =	seq.s32 s16, $0x0;
	[sflag:s9] =	ssyncset.done $0x0  }
0x56: {  	s19 =	simm.s32 @!p0 $0x5;
	[sflag:s9] =	ssyncadd.s32 $0xFFFFF800  }
0x57: {  	_ =	swait.ge @!p0 [sflag:s19], $0x1800  }
0x58: {  	[sflag:s19] =	ssyncset.done @!p0 $0x0  }
0x59: {  	s25 =	simm.s32 $0xE220;
	[sflag:s19] =	ssyncadd.s32 @!p0 $0xFFFFE800  }
0x5a: {  	s26 =	simm.s32 $0xCA60;
	v3 =	vld [tilespmem:s25+$0xFFFFFFF0]  }
0x5b: {  	v10 =	vld [tilespmem:s26+$0xFFFFFFF0]  }
0x5c: {  	v20 =	vld [tilespmem:s26+$0x20]  }
0x5d: {  	v4 =	vld [tilespmem:s25+$0xFFFFFFE0]  }
0x5e: {  	v5 =	vld [tilespmem:s25+$0x10]  }
0x5f: {  	v8 =	vld [tilespmem:s25+$0x0]  }
0x60: {  	v13 =	vld [tilespmem:s26+$0xFFFFFFC0]  }
0x61: {  	v6 =	vperm.xlane v3, v1  }
0x62: {  	s20 =	simm.s32 $0xE260;
	v14 =	vld [tilespmem:s26+$0x50];
	v7 =	vperm.xlane v10, v0;
	v9 =	vperm.xlane v4, v1  }
0x63: {  	s21 =	simm.s32 $0xE2A0;
	v16 =	vld [tilespmem:s20+$0x10];
	v11 =	vperm.xlane v3, v2;
	v15 =	vperm.xlane v5, v1  }
0x64: {  	s22 =	simm.s32 $0xE2E0;
	v32 =	vld [tilespmem:s21+$0x10];
	v17 =	vperm.xlane v20, v0;
	v18 =	vperm.xlane v8, v1  }
0x65: {  	v42 =	vld [tilespmem:s22+$0x0];
	v21 =	vperm.xlane v8, v2;
	v6 =	vadd.f32 v6, v7;
	v7 =	vperm.xlane v13, v0  }
0x66: {  	s19 =	simm.s32 $0xCB20;
	v4 =	vperm.xlane v4, v2;
	v5 =	vperm.xlane v5, v2  }
0x67: {  	v3 =	vld [tilespmem:s19+$0xFFFFFFC0];
	v12 =	vmul.f32 $2.000000030e-01, v6;
	v9 =	vadd.f32 v9, v7;
	v7 =	vperm.xlane v14, v0  }
0x68: {  	v26 =	vperm.xlane v16, v1;
	v16 =	vperm.xlane v16, v2;
	v17 =	vadd.f32 v18, v17;
	v18 =	vld [tilespmem:s20+$0x0]  }
0x69: {  	v19 =	vld [tilespmem:s20+$0xFFFFFFF0];
	v53 =	vperm.xlane v32, v1;
	v6 =	vmax.f32 v6, v12;
	v15 =	vadd.f32 v15, v7  }
0x6a: {  	v41 =	vperm.xlane v32, v2;
	v62 =	vperm.xlane v42, v1;
	v12 =	vld [tilespmem:s19+$0xFFFFFFF0];
	v6 =	vsub.f32 v6, v11  }
0x6b: {  	v24 =	vmul.f32 $2.000000030e-01, v17;
	v22 =	vmul.f32 $2.000000030e-01, v15  }
0x6c: {  	v23 =	vld [tilespmem:s20+$0xFFFFFFE0];
	v11 =	vmul.f32 $2.000000030e-01, v9;
	v6 =	vmul.f32 $1.442695020e+00, v6  }
0x6d: {  	v25 =	vperm.xlane v3, v0;
	v7 =	vld [tilespmem:s19+$0x20];
	v15 =	vmax.f32 v15, v22;
	v22 =	vperm.xlane v18, v2  }
0x6e: {  	v8 =	vld [tilespmem:s19+$0x50];
	(erf) = vpow2.f32 v6;
	v6 =	vmax.f32 v9, v11;
	v9 =	vperm.xlane v19, v1  }
0x6f: {  	v11 =	vperm.xlane v12, v0;
	v19 =	vperm.xlane v19, v2  }
0x70: {  	v5 =	vsub.f32 v15, v5;
	v15 =	vperm.xlane v18, v1;
	v6 =	vsub.f32 v6, v4  }
0x71: {  	v4 =	vperm.xlane v23, v1;
	v23 =	vperm.xlane v23, v2;
	v9 =	vadd.f32 v9, v11  }
0x72: {  	v11 =	vperm.xlane v7, v0;
	v5 =	vmul.f32 $1.442695020e+00, v5  }
0x73: {  	v27 =	vld [tilespmem:s26+$0xFFFFFFD0];
	s20 =	simm.s32 $0xCBE0;
	v18 =	vadd.f32 v4, v25;
	v25 =	vperm.xlane v8, v0;
	v28 =	vmul.f32 $2.000000030e-01, v9  }
0x74: {  	v4 =	vld [tilespmem:s20+$0xFFFFFFC0];
	v6 =	vmul.f32 $1.442695020e+00, v6;
	v29 =	vadd.f32 v15, v11;
	v11 =	vmax.f32 v17, v24  }
0x75: {  	v25 =	vadd.f32 v26, v25;
	v26 =	vld [tilespmem:s21+$0xFFFFFFF0];
	v17 =	vsub.f32 v11, v21;
	v9 =	vmax.f32 v9, v28  }
0x76: {  	v15 =	vmul.f32 $2.000000030e-01, v18;
	v28 =	vmul.f32 $2.000000030e-01, v29;
	v9 =	vsub.f32 v9, v19  }
0x77: {  	v30 =	vmul.f32 $2.000000030e-01, v25;
	v33 =	vmul.f32 $1.442695020e+00, v17  }
0x78: {  	v19 =	vld [tilespmem:s21+$0x0];
	v18 =	vmax.f32 v18, v15;
	v24 =	vpop (erf);
	v9 =	vmul.f32 $1.442695020e+00, v9;
	(erf) = vpow2.f32 v6  }
0x79: {  	v31 =	vld [tilespmem:s21+$0xFFFFFFE0];
	v18 =	vsub.f32 v18, v23;
	v21 =	vmul.f32 v24, v27;
	(erf) = vpow2.f32 v5  }
0x7a: {  	v11 =	vld [tilespmem:s20+$0xFFFFFFF0];
	v28 =	vmax.f32 v29, v28;
	v5 =	vperm.xlane v4, v0;
	v27 =	vperm.xlane v26, v2  }
0x7b: {  	v6 =	vld [tilespmem:s20+$0x20];
	v22 =	vsub.f32 v28, v22;
	v15 =	vperm.xlane v26, v1;
	v40 =	vmul.f32 v24, v10  }
0x7c: {  	s23 =	simm.s32 $0xEA60;
	v29 =	vld [tilespmem:s22+$0xFFFFFFF0];
	v18 =	vmul.f32 $1.442695020e+00, v18;
	(erf) = vpow2.f32 v9  }
0x7d: {  	v9 =	vld [tilespmem:s20+$0x50];
	v22 =	vmul.f32 $1.442695020e+00, v22;
	[tilespmem:s23+$0xFFFFFFD0] =	vst v21;
	v17 =	vperm.xlane v19, v2  }
0x7e: {  	s21 =	simm.s32 $0xCCA0;
	v21 =	vmax.f32 v25, v30;
	v25 =	vperm.xlane v31, v1;
	(erf) = vpow2.f32 v33;
	v30 =	vld [tilespmem:s26+$0xFFFFFFE0]  }
0x7f: {  	v10 =	vld [tilespmem:s21+$0x20];
	v19 =	vperm.xlane v19, v1;
	v16 =	vsub.f32 v21, v16;
	v21 =	vperm.xlane v11, v0  }
0x80: {  	v35 =	vld [tilespmem:s26+$0xFFFFFFA0];
	v31 =	vperm.xlane v31, v2;
	v25 =	vadd.f32 v25, v5;
	v5 =	vperm.xlane v6, v0  }
0x81: {  	v55 =	vld [tilespmem:s22+$0xFFFFFFE0];
	v59 =	vperm.xlane v29, v1;
	v34 =	vmul.f32 $1.442695020e+00, v16;
	v16 =	vadd.f32 v15, v21  }
0x82: {  	v26 =	vld [tilespmem:s26+$0x30];
	v36 =	vmul.f32 $2.000000030e-01, v25;
	v37 =	vperm.xlane v9, v0;
	v19 =	vadd.f32 v19, v5  }
0x83: {  	v21 =	vmul.f32 v24, v30;
	v30 =	vmul.f32 $2.000000030e-01, v16  }
0x84: {  	v38 =	vld [tilespmem:s19+$0xFFFFFFD0];
	v60 =	vperm.xlane v10, v0;
	v15 =	vpop (erf);
	v33 =	vadd.f32 v53, v37;
	v54 =	vmul.f32 $2.000000030e-01, v19  }
0x85: {  	v23 =	vld [tilespmem:s26+$0x0];
	v25 =	vmax.f32 v25, v36;
	v35 =	vmul.f32 v15, v35;
	v30 =	vmax.f32 v16, v30  }
0x86: {  	v5 =	vld [tilespmem:s21+$0xFFFFFFC0];
	v39 =	vpop (erf);
	(erf) = vpow2.f32 v18;
	v56 =	vmul.f32 v15, v13;
	v27 =	vsub.f32 v30, v27  }
0x87: {  	v32 =	vsub.f32 v25, v31;
	v25 =	vperm.xlane v55, v1;
	v26 =	vmul.f32 v39, v26  }
0x88: {  	v18 =	vld [tilespmem:s22+$0x10];
	v16 =	vpop (erf);
	(erf) = vpow2.f32 v34;
	v27 =	vmul.f32 $1.442695020e+00, v27  }
0x89: {  	v13 =	vld [tilespmem:s21+$0x50];
	v30 =	vmul.f32 $2.000000030e-01, v33;
	v38 =	vmul.f32 v16, v38  }
0x8a: {  	v43 =	vpop (erf);
	[tilespmem:s23+$0x30] =	vst v26;
	v26 =	vsel vm0, v40, v24;
	v24 =	vmul.f32 v39, v14;
	v14 =	vld [tilespmem:s21+$0xFFFFFFF0];
	(erf) = vpow2.f32 v27  }
0x8b: {  	s25 =	simm.s32 $0xEB20;
	v58 =	vld [tilespmem:s19+$0x30];
	v44 =	vperm.xlane v5, v0;
	v28 =	vmul.f32 v43, v23;
	v23 =	vmax.f32 v19, v54  }
0x8c: {  	v19 =	vperm.xlane v42, v2;
	v30 =	vmax.f32 v33, v30;
	v57 =	vld [tilespmem:s26+$0x40];
	[tilespmem:s25+$0xFFFFFFD0] =	vst v38;
	(erf) = vpow2.f32 v22  }
0x8d: {  	v20 =	vmul.f32 v43, v20;
	v30 =	vsub.f32 v30, v41;
	v31 =	vld [tilespmem:s19+$0xFFFFFFE0];
	[tilespmem:s23+$0x0] =	vst v28;
	v45 =	vperm.xlane v18, v1  }
0x8e: {  	v46 =	vsel vm0, v24, v39;
	v24 =	vadd.f32 v25, v44;
	v25 =	vperm.xlane v55, v2;
	v47 =	vld [tilespmem:s26+$0x10]  }
0x8f: {  	v34 =	vadd.f32 v62, v60;
	v63 =	vperm.xlane v13, v0;
	v61 =	vperm.xlane v14, v0  }
0x90: {  	v36 =	vld [tilespmem:s19+$0x0];
	[tilespmem:s23+$0xFFFFFFA0] =	vst v35;
	v48 =	vsel vm0, v20, v43;
	v27 =	vperm.xlane v29, v2;
	v29 =	vmul.f32 $1.442695020e+00, v30;
	v22 =	vpop (erf)  }
0x91: {  	[tilespmem:s23+$0xFFFFFFF0] =	vst v26;
	v28 =	vmul.f32 $2.000000030e-01, v24;
	v33 =	vmul.f32 v39, v57;
	v39 =	vld [tilespmem:s19+$0xFFFFFFA0];
	v41 =	vadd.f32 v59, v61;
	v20 =	vpop (erf)  }
0x92: {  	s28 =	simm.s32 $0xC;
	s24 =	simm.s32 $0xEBE0;
	v38 =	vld [tilespmem:s20+$0xFFFFFFD0];
	[tilespmem:s23+$0x50] =	vst v46;
	v30 =	vsel vm0, v56, v15;
	v31 =	vmul.f32 v16, v31;
	v40 =	vmul.f32 v20, v58  }
0x93: {  	s29 =	simm.s32 $0xE320;
	s30 =	simm.s32 $0xCD60;
	s22 =	sadd.s32 $0x100, s18;
	v37 =	vld [tilespmem:s26+$0xFFFFFFB0];
	[tilespmem:s23+$0x20] =	vst v48;
	v35 =	vadd.f32 v45, v63;
	v43 =	vmul.f32 v43, v47;
	v42 =	vmul.f32 $2.000000030e-01, v41;
	v26 =	vpop (erf)  }
.LBB2_3:
0x94: {  	v44 =	vld [tilespmem:s30+$0xFFFFFFC0];
	s28 =	sadd.s32 $0x4, s28;
	v45 =	vmul.f32 $2.000000030e-01, v34;
	v46 =	vsub.f32 v23, v17;
	v17 =	vmul.f32 v16, v12;
	[tilespmem:s23+$0xFFFFFFE0] =	vst v21;
	v12 =	vmovc v11;
	s26 =	smov.u32 s20;
	s20 =	smov.u32 s21  }
0x95: {  	v21 =	vmul.f32 $1.442695020e+00, v32;
	s21 =	smov.u32 s30;
	v47 =	vld [tilespmem:s30+$0x20];
	p1 =	slt.u32 s28, $0x7C;
	v23 =	vmax.f32 v41, v42;
	v41 =	vperm.xlane v18, v2;
	v48 =	vpop (erf);
	[tilespmem:s23+$0x10] =	vst v43  }
0x96: {  	v11 =	vmovc v14;
	v32 =	vmul.f32 $2.000000030e-01, v35;
	v18 =	vld [tilespmem:s29+$0x10];
	v27 =	vsub.f32 v23, v27;
	v39 =	vmul.f32 v22, v39;
	[tilespmem:s25+$0x30] =	vst v40  }
0x97: {  	v23 =	vmax.f32 v34, v45;
	v34 =	vmul.f32 v48, v36;
	v40 =	vld [tilespmem:s29+$0xFFFFFFF0];
	v14 =	vmul.f32 v26, v38;
	[tilespmem:s23+$0x40] =	vst v33  }
0x98: {  	v33 =	vsel vm0, v17, v16;
	v16 =	vmovc v26;
	v36 =	vld [tilespmem:s29+$0x0];
	v27 =	vmul.f32 $1.442695020e+00, v27;
	(erf) = vpow2.f32 v21;
	[tilespmem:s25+$0xFFFFFFA0] =	vst v39;
	v17 =	vmovc v19  }
0x99: {  	v21 =	vmovc v31;
	v26 =	vld [tilespmem:s29+$0xFFFFFFE0];
	v38 =	vperm.xlane v44, v0;
	[tilespmem:s24+$0xFFFFFFD0] =	vst v14;
	v14 =	vmul.f32 v15, v37;
	v15 =	vmov v22  }
0x9a: {  	v22 =	vmul.f32 v20, v8;
	v8 =	vmovc v9;
	v9 =	vmov v13;
	(erf) = vpow2.f32 v29;
	[tilespmem:s23+$0xFFFFFFC0] =	vst v30;
	v13 =	vld [tilespmem:s30+$0x50]  }
0x9b: {  	v29 =	vmax.f32 v35, v32;
	v30 =	vmul.f32 v15, v3;
	v3 =	vmovc v4;
	(erf) = vpow2.f32 v27;
	v31 =	vld [tilespmem:s19+$0x40];
	[tilespmem:s23+$0xFFFFFFB0] =	vst v14;
	s23 =	smov.u32 s25;
	s25 =	smov.u32 s24  }
0x9c: {  	v24 =	vmax.f32 v24, v28;
	v28 =	vmul.f32 $1.442695020e+00, v46;
	v4 =	vmovc v5;
	v14 =	vld [tilespmem:s30+$0xFFFFFFF0];
	v27 =	vperm.xlane v40, v2;
	[tilespmem:s23+$0xFFFFFFF0] =	vst v33  }
0x9d: {  	v32 =	vsub.f32 v24, v25;
	v25 =	vmul.f32 v48, v7;
	v5 =	vmovc v44;
	v19 =	vperm.xlane v36, v2;
	v35 =	vld [tilespmem:s26+$0x30]  }
0x9e: {  	v7 =	vmovc v6;
	v29 =	vsub.f32 v29, v41;
	v24 =	vperm.xlane v26, v1;
	v37 =	vld [tilespmem:s26+$0xFFFFFFE0];
	(erf) = vpow2.f32 v28;
	[tilespmem:s23+$0x0] =	vst v34  }
0x9f: {  	v6 =	vmovc v10;
	v43 =	vperm.xlane v18, v1;
	s24 =	sadd.s32 $0xC0, s24;
	v34 =	vperm.xlane v40, v1;
	v28 =	vsel vm0, v22, v20;
	v44 =	vld [tilespmem:s19+$0x10]  }
0xa0: {  	v10 =	vmovc v47;
	v29 =	vmul.f32 $1.442695020e+00, v29;
	v24 =	vadd.f32 v24, v38;
	v38 =	vperm.xlane v47, v0  }
.Ltmp0:
0xa1: {  	v40 =	vsel vm0, v25, v48;
	v33 =	vmul.f32 v20, v31;
	v39 =	vperm.xlane v14, v0;
	v22 =	vpop (erf);
	[tilespmem:s23+$0x50] =	vst v28;
	(pc) =	sbr.rel @p1 .LBB2_3-.Ltmp0, $4  }
0xa2: {  	v30 =	vsel vm0, v30, v15;
	v25 =	vperm.xlane v26, v2;
	v31 =	vperm.xlane v36, v1;
	v36 =	vld [tilespmem:s26+$0x0];
	[tilespmem:s23+$0x20] =	vst v40  }
0xa3: {  	v45 =	vperm.xlane v13, v0;
	v28 =	vmul.f32 $2.000000030e-01, v24;
	v41 =	vadd.f32 v34, v39;
	v39 =	vld [tilespmem:s26+$0xFFFFFFA0];
	v20 =	vpop (erf)  }
0xa4: {  	v34 =	vadd.f32 v31, v38;
	v31 =	vmul.f32 v16, v37;
	v38 =	vld [tilespmem:s20+$0xFFFFFFD0];
	v26 =	vpop (erf);
	v40 =	vmul.f32 v20, v35  }
0xa5: {  	s29 =	sadd.s32 $0x40, s29;
	s30 =	sadd.s32 $0xC0, s30;
	v35 =	vadd.f32 v43, v45;
	v43 =	vmul.f32 v48, v44;
	v42 =	vmul.f32 $2.000000030e-01, v41;
	v37 =	vld [tilespmem:s19+$0xFFFFFFB0];
	s19 =	smov.u32 s26  }
0xa6: {  	_ = 	snop  }
0xa7: {  	v32 =	vmul.f32 $1.442695020e+00, v32;
	v12 =	vmul.f32 v16, v12;
	v41 =	vmax.f32 v41, v42  }
0xa8: {  	[tilespmem:s23+$0xFFFFFFE0] =	vst v21;
	v17 =	vsub.f32 v23, v17;
	v8 =	vmul.f32 v20, v8;
	v21 =	vsub.f32 v41, v27  }
0xa9: {  	[tilespmem:s25+$0x30] =	vst v40;
	v23 =	vmul.f32 v22, v39;
	(erf) = vpow2.f32 v32  }
0xaa: {  	[tilespmem:s23+$0x40] =	vst v33;
	v27 =	vpop (erf);
	v17 =	vmul.f32 $1.442695020e+00, v17;
	v21 =	vmul.f32 $1.442695020e+00, v21  }
0xab: {  	[tilespmem:s23+$0xFFFFFFC0] =	vst v30;
	(erf) = vpow2.f32 v29;
	v29 =	vmul.f32 v27, v36  }
0xac: {  	[tilespmem:s25+$0xFFFFFFE0] =	vst v31;
	(erf) = vpow2.f32 v21;
	v21 =	vmul.f32 $2.000000030e-01, v35  }
0xad: {  	[tilespmem:s25+$0xFFFFFFA0] =	vst v23;
	(erf) = vpow2.f32 v17;
	v17 =	vperm.xlane v18, v2  }
0xae: {  	v12 =	vsel vm0, v12, v16;
	v23 =	vld [tilespmem:s19+$0x40];
	v15 =	vmul.f32 v15, v37;
	[tilespmem:s25+$0x0] =	vst v29;
	v16 =	vmax.f32 v35, v21  }
0xaf: {  	v3 =	vmul.f32 v22, v3;
	[tilespmem:s23+$0x10] =	vst v43;
	v7 =	vmul.f32 v27, v7;
	v18 =	vld [tilespmem:s19+$0x10];
	v16 =	vsub.f32 v16, v17  }
0xb0: {  	v8 =	vsel vm0, v8, v20;
	v54 =	vmul.f32 v26, v38;
	[tilespmem:s23+$0xFFFFFFB0] =	vst v15;
	v15 =	vmax.f32 v24, v28;
	v21 =	vld [tilespmem:s20+$0x30]  }
0xb1: {  	[tilespmem:s25+$0xFFFFFFF0] =	vst v12;
	v7 =	vsel vm0, v7, v27;
	v24 =	vmul.f32 $2.000000030e-01, v34;
	v12 =	vsub.f32 v15, v25  }
0xb2: {  	v3 =	vsel vm0, v3, v22;
	[tilespmem:s25+$0x50] =	vst v8;
	v25 =	vld [tilespmem:s21+$0xFFFFFFD0]  }
0xb3: {  	v8 =	vld [tilespmem:s20+$0x0];
	[tilespmem:s24+$0xFFFFFFD0] =	vst v54;
	v24 =	vmax.f32 v34, v24;
	v12 =	vmul.f32 $1.442695020e+00, v12;
	v15 =	vmul.f32 $1.442695020e+00, v16;
	v16 =	vpop (erf)  }
0xb4: {  	[tilespmem:s25+$0x20] =	vst v7;
	v17 =	vld [tilespmem:s20+$0xFFFFFFA0];
	v20 =	vmul.f32 v20, v23;
	v19 =	vsub.f32 v24, v19;
	v18 =	vmul.f32 v27, v18;
	v7 =	vpop (erf)  }
0xb5: {  	v24 =	vld [tilespmem:s19+$0xFFFFFFB0];
	[tilespmem:s25+$0xFFFFFFC0] =	vst v3;
	(erf) = vpow2.f32 v12;
	v21 =	vmul.f32 v7, v21  }
0xb6: {  	[tilespmem:s25+$0x40] =	vst v20;
	v23 =	vpop (erf);
	(erf) = vpow2.f32 v15;
	v15 =	vmul.f32 $1.442695020e+00, v19  }
0xb7: {  	[tilespmem:s25+$0x10] =	vst v18;
	v12 =	vpop (erf);
	v18 =	vmul.f32 v23, v25  }
0xb8: {  	s23 =	sadd.s32 $0xC0, s24;
	[tilespmem:s24+$0x30] =	vst v21;
	v8 =	vmul.f32 v12, v8;
	(erf) = vpow2.f32 v15;
	v15 =	vld [tilespmem:s20+$0xFFFFFFE0]  }
0xb9: {  	v3 =	vld [tilespmem:s21+$0x30];
	v17 =	vmul.f32 v16, v17;
	v6 =	vmul.f32 v12, v6;
	[tilespmem:s23+$0xFFFFFFD0] =	vst v18  }
0xba: {  	v18 =	vld [tilespmem:s20+$0x40];
	[tilespmem:s24+$0x0] =	vst v8;
	v8 =	vmul.f32 v26, v11;
	v11 =	vmul.f32 v22, v24  }
0xbb: {  	v9 =	vmul.f32 v7, v9;
	[tilespmem:s24+$0xFFFFFFA0] =	vst v17;
	v17 =	vld [tilespmem:s20+$0x10]  }
0xbc: {  	v6 =	vsel vm0, v6, v12;
	v8 =	vsel vm0, v8, v26;
	[tilespmem:s25+$0xFFFFFFB0] =	vst v11  }
0xbd: {  	[tilespmem:s24+$0xFFFFFFF0] =	vst v8;
	v8 =	vsel vm0, v9, v7;
	v9 =	vld [tilespmem:s21+$0x0];
	v11 =	vmul.f32 v26, v15  }
0xbe: {  	v15 =	vpop (erf);
	[tilespmem:s24+$0x50] =	vst v8;
	v8 =	vld [tilespmem:s21+$0xFFFFFFA0]  }
0xbf: {  	[tilespmem:s24+$0x20] =	vst v6;
	v7 =	vmul.f32 v7, v18;
	v6 =	vpop (erf)  }
0xc0: {  	[tilespmem:s24+$0xFFFFFFE0] =	vst v11;
	v12 =	vmul.f32 v12, v17;
	v3 =	vmul.f32 v6, v3;
	v17 =	vld [tilespmem:s20+$0xFFFFFFB0]  }
0xc1: {  	[tilespmem:s24+$0x40] =	vst v7;
	v11 =	vpop (erf)  }
0xc2: {  	v7 =	vld [tilespmem:s21+$0xFFFFFFE0];
	[tilespmem:s23+$0x30] =	vst v3;
	v3 =	vmul.f32 v11, v9  }
0xc3: {  	v4 =	vmul.f32 v16, v4;
	[tilespmem:s24+$0x10] =	vst v12;
	v8 =	vmul.f32 v15, v8  }
0xc4: {  	[tilespmem:s23+$0x0] =	vst v3  }
0xc5: {  	v3 =	vsel vm0, v4, v16;
	v4 =	vmul.f32 v23, v14;
	[tilespmem:s23+$0xFFFFFFA0] =	vst v8;
	v8 =	vmul.f32 v16, v17;
	v9 =	vld [tilespmem:s21+$0x10]  }
0xc6: {  	[tilespmem:s24+$0xFFFFFFC0] =	vst v3;
	v3 =	vld [tilespmem:s21+$0x40]  }
0xc7: {  	v12 =	vmul.f32 v6, v13;
	v7 =	vmul.f32 v23, v7;
	v4 =	vsel vm0, v4, v23;
	[tilespmem:s24+$0xFFFFFFB0] =	vst v8  }
0xc8: {  	v8 =	vmul.f32 v11, v10;
	[tilespmem:s23+$0xFFFFFFF0] =	vst v4;
	v10 =	vld [tilespmem:s21+$0xFFFFFFB0]  }
0xc9: {  	v4 =	vsel vm0, v12, v6;
	[tilespmem:s23+$0xFFFFFFE0] =	vst v7  }
0xca: {  	[tilespmem:s23+$0x50] =	vst v4;
	v8 =	vsel vm0, v8, v11;
	v4 =	vmul.f32 v11, v9  }
0xcb: {  	v5 =	vmul.f32 v15, v5;
	[tilespmem:s23+$0x20] =	vst v8;
	v3 =	vmul.f32 v6, v3  }
0xcc: {  	[tilespmem:s23+$0x10] =	vst v4  }
0xcd: {  	v4 =	vsel vm0, v5, v15;
	[tilespmem:s23+$0x40] =	vst v3;
	v3 =	vmul.f32 v15, v10  }
0xce: {  	s18 =	sand.u32 $0x3FFFFF00, s18;
	[tilespmem:s23+$0xFFFFFFC0] =	vst v4  }
0xcf: {  	p1 =	seq.s32 s16, $0x28;
	s18 =	sadd.s32 $0xA100, s18;
	[tilespmem:s23+$0xFFFFFFB0] =	vst v3  }
0xd0: {  	[spmem:s2] =	stream.indirect.scatter.add.f32 [tilespmem:s11], [sflag:$0x5], $0x30, s18, s3, $0xb8;
	[tilespmem:$0x13A00] =	vst v63  }
0xd1: {  	s19 =	simm.s32 @!p1 $0x80;
	s20 =	simm.s32 @!p1 $0xCA00;
	s18 =	sadd.s32 @!p1 $0x7800, s22  }
0xd2: {  	[tilespmem:s20], [sflag:$0x1] =	stream.indirect.gather @!p1 [hbm4b:s4+s19], $0x30, s18, s19, $0xb8;
	[tilespmem:$0x13A00] =	vst v63  }
0xd3: {  	s18 =	sadd.s32 @!p1 $0xA100, s22;
	s20 =	simm.s32 @!p1 $0xE200  }
0xd4: {  	[tilespmem:s20], [sflag:$0x2] =	stream.indirect.gather @!p1 [hbm4b:s5+s19], $0x10, s18, s19, $0xb8;
	[tilespmem:$0x13A00] =	vst v63  }
0xd5: {  	_ =	swait.ge [sflag:s12], $0x1800  }
0xd6: {  	[sflag:s12] =	ssyncset.done $0x0  }
0xd7: {  	[sflag:s12] =	ssyncadd.s32 $0xFFFFE800  }
0xd8: {  	_ =	swait.ge [sflag:s13], $0x800  }
0xd9: {  	[sflag:s13] =	ssyncset.done $0x0  }
0xda: {  	s18 =	simm.s32 @!p0 $0x6;
	[sflag:s13] =	ssyncadd.s32 $0xFFFFF800  }
0xdb: {  	_ =	swait.ge @!p0 [sflag:s18], $0x1800  }
0xdc: {  	[sflag:s18] =	ssyncset.done @!p0 $0x0  }
0xdd: {  	s25 =	simm.s32 $0x11A20;
	[sflag:s18] =	ssyncadd.s32 @!p0 $0xFFFFE800  }
0xde: {  	s24 =	simm.s32 $0x10260;
	v3 =	vld [tilespmem:s25+$0xFFFFFFF0]  }
0xdf: {  	v10 =	vld [tilespmem:s24+$0xFFFFFFF0]  }
0xe0: {  	v13 =	vld [tilespmem:s24+$0xFFFFFFC0]  }
0xe1: {  	v20 =	vld [tilespmem:s24+$0x20]  }
0xe2: {  	v4 =	vld [tilespmem:s25+$0xFFFFFFE0]  }
0xe3: {  	v5 =	vld [tilespmem:s25+$0x10]  }
0xe4: {  	v8 =	vld [tilespmem:s25+$0x0];
	_ =	sdelay $0x1  }
0xe5: {  	s26 =	simm.s32 $0x11A60;
	v14 =	vld [tilespmem:s24+$0x50];
	v6 =	vperm.xlane v3, v1;
	v7 =	vperm.xlane v10, v0  }
0xe6: {  	v16 =	vld [tilespmem:s26+$0x10];
	v9 =	vperm.xlane v4, v1;
	v11 =	vperm.xlane v3, v2  }
0xe7: {  	s29 =	simm.s32 $0x11AA0;
	v15 =	vperm.xlane v5, v1;
	v17 =	vperm.xlane v20, v0  }
0xe8: {  	v55 =	vld [tilespmem:s29+$0x10];
	v18 =	vperm.xlane v8, v1;
	v6 =	vadd.f32 v6, v7;
	v7 =	vperm.xlane v13, v0  }
0xe9: {  	s18 =	simm.s32 $0x10320;
	v21 =	vperm.xlane v8, v2;
	v4 =	vperm.xlane v4, v2  }
0xea: {  	v3 =	vld [tilespmem:s18+$0xFFFFFFC0];
	v12 =	vmul.f32 $2.000000030e-01, v6;
	v9 =	vadd.f32 v9, v7;
	v7 =	vperm.xlane v14, v0  }
0xeb: {  	v5 =	vperm.xlane v5, v2;
	v26 =	vperm.xlane v16, v1;
	v17 =	vadd.f32 v18, v17;
	v18 =	vld [tilespmem:s26+$0x0]  }
0xec: {  	v19 =	vld [tilespmem:s26+$0xFFFFFFF0];
	v16 =	vperm.xlane v16, v2;
	v6 =	vmax.f32 v6, v12;
	v15 =	vadd.f32 v15, v7  }
0xed: {  	v57 =	vperm.xlane v55, v1;
	v52 =	vperm.xlane v55, v2;
	v12 =	vld [tilespmem:s18+$0xFFFFFFF0];
	v6 =	vsub.f32 v6, v11  }
0xee: {  	v23 =	vld [tilespmem:s26+$0xFFFFFFE0];
	v24 =	vmul.f32 $2.000000030e-01, v17;
	v22 =	vmul.f32 $2.000000030e-01, v15  }
0xef: {  	v7 =	vld [tilespmem:s18+$0x20];
	v11 =	vmul.f32 $2.000000030e-01, v9;
	v6 =	vmul.f32 $1.442695020e+00, v6  }
0xf0: {  	v8 =	vld [tilespmem:s18+$0x50];
	v25 =	vperm.xlane v3, v0;
	v15 =	vmax.f32 v15, v22;
	v22 =	vperm.xlane v18, v2  }
0xf1: {  	(erf) = vpow2.f32 v6;
	v6 =	vmax.f32 v9, v11;
	v9 =	vperm.xlane v19, v1  }
0xf2: {  	v11 =	vperm.xlane v12, v0;
	v19 =	vperm.xlane v19, v2;
	v5 =	vsub.f32 v15, v5  }
0xf3: {  	v15 =	vperm.xlane v18, v1;
	v6 =	vsub.f32 v6, v4;
	v4 =	vperm.xlane v23, v1  }
0xf4: {  	v23 =	vperm.xlane v23, v2;
	v9 =	vadd.f32 v9, v11;
	v11 =	vperm.xlane v7, v0  }
0xf5: {  	s19 =	simm.s32 $0x103E0;
	v5 =	vmul.f32 $1.442695020e+00, v5;
	v18 =	vadd.f32 v4, v25;
	v25 =	vperm.xlane v8, v0  }
0xf6: {  	v4 =	vld [tilespmem:s19+$0xFFFFFFC0];
	v6 =	vmul.f32 $1.442695020e+00, v6;
	v28 =	vmul.f32 $2.000000030e-01, v9  }
0xf7: {  	v27 =	vld [tilespmem:s24+$0xFFFFFFD0];
	v29 =	vadd.f32 v15, v11;
	v11 =	vmax.f32 v17, v24;
	v15 =	vmul.f32 $2.000000030e-01, v18  }
0xf8: {  	v25 =	vadd.f32 v26, v25;
	v26 =	vld [tilespmem:s29+$0xFFFFFFF0];
	(erf) = vpow2.f32 v6;
	v17 =	vsub.f32 v11, v21  }
0xf9: {  	v9 =	vmax.f32 v9, v28;
	v28 =	vmul.f32 $2.000000030e-01, v29;
	(erf) = vpow2.f32 v5  }
0xfa: {  	v31 =	vld [tilespmem:s29+$0xFFFFFFE0];
	v9 =	vsub.f32 v9, v19;
	v30 =	vmul.f32 $2.000000030e-01, v25;
	v18 =	vmax.f32 v18, v15  }
0xfb: {  	v19 =	vld [tilespmem:s29+$0x0];
	v56 =	vmul.f32 $1.442695020e+00, v17;
	v5 =	vperm.xlane v4, v0;
	v18 =	vsub.f32 v18, v23;
	v24 =	vpop (erf)  }
0xfc: {  	v28 =	vmax.f32 v29, v28;
	v9 =	vmul.f32 $1.442695020e+00, v9;
	v21 =	vmul.f32 v24, v27  }
0xfd: {  	v11 =	vld [tilespmem:s19+$0xFFFFFFF0];
	v22 =	vsub.f32 v28, v22;
	v27 =	vperm.xlane v26, v2;
	v15 =	vperm.xlane v26, v1  }
0xfe: {  	v6 =	vld [tilespmem:s19+$0x20];
	v51 =	vmul.f32 v24, v10;
	v18 =	vmul.f32 $1.442695020e+00, v18  }
0xff: {  	s21 =	simm.s32 $0x12260;
	v59 =	vld [tilespmem:s24+$0xFFFFFFA0];
	(erf) = vpow2.f32 v9;
	v22 =	vmul.f32 $1.442695020e+00, v22  }
0x100: {  	s30 =	simm.s32 $0x11AE0;
	v9 =	vld [tilespmem:s19+$0x50];
	[tilespmem:s21+$0xFFFFFFD0] =	vst v21;
	v21 =	vmax.f32 v25, v30;
	v17 =	vperm.xlane v19, v2;
	v25 =	vperm.xlane v31, v1  }
0x101: {  	v29 =	vld [tilespmem:s30+$0xFFFFFFF0];
	(erf) = vpow2.f32 v56;
	v19 =	vperm.xlane v19, v1  }
0x102: {  	v30 =	vld [tilespmem:s24+$0xFFFFFFE0];
	v16 =	vsub.f32 v21, v16;
	v21 =	vperm.xlane v11, v0;
	v25 =	vadd.f32 v25, v5  }
0x103: {  	v26 =	vld [tilespmem:s24+$0x30];
	v31 =	vperm.xlane v31, v2;
	v5 =	vperm.xlane v6, v0  }
0x104: {  	s20 =	simm.s32 $0x104A0;
	v58 =	vmul.f32 $1.442695020e+00, v16;
	v16 =	vadd.f32 v15, v21;
	v15 =	vpop (erf);
	v60 =	vmul.f32 $2.000000030e-01, v25  }
0x105: {  	v10 =	vld [tilespmem:s20+$0x20];
	v61 =	vperm.xlane v9, v0;
	v35 =	vmul.f32 v15, v59  }
0x106: {  	v55 =	vld [tilespmem:s30+$0xFFFFFFE0];
	v63 =	vpop (erf);
	(erf) = vpow2.f32 v18;
	v56 =	vmul.f32 v15, v13  }
0x107: {  	v62 =	vld [tilespmem:s18+$0xFFFFFFD0];
	v19 =	vadd.f32 v19, v5;
	v21 =	vmul.f32 v24, v30;
	v30 =	vmul.f32 $2.000000030e-01, v16  }
0x108: {  	v23 =	vld [tilespmem:s24+$0x0];
	v59 =	vperm.xlane v29, v1;
	v26 =	vmul.f32 v63, v26;
	v33 =	vadd.f32 v57, v61  }
0x109: {  	v5 =	vld [tilespmem:s20+$0xFFFFFFC0];
	v50 =	vmul.f32 $2.000000030e-01, v19;
	v25 =	vmax.f32 v25, v60;
	v30 =	vmax.f32 v16, v30  }
0x10a: {  	v18 =	vld [tilespmem:s30+$0x10];
	v60 =	vperm.xlane v10, v0;
	[tilespmem:s21+$0x30] =	vst v26;
	v26 =	vsel vm0, v51, v24;
	v27 =	vsub.f32 v30, v27  }
0x10b: {  	v54 =	vld [tilespmem:s30+$0x0];
	v24 =	vmul.f32 v63, v14;
	v32 =	vsub.f32 v25, v31;
	v25 =	vperm.xlane v55, v1  }
0x10c: {  	v16 =	vpop (erf);
	(erf) = vpow2.f32 v58;
	v27 =	vmul.f32 $1.442695020e+00, v27  }
0x10d: {  	v14 =	vld [tilespmem:s20+$0xFFFFFFF0];
	v30 =	vmul.f32 $2.000000030e-01, v33;
	v38 =	vmul.f32 v16, v62  }
0x10e: {  	v13 =	vld [tilespmem:s20+$0x50];
	v53 =	vpop (erf);
	v44 =	vperm.xlane v5, v0;
	(erf) = vpow2.f32 v27  }
0x10f: {  	s23 =	simm.s32 $0x12320;
	v57 =	vld [tilespmem:s24+$0x40];
	v45 =	vperm.xlane v18, v1;
	v46 =	vsel vm0, v24, v63;
	v28 =	vmul.f32 v53, v23  }
0x110: {  	v58 =	vld [tilespmem:s18+$0x30];
	v62 =	vperm.xlane v54, v1;
	v23 =	vmax.f32 v19, v50;
	[tilespmem:s23+$0xFFFFFFD0] =	vst v38;
	(erf) = vpow2.f32 v22  }
0x111: {  	v19 =	vperm.xlane v54, v2;
	v20 =	vmul.f32 v53, v20;
	v30 =	vmax.f32 v33, v30;
	v31 =	vld [tilespmem:s18+$0xFFFFFFE0];
	[tilespmem:s21+$0x0] =	vst v28  }
0x112: {  	v24 =	vadd.f32 v25, v44;
	v25 =	vperm.xlane v55, v2;
	v61 =	vperm.xlane v14, v0;
	v47 =	vld [tilespmem:s24+$0x10]  }
0x113: {  	v34 =	vadd.f32 v62, v60;
	v30 =	vsub.f32 v30, v52;
	v27 =	vperm.xlane v29, v2  }
0x114: {  	v36 =	vld [tilespmem:s18+$0x0];
	[tilespmem:s21+$0xFFFFFFA0] =	vst v35;
	v33 =	vmul.f32 v63, v57;
	v28 =	vmul.f32 $2.000000030e-01, v24;
	v41 =	vadd.f32 v59, v61  }
0x115: {  	v39 =	vld [tilespmem:s18+$0xFFFFFFA0];
	[tilespmem:s21+$0xFFFFFFF0] =	vst v26;
	v48 =	vsel vm0, v20, v53;
	v63 =	vperm.xlane v13, v0;
	v29 =	vmul.f32 $1.442695020e+00, v30;
	v22 =	vpop (erf)  }
0x116: {  	s28 =	simm.s32 $0x10560;
	[tilespmem:s21+$0x50] =	vst v46;
	v38 =	vld [tilespmem:s19+$0xFFFFFFD0];
	v30 =	vsel vm0, v56, v15;
	v42 =	vmul.f32 $2.000000030e-01, v41;
	v20 =	vpop (erf);
	v31 =	vmul.f32 v16, v31  }
0x117: {  	s22 =	simm.s32 $0x123E0;
	s25 =	simm.s32 $0xC;
	s26 =	simm.s32 $0x11B20;
	v37 =	vld [tilespmem:s24+$0xFFFFFFB0];
	[tilespmem:s21+$0x20] =	vst v48;
	v35 =	vadd.f32 v45, v63;
	v40 =	vmul.f32 v20, v58;
	v43 =	vmul.f32 v53, v47;
	v26 =	vpop (erf)  }
.LBB2_5:
0x118: {  	v44 =	vld [tilespmem:s28+$0xFFFFFFC0];
	s25 =	sadd.s32 $0x4, s25;
	v45 =	vmul.f32 $2.000000030e-01, v34;
	v46 =	vsub.f32 v23, v17;
	v17 =	vmul.f32 v16, v12;
	[tilespmem:s21+$0xFFFFFFE0] =	vst v21;
	v12 =	vmovc v11;
	s24 =	smov.u32 s19;
	s19 =	smov.u32 s20  }
0x119: {  	v21 =	vmul.f32 $1.442695020e+00, v32;
	s20 =	smov.u32 s28;
	v47 =	vld [tilespmem:s28+$0x20];
	p0 =	slt.u32 s25, $0x7C;
	v23 =	vmax.f32 v41, v42;
	v41 =	vperm.xlane v18, v2;
	v48 =	vpop (erf);
	[tilespmem:s21+$0x10] =	vst v43  }
0x11a: {  	v11 =	vmovc v14;
	v32 =	vmul.f32 $2.000000030e-01, v35;
	v18 =	vld [tilespmem:s26+$0x10];
	v27 =	vsub.f32 v23, v27;
	v39 =	vmul.f32 v22, v39;
	[tilespmem:s23+$0x30] =	vst v40  }
0x11b: {  	v23 =	vmax.f32 v34, v45;
	v34 =	vmul.f32 v48, v36;
	v40 =	vld [tilespmem:s26+$0xFFFFFFF0];
	v14 =	vmul.f32 v26, v38;
	[tilespmem:s21+$0x40] =	vst v33  }
0x11c: {  	v33 =	vsel vm0, v17, v16;
	v16 =	vmovc v26;
	v36 =	vld [tilespmem:s26+$0x0];
	v27 =	vmul.f32 $1.442695020e+00, v27;
	(erf) = vpow2.f32 v21;
	[tilespmem:s23+$0xFFFFFFA0] =	vst v39;
	v17 =	vmovc v19  }
0x11d: {  	v21 =	vmovc v31;
	v26 =	vld [tilespmem:s26+$0xFFFFFFE0];
	v38 =	vperm.xlane v44, v0;
	[tilespmem:s22+$0xFFFFFFD0] =	vst v14;
	v14 =	vmul.f32 v15, v37;
	v15 =	vmov v22  }
0x11e: {  	v22 =	vmul.f32 v20, v8;
	v8 =	vmovc v9;
	v9 =	vmov v13;
	(erf) = vpow2.f32 v29;
	[tilespmem:s21+$0xFFFFFFC0] =	vst v30;
	v13 =	vld [tilespmem:s28+$0x50]  }
0x11f: {  	v29 =	vmax.f32 v35, v32;
	v30 =	vmul.f32 v15, v3;
	v3 =	vmovc v4;
	(erf) = vpow2.f32 v27;
	v31 =	vld [tilespmem:s18+$0x40];
	[tilespmem:s21+$0xFFFFFFB0] =	vst v14;
	s21 =	smov.u32 s23;
	s23 =	smov.u32 s22  }
0x120: {  	v24 =	vmax.f32 v24, v28;
	v28 =	vmul.f32 $1.442695020e+00, v46;
	v4 =	vmovc v5;
	v14 =	vld [tilespmem:s28+$0xFFFFFFF0];
	v27 =	vperm.xlane v40, v2;
	[tilespmem:s21+$0xFFFFFFF0] =	vst v33  }
0x121: {  	v32 =	vsub.f32 v24, v25;
	v25 =	vmul.f32 v48, v7;
	v5 =	vmovc v44;
	v19 =	vperm.xlane v36, v2;
	v35 =	vld [tilespmem:s24+$0x30]  }
0x122: {  	v7 =	vmovc v6;
	v29 =	vsub.f32 v29, v41;
	v24 =	vperm.xlane v26, v1;
	v37 =	vld [tilespmem:s24+$0xFFFFFFE0];
	(erf) = vpow2.f32 v28;
	[tilespmem:s21+$0x0] =	vst v34  }
0x123: {  	v6 =	vmovc v10;
	v43 =	vperm.xlane v18, v1;
	s22 =	sadd.s32 $0xC0, s22;
	v34 =	vperm.xlane v40, v1;
	v28 =	vsel vm0, v22, v20;
	v44 =	vld [tilespmem:s18+$0x10]  }
0x124: {  	v10 =	vmovc v47;
	v29 =	vmul.f32 $1.442695020e+00, v29;
	v24 =	vadd.f32 v24, v38;
	v38 =	vperm.xlane v47, v0  }
.Ltmp1:
0x125: {  	v40 =	vsel vm0, v25, v48;
	v33 =	vmul.f32 v20, v31;
	v39 =	vperm.xlane v14, v0;
	v22 =	vpop (erf);
	[tilespmem:s21+$0x50] =	vst v28;
	(pc) =	sbr.rel @p0 .LBB2_5-.Ltmp1, $4  }
0x126: {  	v30 =	vsel vm0, v30, v15;
	v25 =	vperm.xlane v26, v2;
	v31 =	vperm.xlane v36, v1;
	v36 =	vld [tilespmem:s24+$0x0];
	[tilespmem:s21+$0x20] =	vst v40  }
0x127: {  	v45 =	vperm.xlane v13, v0;
	v28 =	vmul.f32 $2.000000030e-01, v24;
	v41 =	vadd.f32 v34, v39;
	v39 =	vld [tilespmem:s24+$0xFFFFFFA0];
	v20 =	vpop (erf)  }
0x128: {  	v34 =	vadd.f32 v31, v38;
	v31 =	vmul.f32 v16, v37;
	v38 =	vld [tilespmem:s19+$0xFFFFFFD0];
	v26 =	vpop (erf);
	v40 =	vmul.f32 v20, v35  }
0x129: {  	s26 =	sadd.s32 $0x40, s26;
	s28 =	sadd.s32 $0xC0, s28;
	v35 =	vadd.f32 v43, v45;
	v43 =	vmul.f32 v48, v44;
	v42 =	vmul.f32 $2.000000030e-01, v41;
	v37 =	vld [tilespmem:s18+$0xFFFFFFB0];
	s18 =	smov.u32 s24  }
0x12a: {  	[tilespmem:s21+$0xFFFFFFE0] =	vst v21  }
0x12b: {  	v32 =	vmul.f32 $1.442695020e+00, v32;
	v12 =	vmul.f32 v16, v12;
	[tilespmem:s23+$0x30] =	vst v40  }
0x12c: {  	v17 =	vsub.f32 v23, v17;
	[tilespmem:s21+$0x40] =	vst v33;
	v57 =	vperm.xlane v18, v2;
	v8 =	vmul.f32 v20, v8  }
0x12d: {  	[tilespmem:s21+$0xFFFFFFC0] =	vst v30;
	v63 =	vmul.f32 $2.000000030e-01, v34;
	v3 =	vmul.f32 v22, v3;
	v41 =	vmax.f32 v41, v42  }
0x12e: {  	[tilespmem:s23+$0xFFFFFFE0] =	vst v31;
	v52 =	vpop (erf);
	v55 =	vmul.f32 $2.000000030e-01, v35;
	v50 =	vsub.f32 v41, v27;
	(erf) = vpow2.f32 v32  }
0x12f: {  	[tilespmem:s21+$0x10] =	vst v43;
	v53 =	vmul.f32 v52, v36;
	v12 =	vsel vm0, v12, v16;
	(erf) = vpow2.f32 v29  }
0x130: {  	v60 =	vld [tilespmem:s19+$0x30];
	v61 =	vmax.f32 v24, v28;
	v51 =	vmul.f32 v22, v39;
	[tilespmem:s23+$0xFFFFFFF0] =	vst v12;
	v21 =	vmul.f32 $1.442695020e+00, v50  }
0x131: {  	v56 =	vld [tilespmem:s18+$0x40];
	v28 =	vsub.f32 v61, v25;
	v17 =	vmul.f32 $1.442695020e+00, v17;
	v7 =	vmul.f32 v52, v7;
	[tilespmem:s23+$0x0] =	vst v53  }
0x132: {  	v8 =	vsel vm0, v8, v20;
	v54 =	vmul.f32 v26, v38;
	[tilespmem:s23+$0xFFFFFFA0] =	vst v51;
	v58 =	vld [tilespmem:s18+$0x10];
	(erf) = vpow2.f32 v21  }
0x133: {  	v24 =	vmax.f32 v34, v63;
	v59 =	vmax.f32 v35, v55;
	[tilespmem:s23+$0x50] =	vst v8;
	v15 =	vmul.f32 v15, v37;
	v37 =	vld [tilespmem:s18+$0xFFFFFFB0]  }
0x134: {  	v62 =	vld [tilespmem:s19+$0xFFFFFFA0];
	v19 =	vsub.f32 v24, v19;
	v7 =	vsel vm0, v7, v52;
	[tilespmem:s22+$0xFFFFFFD0] =	vst v54;
	(erf) = vpow2.f32 v17  }
0x135: {  	v3 =	vsel vm0, v3, v22;
	v12 =	vmul.f32 $1.442695020e+00, v28;
	v16 =	vsub.f32 v59, v57;
	[tilespmem:s23+$0x20] =	vst v7;
	v41 =	vld [tilespmem:s19+$0xFFFFFFE0]  }
0x136: {  	v39 =	vmul.f32 $1.442695020e+00, v19;
	[tilespmem:s23+$0xFFFFFFC0] =	vst v3;
	v35 =	vmul.f32 v20, v56  }
0x137: {  	[tilespmem:s21+$0xFFFFFFB0] =	vst v15;
	v29 =	vmul.f32 $1.442695020e+00, v16;
	v18 =	vmul.f32 v52, v58;
	v30 =	vpop (erf)  }
0x138: {  	v34 =	vld [tilespmem:s20+$0xFFFFFFD0];
	[tilespmem:s23+$0x40] =	vst v35;
	v43 =	vmul.f32 v22, v37;
	v33 =	vpop (erf);
	(erf) = vpow2.f32 v12  }
0x139: {  	v32 =	vld [tilespmem:s19+$0x0];
	[tilespmem:s23+$0x10] =	vst v18;
	v17 =	vmul.f32 v30, v62;
	(erf) = vpow2.f32 v29  }
0x13a: {  	v48 =	vmul.f32 v26, v41;
	[tilespmem:s23+$0xFFFFFFB0] =	vst v43;
	v21 =	vmul.f32 v33, v60  }
0x13b: {  	v9 =	vmul.f32 v33, v9;
	[tilespmem:s22+$0xFFFFFFA0] =	vst v17;
	v36 =	vpop (erf);
	(erf) = vpow2.f32 v39  }
0x13c: {  	[tilespmem:s22+$0x30] =	vst v21;
	v52 =	vld [tilespmem:s19+$0xFFFFFFB0]  }
0x13d: {  	[tilespmem:s22+$0xFFFFFFE0] =	vst v48;
	v46 =	vsel vm0, v9, v33;
	v38 =	vpop (erf);
	v40 =	vmul.f32 v36, v34;
	v45 =	vld [tilespmem:s19+$0x40]  }
0x13e: {  	s30 =	sadd.s32 $0xC0, s22;
	v42 =	vmul.f32 v26, v11;
	v3 =	vld [tilespmem:s20+$0x30];
	[tilespmem:s22+$0x50] =	vst v46;
	v8 =	vmul.f32 v38, v32  }
0x13f: {  	v50 =	vld [tilespmem:s20+$0xFFFFFFA0];
	v6 =	vmul.f32 v38, v6;
	[tilespmem:s30+$0xFFFFFFD0] =	vst v40  }
0x140: {  	v47 =	vld [tilespmem:s20+$0x0];
	[tilespmem:s22+$0x0] =	vst v8;
	v8 =	vsel vm0, v42, v26  }
0x141: {  	v6 =	vsel vm0, v6, v38;
	[tilespmem:s22+$0xFFFFFFF0] =	vst v8;
	v56 =	vmul.f32 v30, v52;
	v49 =	vpop (erf)  }
0x142: {  	v44 =	vld [tilespmem:s19+$0x10];
	[tilespmem:s22+$0x20] =	vst v6;
	v7 =	vmul.f32 v33, v45;
	v51 =	vpop (erf)  }
0x143: {  	v54 =	vld [tilespmem:s20+$0xFFFFFFE0];
	[tilespmem:s22+$0xFFFFFFB0] =	vst v56;
	v3 =	vmul.f32 v51, v3  }
0x144: {  	v8 =	vmul.f32 v49, v50;
	[tilespmem:s22+$0x40] =	vst v7;
	v53 =	vpop (erf)  }
0x145: {  	v4 =	vmul.f32 v30, v4;
	[tilespmem:s30+$0x30] =	vst v3;
	v3 =	vmul.f32 v53, v47  }
0x146: {  	v5 =	vmul.f32 v49, v5;
	[tilespmem:s30+$0xFFFFFFA0] =	vst v8  }
0x147: {  	v61 =	vld [tilespmem:s20+$0xFFFFFFB0];
	[tilespmem:s30+$0x0] =	vst v3;
	v3 =	vsel vm0, v4, v30  }
0x148: {  	v7 =	vmul.f32 v36, v54;
	v63 =	vsel vm0, v5, v49;
	[tilespmem:s22+$0xFFFFFFC0] =	vst v3;
	v3 =	vld [tilespmem:s20+$0x40]  }
0x149: {  	v55 =	vmul.f32 v36, v14;
	v12 =	vmul.f32 v38, v44;
	[tilespmem:s30+$0xFFFFFFC0] =	vst v63;
	v57 =	vld [tilespmem:s20+$0x10]  }
0x14a: {  	v58 =	vmul.f32 v51, v13;
	[tilespmem:s30+$0xFFFFFFE0] =	vst v7  }
0x14b: {  	v59 =	vmul.f32 v53, v10;
	[tilespmem:s22+$0x10] =	vst v12;
	v4 =	vsel vm0, v55, v36  }
0x14c: {  	s16 =	sadd.s32 $0x1, s16;
	v60 =	vsel vm0, v58, v51;
	[tilespmem:s30+$0xFFFFFFF0] =	vst v4  }
0x14d: {  	p0 =	sne.s32 s16, $0x29;
	v8 =	vsel vm0, v59, v53;
	[tilespmem:s30+$0x50] =	vst v60;
	v3 =	vmul.f32 v51, v3  }
.Ltmp2:
0x14e: {  	[tilespmem:s30+$0x20] =	vst v8;
	v62 =	vmul.f32 v53, v57;
	(pc) =	sbr.rel @p0 .LBB2_2-.Ltmp2, $4  }
0x14f: {  	[tilespmem:s30+$0x40] =	vst v3;
	v3 =	vmul.f32 v49, v61  }
0x150: {  	[tilespmem:s30+$0x10] =	vst v62  }
0x151: {  	[tilespmem:s30+$0xFFFFFFB0] =	vst v3  }
0x152: {  	[spmem:s2] =	stream.indirect.scatter.add.f32 [tilespmem:s14], [sflag:$0x6], $0x30, s17, s3, $0xb8;
	[tilespmem:$0x13A00] =	vst v63  }
0x153: {  	_ =	swait.ge [sflag:s0], $0x1800  }
0x154: {  	[sflag:s0] =	ssyncset.done $0x0  }
0x155: {  	[sflag:s0] =	ssyncadd.s32 $0xFFFFE800  }
0x156: {  	_ =	swait.ge [sflag:s15], $0x1800  }
0x157: {  	[sflag:s15] =	ssyncset.done $0x0  }
0x158: {  	[sflag:s15] =	ssyncadd.s32 $0xFFFFE800  }
0x159: {  	[bflag:$0x0] =	sbarrier.arrive $0xFFFF  }
0x15a: {  	s16 =	rddreg [dreg:$0xc]  }
0x15b: {  	s17 =	rddreg [dreg:$0x16]  }
0x15c: {  	[hbm:s16], [sflag:s10] =	dma.local [spmem:s17], $0x300  }
0x15d: {  	_ =	swait.ge [sflag:s31], $0x300  }
0x15e: {  	[sflag:s31] =	ssyncset.done $0x0;
	s21 =	rddreg [dreg:$0xd]  }
0x15f: {  	s22 =	rddreg [dreg:$0x17];
	[sflag:s31] =	ssyncadd.s32 $0xFFFFFD00  }
0x160: {  	[hbm:s21], [sflag:s10] =	dma.local [spmem:s22], $0x300  }
0x161: {  	_ =	swait.ge [sflag:s31], $0x300  }
0x162: {  	[sflag:s31] =	ssyncset.done $0x0;
	s23 =	rddreg [dreg:$0xe]  }
0x163: {  	s24 =	rddreg [dreg:$0x18];
	[sflag:s31] =	ssyncadd.s32 $0xFFFFFD00  }
0x164: {  	[hbm:s23], [sflag:s10] =	dma.local [spmem:s24], $0x300  }
0x165: {  	_ =	swait.ge [sflag:s31], $0x300  }
0x166: {  	[sflag:s31] =	ssyncset.done $0x0;
	s25 =	rddreg [dreg:$0xf]  }
0x167: {  	s26 =	rddreg [dreg:$0x19];
	[sflag:s31] =	ssyncadd.s32 $0xFFFFFD00  }
0x168: {  	[hbm:s25], [sflag:s10] =	dma.local [spmem:s26], $0x300  }
0x169: {  	_ =	swait.ge [sflag:s31], $0x300  }
0x16a: {  	[sflag:s31] =	ssyncset.done $0x0;
	s28 =	rddreg [dreg:$0x10]  }
0x16b: {  	s29 =	rddreg [dreg:$0x1a];
	[sflag:s31] =	ssyncadd.s32 $0xFFFFFD00  }
0x16c: {  	[hbm:s28], [sflag:s10] =	dma.local [spmem:s29], $0x300  }
0x16d: {  	_ =	swait.ge [sflag:s31], $0x300  }
0x16e: {  	s1 =	sadd.s32 $0x1, s1;
	s30 =	rddreg [dreg:$0x6]  }
0x16f: {  	p0 =	sne.s32 s1, s30  }
.Ltmp3:
0x170: {  	_ = 	snop;
	(pc) =	sbr.rel @p0 .LBB2_1-.Ltmp3, $3  }
0x171: {  	_ =	sdelay $0x1  }
0x172: {  	[sflag:s31] =	ssyncset.done $0x0  }
0x173: {  	[sflag:s31] =	ssyncadd.s32 $0xFFFFFD00  }
0x174: {  	_ =	sfence.sel $0x180000  }
0x175: {  	[bflag:$0x0] =	sbarrier.arrive $0xFFFF  }
0x176: {  	_ =	strace $0x9000004A  }
0x177: {  	s0 =	stileid.u32;
	[bflag:$0x2] =	sbarrier.arrive $0xFFFF  }
0x178: {  	p0 =	sne.s32 s0, $0x0;
	s0 =	rddreg [dreg:$0x3]  }
0x179: {  	s0 =	sadd.s32 @!p0 $0x100000, s0  }
0x17a: {  	[sflag:s0] =	ssyncadd.tile.s32 @!p0 $0x1;
	_ =	shalt  }
.Lfunc_end2:
_tile_overlayer_lowered:
.L_overlay_start_2:
0x17b: {  	(tag) =	ssettag $0x2  }
0x17c: {  	s0 =	rddreg [dreg:$0x0];
	s2 =	stileid.u32  }
0x17d: {  	s1 =	rddreg [dreg:$0x1];
	p0 =	sne.s32 s2, $0x0  }
0x17e: {  	s3 =	rddreg [dreg:$0x2];
	[bflag:$0x3] =	sbarrier.arrive $0xFFFF;
	s2 =	simm.s32 @!p0 $0x1C07  }
0x17f: {  	[timem:s3], [sflag:s2] =	dma.local @!p0 [hbm:s0], s1  }
0x180: {  	s0 =	simm.s32 @!p0 $0x7  }
0x181: {  	_ =	swait.ge @!p0 [sflag:s0], s1  }
0x182: {  	s1 =	ssub.s32 @!p0 $0x0, s1;
	[sflag:s0] =	ssyncset.done @!p0 $0x0  }
0x183: {  	[sflag:s0] =	ssyncadd.s32 @!p0 s1  }
0x184: {  	[bflag:$0x3] =	sbarrier.arrive $0xFFFF  }
0x185: {  	_ =	shalt  }

// kernel: kernel.7.cloned.1.call-start
scs
__scs_entry_jumppad:
0x0: {  	(pc) =	sbr.rel $0x88, $3  }
0x1: {  	(tag) =	ssettag $0x0;
	lr =	simm.s32 $0x1  }
0x2: {  	[smem:$0x3F97] =	sst lr;
	_ =	strace $0xD0000000  }
0x3: {  	_ = 	snop  }
0x4: {  	_ = 	snop  }
0x5: {  	_ = 	snop  }
0x6: {  	_ = 	snop  }
0x7: {  	_ = 	snop  }
__scs_overlays_trampoline_lowered:
0x8: {  	[smem:$0x3FA6] =	sst s0  }
0x9: {  	[smem:$0x3FA7] =	sst s1  }
0xa: {  	[smem:$0x3FA8] =	sst s2  }
0xb: {  	[smem:$0x3FA9] =	sst s3  }
0xc: {  	[smem:$0x3FAA] =	sst s4  }
0xd: {  	[smem:$0x3FAB] =	sst s5  }
0xe: {  	[smem:$0x3FAC] =	sst s6  }
0xf: {  	[smem:$0x3FAD] =	sst s7  }
0x10: {  	[smem:$0x3FAE] =	sst s8  }
0x11: {  	[smem:$0x3FAF] =	sst s9;
	s0 =	simm.s32 @!p0 $0x0  }
0x12: {  	s1 =	sld [smem:$0x3F95];
	s0 =	simm.s32 @p0 $0x1  }
0x13: {  	[smem:$0x3FB0] =	sst s0;
	s0 =	simm.s32 @!p1 $0x0  }
0x14: {  	s2 =	sld [smem:$0x3F94];
	s0 =	simm.s32 @p1 $0x1  }
0x15: {  	[smem:$0x3FB1] =	sst s0;
	s0 =	simm.s32 @!p2 $0x0  }
0x16: {  	s3 =	sld [smem:$0x3FDB];
	s0 =	simm.s32 @p2 $0x1  }
0x17: {  	s4 =	simm.s32 $0x1BF5;
	[smem:$0x3FB3] =	sst s0  }
0x18: {  	s0 =	sld [smem:$0x3F96];
	_ =	swait.ge [sflag:s4], $0x0  }
0x19: {  	s7 =	sld [smem:$0x3F97]  }
0x1a: {  	s8 =	sadd.s32 $0xFFFFE003, lr  }
0x1b: {  	s9 =	sadd.s32 $0xFFFFFEF7, lr;
	s5 =	simm.s32 $0xFFFFFFFF;
	p2 =	slt.u32 s8, $0xFFFFF086  }
0x1c: {  	p1 =	slt.u32 s9, $0xF7A;
	s5 =	simm.s32 @!p2 $0x0  }
0x1d: {  	s5 =	simm.s32 @p1 $0x1;
	p0 =	seq.s32 s7, s2  }
0x1e: {  	s7 =	smul.u32 @!p0 $0xF7A, s2;
	p2 =	seq.s32 @!p0 s5, $0x0  }
0x1f: {  	s9 =	smul.u32 $0xF7A, s1;
	s8 =	simm.s32 @!p0 $0x1BF5;
	p2 =	por !p2, p0  }
0x20: {  	[sflag:s8] =	ssyncset.s32 @!p0 $0xFFFFF086;
	s6 =	sadd.s32 @!p0 s3, s7;
	s7 =	simm.s32 @!p0 $0x108  }
0x21: {  	s3 =	sadd.s32 s3, s9;
	s6 =	sadd.s32 @!p0 $0x88, s6;
	s7 =	simm.s32 @p2 $0x1082  }
0x22: {  	[simem:s7], [sflag:s8] =	dma.local @!p0 [hbm:s6], $0xF7A  }
0x23: {  	s9 =	sor.u32 $0xD0000000, s2;
	s6 =	simm.s32 $0x108;
	_ =	swait.ge @!p0 [sflag:s8], $0x0  }
0x24: {  	s3 =	sadd.s32 $0x88, s3;
	s6 =	simm.s32 @!p1 $0x1082;
	[sflag:s4] =	ssyncset.s32 $0xFFFFF086  }
0x25: {  	[simem:s6], [sflag:s4] =	dma.local [hbm:s3], $0xF7A  }
0x26: {  	[smem:$0x3F97] =	sst s1;
	(tag) =	ssettag s2;
	_ =	strace s9  }
0x27: {  	s1 =	sld [smem:$0x3FA7]  }
0x28: {  	s2 =	sld [smem:$0x3FA8]  }
0x29: {  	s4 =	sld [smem:$0x3FAA]  }
0x2a: {  	p0 =	seq.s32 s5, $0x0;
	s5 =	sld [smem:$0x3FAB]  }
0x2b: {  	s6 =	sld [smem:$0x3FAC]  }
0x2c: {  	s7 =	sld [smem:$0x3FAD]  }
0x2d: {  	s3 =	simm.s32 $0x108;
	s8 =	sld [smem:$0x3FAE]  }
0x2e: {  	s3 =	simm.s32 @!p0 $0x1082;
	s9 =	sld [smem:$0x3FAF]  }
0x2f: {  	lr =	sadd.s32 s0, s3;
	s0 =	sld [smem:$0x3FA6]  }
0x30: {  	s3 =	sld [smem:$0x3FA9]  }
0x31: {  	[smem:$0x3FB2] =	sst s10  }
0x32: {  	s10 =	sld [smem:$0x3FB0];
	_ =	sdelay $0x3  }
0x33: {  	p0 =	seq.s32 s10, $0x1;
	s10 =	sld [smem:$0x3FB2];
	_ =	sdelay $0x3  }
0x34: {  	[smem:$0x3FB2] =	sst s10  }
0x35: {  	s10 =	sld [smem:$0x3FB1];
	_ =	sdelay $0x3  }
0x36: {  	p1 =	seq.s32 s10, $0x1;
	s10 =	sld [smem:$0x3FB2];
	_ =	sdelay $0x3  }
0x37: {  	[smem:$0x3FB2] =	sst s10  }
0x38: {  	s10 =	sld [smem:$0x3FB3]  }
0x39: {  	_ = 	snop;
	(pc) =	sbr.ind lr, $3  }
0x3a: {  	_ = 	snop  }
0x3b: {  	_ = 	snop  }
0x3c: {  	p2 =	seq.s32 s10, $0x1;
	s10 =	sld [smem:$0x3FB2]  }
0x3d: {  	_ =	shalt  }
0x3e: {  	_ =	shalt  }
0x3f: {  	_ =	shalt  }
0x40: {  	_ =	shalt  }
0x41: {  	_ =	shalt  }
0x42: {  	_ =	shalt  }
0x43: {  	_ =	shalt  }
0x44: {  	_ =	shalt  }
0x45: {  	_ =	shalt  }
0x46: {  	_ =	shalt  }
0x47: {  	_ =	shalt  }
0x48: {  	_ =	shalt  }
0x49: {  	_ =	shalt  }
0x4a: {  	_ =	shalt  }
0x4b: {  	_ =	shalt  }
0x4c: {  	_ =	shalt  }
0x4d: {  	_ =	shalt  }
0x4e: {  	_ =	shalt  }
0x4f: {  	_ =	shalt  }
0x50: {  	_ =	shalt  }
0x51: {  	_ =	shalt  }
0x52: {  	_ =	shalt  }
0x53: {  	_ =	shalt  }
0x54: {  	_ =	shalt  }
0x55: {  	_ =	shalt  }
0x56: {  	_ =	shalt  }
0x57: {  	_ =	shalt  }
0x58: {  	_ =	shalt  }
0x59: {  	_ =	shalt  }
0x5a: {  	_ =	shalt  }
0x5b: {  	_ =	shalt  }
0x5c: {  	_ =	shalt  }
0x5d: {  	_ =	shalt  }
0x5e: {  	_ =	shalt  }
0x5f: {  	_ =	shalt  }
0x60: {  	_ =	shalt  }
0x61: {  	_ =	shalt  }
0x62: {  	_ =	shalt  }
0x63: {  	_ =	shalt  }
0x64: {  	_ =	shalt  }
0x65: {  	_ =	shalt  }
0x66: {  	_ =	shalt  }
0x67: {  	_ =	shalt  }
0x68: {  	_ =	shalt  }
0x69: {  	_ =	shalt  }
0x6a: {  	_ =	shalt  }
0x6b: {  	_ =	shalt  }
0x6c: {  	_ =	shalt  }
0x6d: {  	_ =	shalt  }
0x6e: {  	_ =	shalt  }
0x6f: {  	_ =	shalt  }
0x70: {  	_ =	shalt  }
0x71: {  	_ =	shalt  }
0x72: {  	_ =	shalt  }
0x73: {  	_ =	shalt  }
0x74: {  	_ =	shalt  }
0x75: {  	_ =	shalt  }
0x76: {  	_ =	shalt  }
0x77: {  	_ =	shalt  }
0x78: {  	_ =	shalt  }
0x79: {  	_ =	shalt  }
0x7a: {  	_ =	shalt  }
0x7b: {  	_ =	shalt  }
0x7c: {  	_ =	shalt  }
0x7d: {  	_ =	shalt  }
0x7e: {  	_ =	shalt  }
0x7f: {  	_ =	shalt  }
0x80: {  	_ =	shalt  }
0x81: {  	_ =	shalt  }
0x82: {  	_ =	shalt  }
0x83: {  	_ =	shalt  }
0x84: {  	_ =	shalt  }
0x85: {  	_ =	shalt  }
0x86: {  	_ =	shalt  }
0x87: {  	_ =	shalt  }
.Lfunc_end0:
.L_simem_size_0:
called_computation_lowered:
.L_overlay_start_0:
0x88: {  	s2 =	sld [smem:$0x3FD9]  }
0x89: {  	s3 =	sld [smem:$0x3FFE];
	_ =	sdelay $0x1  }
0x8a: {  	s1 =	srdreg.scid  }
0x8b: {  	s0 =	sand.u32 $0x1, s1  }
0x8c: {  	s17 =	sshll.u32 s0, $0xA;
	s2 =	sadd.s32 s3, s2  }
0x8d: {  	s2 =	sadd.s32 s2, s17  }
0x8e: {  	[smem:$0x3FBE] =	sst s2  }
0x8f: {  	_ = 	snop  }
0x90: {  	s2 =	sld [smem:$0x3FD0];
	(tm) =	ssettm $0x1  }
0x91: {  	s18 =	sld [smem:$0x3FFB];
	_ =	sdelay $0x3  }
0x92: {  	_ =	strace s18  }
0x93: {  	s3 =	sld [smem:$0x3FFC];
	_ =	sdelay $0x3  }
0x94: {  	_ =	strace s3  }
0x95: {  	s3 =	sld [smem:$0x3FFD];
	_ =	sdelay $0x3  }
0x96: {  	_ =	strace s3  }
0x97: {  	_ =	strace $0x8FFFFFFF  }
0x98: {  	s19 =	sld [smem:$0x3FDB];
	_ =	sdelay $0x1  }
0x99: {  	s4 =	simm.s32 $_scs_section_size  }
0x9a: {  	s5 =	simm.s32 $_size__tile_overlayer_lowered;
	s6 =	simm.s32 $_tile_overlayer_lowered  }
0x9b: {  	s22 =	simm.s32 $0x1BFF;
	s21 =	sshll.u32 s6, $0x1;
	s3 =	sadd.s32 s4, s19  }
0x9c: {  	s7 =	simm.s32 $0x0;
	s20 =	sshll.u32 s5, $0x1;
	s5 =	sadd.s32 s21, s3  }
0x9d: {  	[timem:s7], [sflag:s22] =	dma.local [hbm:s5], s20  }
0x9e: {  	_ =	swait.ge [sflag:s22], s20  }
0x9f: {  	s4 =	ssub.s32 $0x0, s20;
	[sflag:s22] =	ssyncset.done $0x0  }
0xa0: {  	[sflag:s22] =	ssyncadd.s32 s4;
	_ =	sdelay $0x1  }
0xa1: {  	s23 =	simm.s32 $0x1B8B  }
0xa2: {  	_ =	swait.ge [sflag:s23], $0x1  }
0xa3: {  	[sflag:s23] =	ssyncset.done $0x0  }
0xa4: {  	s25 =	simm.s32 $0x1B8E;
	s24 =	sld [smem:$0x3FFE];
	[sflag:s23] =	ssyncadd.s32 $0xFFFFFFFF  }
0xa5: {  	s26 =	simm.s32 $execute0_lowered;
	[smem:$0x3FD2] =	sst s25  }
0xa6: {  	s5 =	sshll.u32 s26, $0x1;
	_ =	strace $0x80000046;
	[dreg:$0x1] =	wrdreg $0xFFFFFFFF  }
0xa7: {  	s28 =	simm.s32 $_size_execute0_lowered;
	s3 =	sadd.s32 s3, s5;
	[dreg:$0x0] =	wrdreg $0x0  }
0xa8: {  	s5 =	sshll.u32 s28, $0x1;
	[dreg:$0x2] =	wrdreg s3  }
0xa9: {  	[dreg:$0x3] =	wrdreg s5  }
0xaa: {  	[dreg:$0x4] =	wrdreg $0xC0  }
0xab: {  	_ =	task [dreg:s7], $0x5FFFF  }
0xac: {  	[dreg:$0x1] =	wrdreg $0xFFFFFFFF  }
0xad: {  	[dreg:$0x0] =	wrdreg $0x60  }
0xae: {  	[dreg:$0x2] =	wrdreg s24  }
0xaf: {  	[dreg:$0x3] =	wrdreg s2  }
0xb0: {  	[dreg:$0x4] =	wrdreg $0x0  }
0xb1: {  	[dreg:$0x5] =	wrdreg $0x9  }
0xb2: {  	_ =	task.clear_ibuf [dreg:s7], $0x6FFFF;
	_ =	strace $0x90000046  }
0xb3: {  	s29 =	simm.s32 $0x9;
	_ =	strace $0x80000048  }
0xb4: {  	_ =	swait.ge [sflag:s29], $0x1  }
0xb5: {  	[sflag:s29] =	ssyncadd.s32 $0xFFFFFFFF  }
0xb6: {  	_ =	strace $0x90000048  }
0xb7: {  	_ =	sfence  }
0xb8: {  	s30 =	sld [smem:$0x0];
	_ =	sdelay $0x2  }
0xb9: {  	s31 =	sshll.u32 s1, $0xD;
	s1 =	sshrl.u32 s1, $0x2  }
0xba: {  	s3 =	sand.u32 $0x4000, s31;
	s1 =	sadd.s32 s1, s30  }
0xbb: {  	s0 =	sor.u32 s3, s0;
	s1 =	sshll.u32 s1, $0x11  }
0xbc: {  	s0 =	sor.u32 s1, s0  }
0xbd: {  	s0 =	sadd.s32 $0x8F2B, s0  }
0xbe: {  	[sflag:s0] =	ssyncadd.remote.s32 $0x1  }
0xbf: {  	_ =	sfence.sel $0xFFFF  }
0xc0: {  	[dreg:$0x0] =	wrdreg $0xFFFFFFFF;
	(pc) =	sbr.abs _section_cstart, $3  }
0xc1: {  	[dreg:$0x1] =	wrdreg $0xFFFFFFFF  }
0xc2: {  	_ =	task.clear_ibuf [dreg:s7], $0x2FFFF;
	_ =	strace $0x9FFFFFFF  }
0xc3: {  	(tm) =	ssettm $0x7FFFFFFF  }
tec
execute0_lowered:
.L_overlay_start_1:
0x0: {  	(tag) =	ssettag $0x1  }
0x1: {  	s0 =	rddreg [dreg:$0x0]  }
0x2: {  	s1 =	rddreg [dreg:$0x1]  }
0x3: {  	s2 =	rddreg [dreg:$0x2]  }
0x4: {  	s3 =	srdreg.scid;
	s13 =	stileid.u32  }
0x5: {  	s4 =	simm.s32 $0x0;
	s31 =	simm.s32 $0x7;
	s3 =	sand.u32 $0x1, s3  }
0x6: {  	s6 =	smul.u32 $0x280, s13;
	[smem:$0x7FF] =	sst s4;
	s4 =	sadd.s32 $0x1400, s0  }
0x7: {  	s11 =	sadd.s32 $0x29000, s0;
	s25 =	smul.u32 $0xC800, s13;
	s24 =	sshll.u32 s3, $0x4  }
0x8: {  	s5 =	smul.u32 $0x2800, s3;
	_ =	strace $0x80000047;
	s3 =	ssub.s32 $0x2, s3  }
0x9: {  	s7 =	sor.u32 s13, s24;
	s10 =	sshrl.u32 s3, $0x1;
	s28 =	sadd.s32 $0x80, s6  }
0xa: {  	s29 =	sshrl.u32 s25, $0x3;
	s30 =	sadd.s32 s25, s2;
	s14 =	sadd.s32 $0x5000, s25  }
0xb: {  	s16 =	sadd.s32 $0x7800, s25;
	s17 =	sadd.s32 $0xA000, s25;
	s7 =	smul.u32 $0x520, s7  }
0xc: {  	s8 =	sadd.s32 s5, s6;
	s5 =	sadd.s32 $0x19C00, s0;
	s6 =	smul.u32 $0x50, s28  }
0xd: {  	s3 =	ssub.s32 s3, s10;
	s10 =	sshll.u32 s13, $0x6;
	s13 =	smul.u32 $0x32000, s13  }
0xe: {  	s15 =	sshrl.u32 s14, $0x3;
	s8 =	smul.u32 $0xA, s8;
	s3 =	smax.u32 s3, $0x1  }
0xf: {  	s10 =	sor.u32 $0x1C07, s10;
	s9 =	sadd.s32 s7, s0;
	s1 =	sadd.s32 s1, s7  }
0x10: {  	[dreg:$0x6] =	wrdreg s3;
	s3 =	sadd.s32 s11, s29;
	s12 =	sshrl.u32 s6, $0x3  }
0x11: {  	s6 =	sadd.s32 s6, s2;
	s19 =	sadd.s32 $0x14000, s13;
	s20 =	sadd.s32 $0x1E000, s13  }
0x12: {  	s7 =	sshrl.u32 s30, $0x3;
	s0 =	sadd.s32 s8, s0;
	[dreg:$0x4] =	wrdreg s1  }
0x13: {  	s26 =	sadd.s32 $0x1EC00, s9;
	[dreg:$0x7] =	wrdreg s3;
	s3 =	sadd.s32 s11, s12  }
0x14: {  	s9 =	sadd.s32 s14, s2;
	s12 =	sadd.s32 s16, s2;
	s1 =	smul.u32 $0x140, s28  }
0x15: {  	s8 =	sadd.s32 s17, s2;
	s14 =	sshrl.u32 s13, $0x2;
	[dreg:$0x11] =	wrdreg s7  }
0x16: {  	s13 =	sadd.s32 $0x28000, s13;
	s6 =	sshrl.u32 s6, $0x3;
	[dreg:$0x5] =	wrdreg s26  }
0x17: {  	s7 =	simm.s32 $0x19A00;
	[dreg:$0x8] =	wrdreg s3;
	s3 =	sadd.s32 s11, s15  }
0x18: {  	s18 =	sadd.s32 s14, s2;
	s14 =	sshrl.u32 s20, $0x2;
	[dreg:$0x12] =	wrdreg s6  }
0x19: {  	s13 =	sshrl.u32 s13, $0x2;
	s15 =	sadd.s32 $0x42000, s0;
	[dreg:$0x9] =	wrdreg s3  }
0x1a: {  	s21 =	sadd.s32 $0x42500, s0;
	s22 =	sadd.s32 $0x42A00, s0;
	[dreg:$0xc] =	wrdreg s15  }
0x1b: {  	s23 =	sadd.s32 $0x42F00, s0;
	s0 =	sadd.s32 $0x43400, s0;
	[dreg:$0xd] =	wrdreg s21  }
0x1c: {  	s25 =	sshrl.u32 s9, $0x3;
	s26 =	sshrl.u32 s12, $0x3;
	[dreg:$0xe] =	wrdreg s22  }
0x1d: {  	s28 =	sshrl.u32 s8, $0x3;
	s6 =	simm.s32 $0x17200;
	[dreg:$0xf] =	wrdreg s23  }
0x1e: {  	s8 =	simm.s32 $0x1;
	s9 =	simm.s32 $0x2;
	[dreg:$0x10] =	wrdreg s0  }
0x1f: {  	s12 =	simm.s32 $0x3;
	s3 =	sshrl.u32 s16, $0x3;
	[dreg:$0x13] =	wrdreg s25  }
0x20: {  	s1 =	sshrl.u32 s1, $0x2;
	s14 =	sadd.s32 s14, s2;
	[dreg:$0x14] =	wrdreg s26  }
0x21: {  	s24 =	sadd.s32 s13, s2;
	[dreg:$0x15] =	wrdreg s28;
	s13 =	simm.s32 $0x4  }
0x22: {  	s15 =	simm.s32 $0x0;
	s3 =	sadd.s32 s11, s3;
	s1 =	sadd.s32 s1, s2  }
0x23: {  	s30 =	sshrl.u32 s14, $0x3;
	s0 =	sshrl.u32 s24, $0x3;
	[dreg:$0xa] =	wrdreg s3  }
0x24: {  	s14 =	simm.s32 $0x1A200;
	s3 =	sshrl.u32 s17, $0x3;
	[dreg:$0x19] =	wrdreg s30  }
0x25: {  	s1 =	sshrl.u32 s1, $0x3;
	[dreg:$0x1a] =	wrdreg s0;
	s0 =	simm.s32 $0x5  }
0x26: {  	s3 =	sadd.s32 s11, s3;
	s11 =	sshrl.u32 s19, $0x2;
	[dreg:$0x17] =	wrdreg s1  }
0x27: {  	v1 =	vlaneseq.u32;
	[dreg:$0xb] =	wrdreg s3;
	s11 =	sadd.s32 s11, s2;
	s3 =	sshrl.u32 s18, $0x3  }
0x28: {  	v0 =	vor.u32 $0x8, v1;
	v1 =	vshrl.u32 v1, $0x3;
	s1 =	simm.s32 $0x6;
	[dreg:$0x16] =	wrdreg s3;
	s29 =	sshrl.u32 s11, $0x3  }
0x29: {  	v2 =	vor.u32 $0x2, v1;
	v3 =	vor.u32 $0x4, v1;
	v4 =	vor.u32 $0x6, v1;
	s3 =	simm.s32 $0x80;
	s11 =	simm.s32 $0x14A00;
	[dreg:$0x18] =	wrdreg s29  }
.LBB2_1:
0x2a: {  	s16 =	rddreg [dreg:$0x7]  }
0x2b: {  	s17 =	rddreg [dreg:$0x11]  }
0x2c: {  	[spmem:s17], [sflag:s10] =	dma.local [hbm:s16], $0x500  }
0x2d: {  	_ =	swait.ge [sflag:s31], $0x500  }
0x2e: {  	[sflag:s31] =	ssyncset.done $0x0;
	s17 =	rddreg [dreg:$0x8]  }
0x2f: {  	s18 =	rddreg [dreg:$0x12];
	[sflag:s31] =	ssyncadd.s32 $0xFFFFFB00  }
0x30: {  	[spmem:s18], [sflag:s10] =	dma.local [hbm:s17], $0x500  }
0x31: {  	_ =	swait.ge [sflag:s31], $0x500  }
0x32: {  	[sflag:s31] =	ssyncset.done $0x0;
	s19 =	rddreg [dreg:$0x9]  }
0x33: {  	s20 =	rddreg [dreg:$0x13];
	[sflag:s31] =	ssyncadd.s32 $0xFFFFFB00  }
0x34: {  	[spmem:s20], [sflag:s10] =	dma.local [hbm:s19], $0x500  }
0x35: {  	_ =	swait.ge [sflag:s31], $0x500  }
0x36: {  	[sflag:s31] =	ssyncset.done $0x0;
	s21 =	rddreg [dreg:$0xa]  }
0x37: {  	s22 =	rddreg [dreg:$0x14];
	[sflag:s31] =	ssyncadd.s32 $0xFFFFFB00  }
0x38: {  	[spmem:s22], [sflag:s10] =	dma.local [hbm:s21], $0x500  }
0x39: {  	_ =	swait.ge [sflag:s31], $0x500  }
0x3a: {  	[sflag:s31] =	ssyncset.done $0x0;
	s23 =	rddreg [dreg:$0xb]  }
0x3b: {  	s24 =	rddreg [dreg:$0x15];
	[sflag:s31] =	ssyncadd.s32 $0xFFFFFB00  }
0x3c: {  	[spmem:s24], [sflag:s10] =	dma.local [hbm:s23], $0x500  }
0x3d: {  	_ =	swait.ge [sflag:s31], $0x500  }
0x3e: {  	s25 =	simm.s32 $0x0;
	[sflag:s31] =	ssyncset.done $0x0  }
0x3f: {  	s18 =	simm.s32 $0xC800;
	s26 =	rddreg [dreg:$0x4];
	[sflag:s31] =	ssyncadd.s32 $0xFFFFFB00  }
0x40: {  	[tilespmem:s18], [sflag:$0x7] =	stream.linear.gather [hbm4b:s26+s25], $0x2900, $0x38;
	[tilespmem:$0x1CA00] =	vst v63  }
0x41: {  	_ =	swait.ge [sflag:s31], $0x2900  }
0x42: {  	[sflag:s31] =	ssyncset.done $0x0  }
0x43: {  	s19 =	simm.s32 $0xF100;
	s28 =	rddreg [dreg:$0x5];
	[sflag:s31] =	ssyncadd.s32 $0xFFFFD700  }
0x44: {  	[tilespmem:s19], [sflag:$0x7] =	stream.linear.gather [hbm4b:s28+s25], $0x2900, $0x38;
	[tilespmem:$0x1CA00] =	vst v63  }
0x45: {  	_ =	swait.ge [sflag:s31], $0x2900  }
0x46: {  	[sflag:s31] =	ssyncset.done $0x0  }
0x47: {  	[sflag:s31] =	ssyncadd.s32 $0xFFFFD700  }
0x48: {  	s29 =	simm.s32 $0x11A00;
	[bflag:$0x0] =	sbarrier.arrive $0xFFFF  }
0x49: {  	[tilespmem:s29], [sflag:$0x1] =	stream.indirect.gather [hbm4b:s4+s3], $0x50, s18, s3, $0xb8;
	[tilespmem:$0x1CA00] =	vst v63  }
0x4a: {  	s30 =	simm.s32 $0x14200;
	s16 =	simm.s32 $0x0  }
0x4b: {  	[tilespmem:s30], [sflag:$0x2] =	stream.indirect.gather [hbm4b:s5+s3], $0x10, s19, s3, $0xb8;
	[tilespmem:$0x1CA00] =	vst v63  }
.LBB2_2:
0x4c: {  	s18 =	sshll.u32 s16, $0x8  }
0x4d: {  	s17 =	sadd.s32 $0xC880, s18  }
0x4e: {  	[tilespmem:s6], [sflag:$0x3] =	stream.indirect.gather [hbm4b:s4+s3], $0x50, s17, s3, $0xb8;
	[tilespmem:$0x1CA00] =	vst v63  }
0x4f: {  	s17 =	sadd.s32 $0xF180, s18  }
0x50: {  	[tilespmem:s7], [sflag:$0x4] =	stream.indirect.gather [hbm4b:s5+s3], $0x10, s17, s3, $0xb8;
	[tilespmem:$0x1CA00] =	vst v63  }
0x51: {  	_ =	swait.ge [sflag:s8], $0x2800  }
0x52: {  	[sflag:s8] =	ssyncset.done $0x0  }
0x53: {  	[sflag:s8] =	ssyncadd.s32 $0xFFFFD800  }
0x54: {  	_ =	swait.ge [sflag:s9], $0x800  }
0x55: {  	p0 =	seq.s32 s16, $0x0;
	[sflag:s9] =	ssyncset.done $0x0  }
0x56: {  	s19 =	simm.s32 @!p0 $0x5;
	[sflag:s9] =	ssyncadd.s32 $0xFFFFF800  }
0x57: {  	_ =	swait.ge @!p0 [sflag:s19], $0x2800  }
0x58: {  	[sflag:s19] =	ssyncset.done @!p0 $0x0  }
0x59: {  	s26 =	simm.s32 $0x14220;
	[sflag:s19] =	ssyncadd.s32 @!p0 $0xFFFFD800  }
0x5a: {  	s23 =	simm.s32 $0x11AA0;
	v5 =	vld [tilespmem:s26+$0x10]  }
0x5b: {  	v6 =	vld [tilespmem:s23+$0x90];
	_ =	sdelay $0x3  }
0x5c: {  	v7 =	vld [tilespmem:s23+$0xFFFFFFA0]  }
0x5d: {  	v8 =	vld [tilespmem:s26+$0xFFFFFFF0];
	v6 =	vadd.f32 v6, v5  }
0x5e: {  	v9 =	vld [tilespmem:s23+$0xFFFFFFF0]  }
0x5f: {  	v10 =	vld [tilespmem:s26+$0x0];
	v11 =	vmul.f32 $2.000000030e-01, v6  }
0x60: {  	v13 =	vld [tilespmem:s26+$0xFFFFFFE0];
	v5 =	vperm.xlane v5, v0  }
0x61: {  	v12 =	vld [tilespmem:s23+$0x40];
	v6 =	vmax.f32 v6, v11  }
0x62: {  	v5 =	vsub.f32 v6, v5;
	_ =	sdelay $0x1  }
0x63: {  	v6 =	vadd.f32 v9, v8;
	v5 =	vmul.f32 $1.442695020e+00, v5  }
0x64: {  	v7 =	vadd.f32 v7, v13  }
0x65: {  	v9 =	vadd.f32 v12, v10;
	v11 =	vmul.f32 $2.000000030e-01, v6;
	(erf) = vpow2.f32 v5  }
0x66: {  	v5 =	vperm.xlane v8, v0  }
0x67: {  	v8 =	vmul.f32 $2.000000030e-01, v9;
	v6 =	vmax.f32 v6, v11;
	v11 =	vmul.f32 $2.000000030e-01, v7  }
0x68: {  	v10 =	vperm.xlane v10, v0;
	v12 =	vperm.xlane v13, v0  }
0x69: {  	v5 =	vsub.f32 v6, v5;
	v6 =	vmax.f32 v9, v8;
	v7 =	vmax.f32 v7, v11  }
0x6a: {  	s19 =	simm.s32 $0x11BE0;
	v8 =	vld [tilespmem:s23+$0x50];
	v6 =	vsub.f32 v6, v10;
	v7 =	vsub.f32 v7, v12  }
0x6b: {  	s21 =	simm.s32 $0x14260;
	v9 =	vld [tilespmem:s19+$0x90];
	v5 =	vmul.f32 $1.442695020e+00, v5  }
0x6c: {  	v10 =	vld [tilespmem:s21+$0x10];
	v6 =	vmul.f32 $1.442695020e+00, v6  }
0x6d: {  	(erf) = vpow2.f32 v5;
	v5 =	vmul.f32 $1.442695020e+00, v7  }
0x6e: {  	(erf) = vpow2.f32 v6;
	v7 =	vpop (erf)  }
0x6f: {  	(erf) = vpow2.f32 v5;
	v6 =	vperm.xlane v7, v1  }
0x70: {  	v14 =	vld [tilespmem:s19+$0xFFFFFFF0]  }
0x71: {  	v18 =	vld [tilespmem:s21+$0x0];
	v16 =	vadd.f32 v9, v10;
	v6 =	vmul.f32 v6, v8  }
0x72: {  	s20 =	simm.s32 $0x14AA0;
	v13 =	vld [tilespmem:s21+$0xFFFFFFF0]  }
0x73: {  	v23 =	vld [tilespmem:s21+$0xFFFFFFE0];
	v22 =	vmul.f32 $2.000000030e-01, v16;
	[tilespmem:s20+$0x50] =	vst v6  }
0x74: {  	v10 =	vperm.xlane v10, v0;
	v6 =	vld [tilespmem:s23+$0x60]  }
0x75: {  	v11 =	vld [tilespmem:s23+$0xFFFFFFB0];
	v16 =	vmax.f32 v16, v22  }
0x76: {  	v5 =	vld [tilespmem:s23+$0xFFFFFF60];
	v10 =	vsub.f32 v16, v10;
	v8 =	vpop (erf)  }
0x77: {  	v14 =	vadd.f32 v14, v13;
	v13 =	vperm.xlane v13, v0;
	v12 =	vld [tilespmem:s19+$0xFFFFFFA0];
	v19 =	vperm.xlane v7, v2;
	v15 =	vpop (erf)  }
0x78: {  	v20 =	vld [tilespmem:s19+$0x40];
	v10 =	vmul.f32 $1.442695020e+00, v10;
	v17 =	vperm.xlane v8, v1;
	v9 =	vpop (erf)  }
0x79: {  	v21 =	vperm.xlane v9, v1;
	v6 =	vmul.f32 v19, v6  }
0x7a: {  	(erf) = vpow2.f32 v10;
	v10 =	vperm.xlane v7, v3;
	v19 =	vld [tilespmem:s23+$0x0]  }
0x7b: {  	v22 =	vperm.xlane v15, v3;
	v5 =	vmul.f32 v21, v5;
	[tilespmem:s20+$0x60] =	vst v6  }
0x7c: {  	v12 =	vadd.f32 v12, v23;
	v11 =	vmul.f32 v17, v11;
	v21 =	vmul.f32 $2.000000030e-01, v14;
	v16 =	vld [tilespmem:s23+$0x70]  }
0x7d: {  	v17 =	vperm.xlane v15, v1;
	[tilespmem:s20+$0xFFFFFF60] =	vst v5;
	v5 =	vperm.xlane v18, v0;
	v18 =	vadd.f32 v20, v18  }
0x7e: {  	v24 =	vperm.xlane v9, v4;
	v6 =	vperm.xlane v9, v2;
	v14 =	vmax.f32 v14, v21;
	v20 =	vld [tilespmem:s23+$0xFFFFFF70]  }
0x7f: {  	s24 =	simm.s32 $0x142A0;
	v13 =	vsub.f32 v14, v13;
	v17 =	vmul.f32 v17, v19;
	v19 =	vmul.f32 $2.000000030e-01, v18  }
0x80: {  	v27 =	vld [tilespmem:s24+$0xFFFFFFF0];
	[tilespmem:s20+$0xFFFFFFB0] =	vst v11;
	v21 =	vperm.xlane v23, v0;
	v14 =	vmul.f32 $2.000000030e-01, v12  }
0x81: {  	v13 =	vmul.f32 $1.442695020e+00, v13;
	[tilespmem:s20+$0x0] =	vst v17;
	v17 =	vmax.f32 v18, v19;
	v10 =	vmul.f32 v10, v16;
	v16 =	vld [tilespmem:s23+$0xFFFFFFC0]  }
0x82: {  	v12 =	vmax.f32 v12, v14;
	v14 =	vperm.xlane v8, v3;
	v18 =	vld [tilespmem:s23+$0x10];
	v5 =	vsub.f32 v17, v5  }
0x83: {  	v12 =	vsub.f32 v12, v21;
	(erf) = vpow2.f32 v13;
	v6 =	vmul.f32 v6, v20;
	v17 =	vld [tilespmem:s19+$0x50]  }
0x84: {  	v20 =	vld [tilespmem:s24+$0x10];
	[tilespmem:s20+$0x70] =	vst v10;
	v10 =	vperm.xlane v8, v2;
	v5 =	vmul.f32 $1.442695020e+00, v5  }
0x85: {  	v12 =	vmul.f32 $1.442695020e+00, v12;
	[tilespmem:s20+$0xFFFFFF70] =	vst v6;
	v6 =	vperm.xlane v15, v2;
	v13 =	vld [tilespmem:s23+$0x80]  }
0x86: {  	s21 =	simm.s32 $0x11D20;
	v19 =	vld [tilespmem:s23+$0xFFFFFF80];
	(erf) = vpow2.f32 v5;
	v10 =	vmul.f32 v10, v16  }
0x87: {  	(erf) = vpow2.f32 v12;
	v16 =	vpop (erf);
	v12 =	vld [tilespmem:s21+$0x90];
	v23 =	vmul.f32 v6, v18  }
0x88: {  	v32 =	vld [tilespmem:s24+$0x0];
	v18 =	vperm.xlane v7, v4;
	[tilespmem:s20+$0xFFFFFFC0] =	vst v10;
	v10 =	vperm.xlane v16, v1  }
0x89: {  	v21 =	vld [tilespmem:s19+$0xFFFFFFB0];
	v5 =	vperm.xlane v9, v3;
	v6 =	vperm.xlane v15, v4  }
0x8a: {  	v34 =	vperm.xlane v20, v0;
	v25 =	vld [tilespmem:s23+$0xFFFFFFD0];
	v10 =	vmul.f32 v10, v17  }
0x8b: {  	s22 =	simm.s32 $0x14BE0;
	v28 =	vmul.f32 v18, v13;
	v13 =	vmul.f32 v5, v19;
	v19 =	vld [tilespmem:s21+$0xFFFFFFF0]  }
0x8c: {  	v26 =	vld [tilespmem:s21+$0xFFFFFFA0];
	v35 =	vperm.xlane v16, v2;
	v17 =	vperm.xlane v8, v4;
	v18 =	vpop (erf);
	[tilespmem:s22+$0x50] =	vst v10;
	v10 =	vadd.f32 v12, v20  }
0x8d: {  	v29 =	vperm.xlane v18, v2;
	v12 =	vperm.xlane v18, v1;
	v30 =	vld [tilespmem:s19+$0x60]  }
0x8e: {  	v11 =	vld [tilespmem:s19+$0xFFFFFF60];
	v31 =	vperm.xlane v18, v3;
	v33 =	vmul.f32 $2.000000030e-01, v10  }
0x8f: {  	v5 =	vpop (erf);
	v14 =	vmul.f32 v14, v25;
	v25 =	vld [tilespmem:s21+$0x40];
	v12 =	vmul.f32 v12, v21  }
0x90: {  	v21 =	vld [tilespmem:s24+$0xFFFFFFE0];
	v19 =	vadd.f32 v19, v27;
	v27 =	vperm.xlane v27, v0;
	v20 =	vpop (erf);
	v10 =	vmax.f32 v10, v33  }
0x91: {  	s25 =	simm.s32 $0x11E60;
	v48 =	vld [tilespmem:s19+$0x0];
	[tilespmem:s20+$0x90] =	vst v7;
	v36 =	vperm.xlane v5, v1;
	v37 =	vperm.xlane v20, v1;
	v10 =	vsub.f32 v10, v34  }
0x92: {  	v57 =	vld [tilespmem:s25+$0xFFFFFFA0];
	[tilespmem:s20+$0x10] =	vst v23;
	v51 =	vmul.f32 $2.000000030e-01, v19;
	v30 =	vmul.f32 v35, v30  }
0x93: {  	v58 =	vld [tilespmem:s25+$0x40];
	[tilespmem:s20+$0xFFFFFF80] =	vst v13;
	v11 =	vmul.f32 v37, v11;
	v10 =	vmul.f32 $1.442695020e+00, v10  }
0x94: {  	v38 =	vld [tilespmem:s21+$0xFFFFFFB0];
	v55 =	vperm.xlane v5, v3;
	v7 =	vperm.xlane v5, v4;
	v25 =	vadd.f32 v25, v32;
	[tilespmem:s22+$0x60] =	vst v30  }
0x95: {  	v13 =	vld [tilespmem:s23+$0x20];
	v26 =	vadd.f32 v26, v21;
	[tilespmem:s22+$0xFFFFFF60] =	vst v11;
	v11 =	vmax.f32 v19, v51;
	(erf) = vpow2.f32 v10  }
0x96: {  	v52 =	vld [tilespmem:s19+$0x70];
	v10 =	vmul.f32 v36, v48;
	v19 =	vmul.f32 $2.000000030e-01, v25;
	v11 =	vsub.f32 v11, v27  }
0x97: {  	[tilespmem:s22+$0xFFFFFFB0] =	vst v12;
	v30 =	vperm.xlane v32, v0;
	v53 =	vld [tilespmem:s19+$0xFFFFFF70];
	v54 =	vmul.f32 $2.000000030e-01, v26  }
0x98: {  	v21 =	vperm.xlane v21, v0;
	v27 =	vld [tilespmem:s19+$0xFFFFFFC0];
	[tilespmem:s22+$0x0] =	vst v10;
	v10 =	vmax.f32 v25, v19;
	v11 =	vmul.f32 $1.442695020e+00, v11  }
0x99: {  	[tilespmem:s20+$0x80] =	vst v28;
	v28 =	vld [tilespmem:s25+$0x90];
	v19 =	vperm.xlane v16, v3;
	v25 =	vmax.f32 v26, v54;
	v10 =	vsub.f32 v10, v30  }
0x9a: {  	s26 =	simm.s32 $0x142E0;
	v49 =	vperm.xlane v20, v2;
	v23 =	vld [tilespmem:s19+$0x10];
	v21 =	vsub.f32 v25, v21;
	(erf) = vpow2.f32 v11  }
0x9b: {  	v30 =	vld [tilespmem:s26+$0x10];
	v19 =	vmul.f32 v19, v52;
	v10 =	vmul.f32 $1.442695020e+00, v10  }
0x9c: {  	[tilespmem:s20+$0xFFFFFFD0] =	vst v14;
	v25 =	vld [tilespmem:s23+$0xFFFFFF90];
	v11 =	vmul.f32 $1.442695020e+00, v21;
	v14 =	vmul.f32 v49, v53  }
0x9d: {  	v12 =	vperm.xlane v5, v2;
	v21 =	vld [tilespmem:s21+$0x50];
	v27 =	vmul.f32 v29, v27;
	[tilespmem:s22+$0x70] =	vst v19  }
0x9e: {  	v22 =	vmul.f32 v22, v13;
	(erf) = vpow2.f32 v10;
	[tilespmem:s22+$0xFFFFFF70] =	vst v14;
	v19 =	vld [tilespmem:s19+$0x80]  }
0x9f: {  	v13 =	vperm.xlane v20, v4;
	v26 =	vperm.xlane v20, v3;
	[tilespmem:s22+$0xFFFFFFC0] =	vst v27;
	v14 =	vld [tilespmem:s19+$0xFFFFFF80]  }
0xa0: {  	(erf) = vpow2.f32 v11;
	v12 =	vmul.f32 v12, v23;
	v23 =	vld [tilespmem:s19+$0xFFFFFFD0];
	v28 =	vadd.f32 v28, v30;
	v11 =	vpop (erf)  }
0xa1: {  	[tilespmem:s20+$0x20] =	vst v22;
	v29 =	vld [tilespmem:s23+$0xFFFFFFE0];
	v24 =	vmul.f32 v24, v25;
	v10 =	vperm.xlane v11, v1  }
0xa2: {  	v39 =	vld [tilespmem:s21+$0x0];
	[tilespmem:s20+$0xFFFFFFA0] =	vst v9;
	v27 =	vperm.xlane v16, v4;
	v60 =	vmul.f32 $2.000000030e-01, v28  }
0xa3: {  	[tilespmem:s20+$0xFFFFFF90] =	vst v24;
	v24 =	vld [tilespmem:s26+$0xFFFFFFE0];
	v21 =	vmul.f32 v10, v21;
	v10 =	vperm.xlane v18, v4  }
0xa4: {  	s24 =	simm.s32 $0x14D20;
	[tilespmem:s20+$0xFFFFFFF0] =	vst v8;
	v25 =	vld [tilespmem:s26+$0xFFFFFFF0];
	v19 =	vmul.f32 v27, v19;
	v26 =	vmul.f32 v26, v14  }
0xa5: {  	v9 =	vpop (erf);
	v27 =	vld [tilespmem:s25+$0xFFFFFFF0];
	v23 =	vmul.f32 v31, v23;
	v31 =	vperm.xlane v11, v2;
	[tilespmem:s24+$0x50] =	vst v21  }
0xa6: {  	[tilespmem:s22+$0x90] =	vst v16;
	v21 =	vmul.f32 v17, v29;
	v29 =	vperm.xlane v9, v1;
	v17 =	vld [tilespmem:s21+$0x60]  }
0xa7: {  	v50 =	vld [tilespmem:s21+$0xFFFFFF60];
	[tilespmem:s22+$0x10] =	vst v12;
	v56 =	vperm.xlane v9, v2;
	v14 =	vperm.xlane v9, v3;
	v8 =	vpop (erf)  }
0xa8: {  	v22 =	vld [tilespmem:s26+$0x0];
	[tilespmem:s22+$0x80] =	vst v19;
	v62 =	vperm.xlane v24, v0;
	v16 =	vperm.xlane v8, v1  }
0xa9: {  	[tilespmem:s22+$0xFFFFFFD0] =	vst v23;
	v23 =	vperm.xlane v11, v3;
	v29 =	vmul.f32 v29, v38;
	v12 =	vpop (erf)  }
0xaa: {  	[tilespmem:s22+$0xFFFFFF80] =	vst v26;
	v59 =	vperm.xlane v12, v1;
	v19 =	vadd.f32 v27, v25;
	v16 =	vmul.f32 v16, v39  }
0xab: {  	v63 =	vld [tilespmem:s19+$0x20];
	v28 =	vmax.f32 v28, v60;
	v27 =	vperm.xlane v30, v0;
	[tilespmem:s24+$0xFFFFFFB0] =	vst v29;
	v31 =	vmul.f32 v31, v17  }
0xac: {  	v34 =	vadd.f32 v57, v24;
	v29 =	vmul.f32 v59, v50;
	v30 =	vmul.f32 $2.000000030e-01, v19;
	[tilespmem:s24+$0x0] =	vst v16  }
0xad: {  	v17 =	vld [tilespmem:s25+$0xFFFFFF60];
	v27 =	vsub.f32 v28, v27;
	[tilespmem:s24+$0x60] =	vst v31;
	v31 =	vperm.xlane v22, v0;
	v22 =	vadd.f32 v58, v22  }
0xae: {  	[tilespmem:s20+$0xFFFFFFE0] =	vst v21;
	v21 =	vmul.f32 $2.000000030e-01, v34;
	v25 =	vperm.xlane v25, v0;
	v16 =	vmax.f32 v19, v30;
	v30 =	vld [tilespmem:s21+$0x10]  }
0xaf: {  	[tilespmem:s24+$0xFFFFFF60] =	vst v29;
	v24 =	vmul.f32 $1.442695020e+00, v27;
	v29 =	vld [tilespmem:s21+$0x70];
	v26 =	vmul.f32 $2.000000030e-01, v22  }
0xb0: {  	v32 =	vmul.f32 v55, v63;
	v21 =	vmax.f32 v34, v21;
	v27 =	vld [tilespmem:s21+$0xFFFFFF70];
	v25 =	vsub.f32 v16, v25  }
0xb1: {  	(erf) = vpow2.f32 v24;
	v24 =	vld [tilespmem:s19+$0xFFFFFF90];
	[tilespmem:s22+$0xFFFFFFA0] =	vst v20;
	v20 =	vsub.f32 v21, v62;
	v22 =	vmax.f32 v22, v26  }
0xb2: {  	v61 =	vperm.xlane v8, v2;
	v40 =	vperm.xlane v12, v2;
	v28 =	vld [tilespmem:s21+$0xFFFFFFC0];
	v26 =	vsub.f32 v22, v31  }
0xb3: {  	v21 =	vld [tilespmem:s23+$0x30];
	v25 =	vmul.f32 $1.442695020e+00, v25;
	v20 =	vmul.f32 $1.442695020e+00, v20  }
0xb4: {  	[tilespmem:s20+$0x40] =	vst v15;
	v15 =	vld [tilespmem:s25+$0x0];
	v23 =	vmul.f32 v23, v29;
	v26 =	vmul.f32 $1.442695020e+00, v26  }
0xb5: {  	v22 =	vld [tilespmem:s19+$0xFFFFFFE0];
	[tilespmem:s22+$0xFFFFFFF0] =	vst v18;
	(erf) = vpow2.f32 v25;
	v25 =	vmul.f32 v40, v27  }
0xb6: {  	v18 =	vld [tilespmem:s25+$0xFFFFFFB0];
	[tilespmem:s24+$0x70] =	vst v23;
	(erf) = vpow2.f32 v26;
	v26 =	vmul.f32 v61, v30  }
0xb7: {  	[tilespmem:s22+$0x20] =	vst v32;
	v19 =	vperm.xlane v12, v3;
	v28 =	vmul.f32 v56, v28;
	v29 =	vld [tilespmem:s21+$0x80]  }
0xb8: {  	v16 =	vperm.xlane v8, v3;
	[tilespmem:s24+$0xFFFFFF70] =	vst v25;
	v30 =	vld [tilespmem:s25+$0x50];
	(erf) = vpow2.f32 v20  }
0xb9: {  	s29 =	simm.s32 $0xC;
	s30 =	simm.s32 $0x14320;
	[tilespmem:s24+$0xFFFFFFC0] =	vst v28;
	v31 =	vperm.xlane v11, v4;
	v25 =	vperm.xlane v12, v4;
	v28 =	vld [tilespmem:s21+$0xFFFFFF80]  }
0xba: {  	s28 =	simm.s32 $0x11E60;
	s26 =	simm.s32 $0x14D20;
	s23 =	sadd.s32 $0x100, s18;
	v27 =	vld [tilespmem:s21+$0xFFFFFFD0];
	v23 =	vperm.xlane v9, v4;
	v20 =	vperm.xlane v8, v4;
	[tilespmem:s24+$0x10] =	vst v26;
	v26 =	vpop (erf)  }
.LBB2_3:
0xbb: {  	v32 =	vld [tilespmem:s30+$0x10];
	v33 =	vperm.xlane v26, v1;
	s25 =	sadd.s32 $0x140, s25;
	[tilespmem:s24+$0x90] =	vst v11;
	v24 =	vmul.f32 v13, v24;
	v13 =	vmovc v25;
	v11 =	vmov v26  }
0xbc: {  	s29 =	sadd.s32 $0x4, s29;
	v22 =	vmul.f32 v10, v22;
	v10 =	vmov v23;
	v25 =	vld [tilespmem:s25+$0x90];
	v26 =	vmul.f32 v31, v29  }
0xbd: {  	v21 =	vmul.f32 v6, v21;
	v6 =	vmovc v7;
	p1 =	slt.u32 s29, $0x7C;
	v7 =	vmov v20;
	v23 =	vld [tilespmem:s25+$0xFFFFFFA0];
	v29 =	vmul.f32 v33, v30;
	[tilespmem:s22+$0xFFFFFF90] =	vst v24  }
0xbe: {  	s24 =	sadd.s32 $0x140, s24;
	v20 =	vld [tilespmem:s30+$0xFFFFFFF0];
	v30 =	vpop (erf);
	v19 =	vmul.f32 v19, v28;
	[tilespmem:s26+$0x80] =	vst v26  }
0xbf: {  	v24 =	vld [tilespmem:s25+$0xFFFFFFF0];
	v26 =	vperm.xlane v30, v1;
	v28 =	vperm.xlane v30, v2;
	[tilespmem:s24+$0x50] =	vst v29  }
0xc0: {  	v29 =	vld [tilespmem:s28+$0x60];
	v31 =	vpop (erf);
	[tilespmem:s26+$0xFFFFFF80] =	vst v19;
	v19 =	vmul.f32 v14, v27;
	v14 =	vperm.xlane v30, v3  }
0xc1: {  	v27 =	vld [tilespmem:s30+$0x0];
	v25 =	vadd.f32 v25, v32;
	v18 =	vmul.f32 v26, v18;
	v26 =	vperm.xlane v31, v1;
	v33 =	vpop (erf);
	[tilespmem:s22+$0xFFFFFFE0] =	vst v22  }
0xc2: {  	v22 =	vld [tilespmem:s25+$0x40];
	v34 =	vperm.xlane v33, v1;
	v35 =	vperm.xlane v33, v2;
	[tilespmem:s26+$0xFFFFFFD0] =	vst v19  }
0xc3: {  	v37 =	vperm.xlane v11, v2;
	v19 =	vld [tilespmem:s30+$0xFFFFFFE0];
	v36 =	vmul.f32 $2.000000030e-01, v25;
	[tilespmem:s24+$0xFFFFFFB0] =	vst v18  }
0xc4: {  	v32 =	vperm.xlane v32, v0;
	v38 =	vld [tilespmem:s25+$0xFFFFFF60];
	v24 =	vadd.f32 v24, v20;
	v20 =	vperm.xlane v20, v0;
	[tilespmem:s20+$0x30] =	vst v21;
	s20 =	smov.u32 s22;
	s22 =	smov.u32 s26;
	s26 =	smov.u32 s24  }
0xc5: {  	v17 =	vmul.f32 v34, v17;
	v18 =	vld [tilespmem:s25+$0xFFFFFFB0];
	v21 =	vmax.f32 v25, v36;
	v25 =	vmul.f32 v37, v29  }
0xc6: {  	v29 =	vmul.f32 $2.000000030e-01, v24;
	v34 =	vperm.xlane v27, v0;
	v36 =	vld [tilespmem:s25+$0x0];
	v21 =	vsub.f32 v21, v32  }
0xc7: {  	v15 =	vmul.f32 v26, v15;
	v26 =	vperm.xlane v31, v2;
	v22 =	vadd.f32 v22, v27;
	v27 =	vld [tilespmem:s28+$0xFFFFFFC0];
	[tilespmem:s24+$0x60] =	vst v25  }
0xc8: {  	v23 =	vadd.f32 v23, v19;
	v25 =	vperm.xlane v19, v0;
	v21 =	vmul.f32 $1.442695020e+00, v21;
	[tilespmem:s24+$0xFFFFFF60] =	vst v17;
	v32 =	vld [tilespmem:s28+$0x70]  }
0xc9: {  	v24 =	vmax.f32 v24, v29;
	v19 =	vperm.xlane v33, v3;
	v29 =	vmul.f32 $2.000000030e-01, v22;
	v37 =	vld [tilespmem:s28+$0xFFFFFF70];
	[tilespmem:s24+$0x0] =	vst v15;
	v17 =	vmovc v38  }
0xca: {  	v20 =	vsub.f32 v24, v20;
	v38 =	vmul.f32 $2.000000030e-01, v23;
	(erf) = vpow2.f32 v21;
	v39 =	vld [tilespmem:s28+$0x10]  }
0xcb: {  	v40 =	vperm.xlane v31, v3;
	v21 =	vmax.f32 v22, v29;
	v22 =	vperm.xlane v11, v3;
	v41 =	vld [tilespmem:s21+$0x20];
	v15 =	vmovc v36  }
0xcc: {  	v20 =	vmul.f32 $1.442695020e+00, v20;
	v23 =	vmax.f32 v23, v38;
	v21 =	vsub.f32 v21, v34;
	v24 =	vld [tilespmem:s21+$0xFFFFFF90];
	[tilespmem:s22+$0xFFFFFFA0] =	vst v12;
	v12 =	vmovc v33  }
0xcd: {  	v23 =	vsub.f32 v23, v25;
	v25 =	vmul.f32 v28, v27;
	v27 =	vmul.f32 v22, v32;
	v22 =	vld [tilespmem:s21+$0xFFFFFFE0];
	[tilespmem:s22+$0xFFFFFFF0] =	vst v9  }
0xce: {  	v9 =	vmovc v30;
	v28 =	vmul.f32 $1.442695020e+00, v21;
	(erf) = vpow2.f32 v20;
	v21 =	vld [tilespmem:s19+$0x30];
	[tilespmem:s20+$0x40] =	vst v5;
	v5 =	vmovc v8;
	v8 =	vmov v31;
	s19 =	smov.u32 s21;
	s21 =	smov.u32 s28;
	s28 =	smov.u32 s25  }
.Ltmp0:
0xcf: {  	v20 =	vmul.f32 $1.442695020e+00, v23;
	v23 =	vmul.f32 v35, v37;
	[tilespmem:s24+$0x70] =	vst v27;
	(pc) =	sbr.rel @p1 .LBB2_3-.Ltmp0, $4  }
0xd0: {  	v27 =	vmul.f32 v26, v39;
	(erf) = vpow2.f32 v28;
	[tilespmem:s24+$0xFFFFFFC0] =	vst v25;
	v29 =	vld [tilespmem:s21+$0x80]  }
0xd1: {  	v32 =	vmul.f32 v16, v41;
	v16 =	vmov v40;
	v30 =	vld [tilespmem:s25+$0x50];
	(erf) = vpow2.f32 v20;
	[tilespmem:s24+$0xFFFFFF70] =	vst v23  }
0xd2: {  	v25 =	vperm.xlane v12, v4;
	v23 =	vperm.xlane v9, v4;
	v28 =	vld [tilespmem:s21+$0xFFFFFF80];
	[tilespmem:s24+$0x10] =	vst v27  }
0xd3: {  	s30 =	sadd.s32 $0x40, s30;
	v31 =	vperm.xlane v11, v4;
	v20 =	vperm.xlane v8, v4;
	v26 =	vpop (erf);
	v27 =	vld [tilespmem:s21+$0xFFFFFFD0];
	[tilespmem:s22+$0x20] =	vst v32  }
0xd4: {  	v32 =	vperm.xlane v26, v1;
	_ =	sdelay $0x1  }
0xd5: {  	v30 =	vmul.f32 v32, v30  }
0xd6: {  	s25 =	sadd.s32 $0x140, s24  }
0xd7: {  	v13 =	vmul.f32 v13, v24;
	v24 =	vpop (erf);
	[tilespmem:s25+$0x50] =	vst v30  }
0xd8: {  	[tilespmem:s24+$0x90] =	vst v11;
	v11 =	vmul.f32 v31, v29;
	v29 =	vperm.xlane v24, v1;
	v30 =	vld [tilespmem:s28+$0x60];
	v31 =	vpop (erf)  }
0xd9: {  	[tilespmem:s22+$0xFFFFFF90] =	vst v13;
	v13 =	vmul.f32 v19, v28;
	v19 =	vpop (erf)  }
0xda: {  	[tilespmem:s26+$0x80] =	vst v11;
	v11 =	vmul.f32 v29, v18;
	v18 =	vperm.xlane v19, v1  }
0xdb: {  	v28 =	vperm.xlane v26, v2;
	v14 =	vmul.f32 v14, v27;
	[tilespmem:s26+$0xFFFFFF80] =	vst v13  }
0xdc: {  	[tilespmem:s25+$0xFFFFFFB0] =	vst v11;
	v11 =	vmul.f32 v18, v17  }
0xdd: {  	v13 =	vperm.xlane v31, v1;
	[tilespmem:s26+$0xFFFFFFD0] =	vst v14;
	v28 =	vmul.f32 v28, v30  }
0xde: {  	v10 =	vmul.f32 v10, v22;
	v14 =	vld [tilespmem:s21+$0x20];
	[tilespmem:s25+$0xFFFFFF60] =	vst v11  }
0xdf: {  	v13 =	vmul.f32 v13, v15;
	[tilespmem:s25+$0x60] =	vst v28;
	v15 =	vld [tilespmem:s28+$0xFFFFFF70]  }
0xe0: {  	v6 =	vmul.f32 v6, v21;
	[tilespmem:s22+$0xFFFFFFE0] =	vst v10;
	v11 =	vld [tilespmem:s28+$0x70]  }
0xe1: {  	v17 =	vld [tilespmem:s28+$0xFFFFFFC0];
	[tilespmem:s25+$0x0] =	vst v13  }
0xe2: {  	[tilespmem:s20+$0x30] =	vst v6;
	v18 =	vperm.xlane v19, v2;
	v10 =	vld [tilespmem:s28+$0x10]  }
0xe3: {  	v6 =	vld [tilespmem:s21+$0xFFFFFF90];
	[tilespmem:s26+$0xFFFFFFA0] =	vst v12;
	v13 =	vperm.xlane v26, v3  }
0xe4: {  	v21 =	vperm.xlane v24, v2;
	v12 =	vld [tilespmem:s21+$0xFFFFFFE0];
	[tilespmem:s26+$0xFFFFFFF0] =	vst v9;
	v9 =	vmul.f32 v18, v15  }
0xe5: {  	v11 =	vmul.f32 v13, v11;
	v13 =	vperm.xlane v31, v2  }
0xe6: {  	v15 =	vmul.f32 v21, v17;
	v17 =	vld [tilespmem:s19+$0x30];
	[tilespmem:s25+$0xFFFFFF70] =	vst v9  }
0xe7: {  	[tilespmem:s25+$0x70] =	vst v11;
	v9 =	vmul.f32 v13, v10;
	v10 =	vld [tilespmem:s28+$0xFFFFFF80]  }
0xe8: {  	[tilespmem:s22+$0x40] =	vst v5;
	v5 =	vmul.f32 v16, v14;
	v11 =	vld [tilespmem:s28+$0x80]  }
0xe9: {  	[tilespmem:s25+$0xFFFFFFC0] =	vst v15  }
0xea: {  	v14 =	vperm.xlane v19, v3;
	[tilespmem:s26+$0x20] =	vst v5;
	v13 =	vld [tilespmem:s28+$0xFFFFFFD0]  }
0xeb: {  	v5 =	vmul.f32 v25, v6;
	[tilespmem:s25+$0x10] =	vst v9;
	v9 =	vperm.xlane v26, v4  }
0xec: {  	v6 =	vperm.xlane v24, v3  }
0xed: {  	[tilespmem:s26+$0xFFFFFF90] =	vst v5;
	v5 =	vmul.f32 v14, v10;
	v9 =	vmul.f32 v9, v11;
	v11 =	vld [tilespmem:s28+$0x20]  }
0xee: {  	[tilespmem:s25+$0x90] =	vst v26  }
0xef: {  	v6 =	vmul.f32 v6, v13;
	[tilespmem:s25+$0xFFFFFF80] =	vst v5  }
0xf0: {  	v10 =	vmul.f32 v23, v12;
	[tilespmem:s25+$0x80] =	vst v9;
	v9 =	vperm.xlane v31, v3  }
0xf1: {  	v5 =	vmul.f32 v7, v17;
	[tilespmem:s25+$0xFFFFFFD0] =	vst v6  }
0xf2: {  	[tilespmem:s26+$0xFFFFFFE0] =	vst v10;
	v6 =	vld [tilespmem:s28+$0xFFFFFF90];
	v9 =	vmul.f32 v9, v11  }
0xf3: {  	[tilespmem:s22+$0x30] =	vst v5;
	v5 =	vld [tilespmem:s21+$0x30]  }
0xf4: {  	v7 =	vld [tilespmem:s28+$0xFFFFFFE0];
	[tilespmem:s25+$0x20] =	vst v9  }
0xf5: {  	v10 =	vperm.xlane v19, v4;
	[tilespmem:s25+$0xFFFFFFA0] =	vst v19;
	v11 =	vld [tilespmem:s28+$0x30]  }
0xf6: {  	[tilespmem:s25+$0xFFFFFFF0] =	vst v24  }
0xf7: {  	[tilespmem:s26+$0x40] =	vst v8;
	v9 =	vperm.xlane v24, v4;
	v6 =	vmul.f32 v10, v6  }
0xf8: {  	v8 =	vperm.xlane v31, v4;
	v5 =	vmul.f32 v20, v5;
	[tilespmem:s25+$0x40] =	vst v31  }
0xf9: {  	v7 =	vmul.f32 v9, v7;
	[tilespmem:s25+$0xFFFFFF90] =	vst v6  }
0xfa: {  	[tilespmem:s26+$0x30] =	vst v5;
	v5 =	vmul.f32 v8, v11  }
0xfb: {  	s18 =	sand.u32 $0x3FFFFF00, s18;
	[tilespmem:s25+$0xFFFFFFE0] =	vst v7  }
0xfc: {  	p1 =	seq.s32 s16, $0x28;
	s18 =	sadd.s32 $0xF100, s18;
	[tilespmem:s25+$0x30] =	vst v5  }
0xfd: {  	[spmem:s2] =	stream.indirect.scatter.add.f32 [tilespmem:s11], [sflag:$0x5], $0x50, s18, s3, $0xb8;
	[tilespmem:$0x1CA00] =	vst v63  }
0xfe: {  	s20 =	simm.s32 @!p1 $0x11A00;
	s19 =	simm.s32 @!p1 $0x80;
	s18 =	sadd.s32 @!p1 $0xC800, s23  }
0xff: {  	[tilespmem:s20], [sflag:$0x1] =	stream.indirect.gather @!p1 [hbm4b:s4+s19], $0x50, s18, s19, $0xb8;
	[tilespmem:$0x1CA00] =	vst v63  }
0x100: {  	s18 =	sadd.s32 @!p1 $0xF100, s23;
	s20 =	simm.s32 @!p1 $0x14200  }
0x101: {  	[tilespmem:s20], [sflag:$0x2] =	stream.indirect.gather @!p1 [hbm4b:s5+s19], $0x10, s18, s19, $0xb8;
	[tilespmem:$0x1CA00] =	vst v63  }
0x102: {  	_ =	swait.ge [sflag:s12], $0x2800  }
0x103: {  	[sflag:s12] =	ssyncset.done $0x0  }
0x104: {  	[sflag:s12] =	ssyncadd.s32 $0xFFFFD800  }
0x105: {  	_ =	swait.ge [sflag:s13], $0x800  }
0x106: {  	[sflag:s13] =	ssyncset.done $0x0  }
0x107: {  	s18 =	simm.s32 @!p0 $0x6;
	[sflag:s13] =	ssyncadd.s32 $0xFFFFF800  }
0x108: {  	_ =	swait.ge @!p0 [sflag:s18], $0x2800  }
0x109: {  	[sflag:s18] =	ssyncset.done @!p0 $0x0  }
0x10a: {  	s25 =	simm.s32 $0x19A20;
	[sflag:s18] =	ssyncadd.s32 @!p0 $0xFFFFD800  }
0x10b: {  	s22 =	simm.s32 $0x172A0;
	v5 =	vld [tilespmem:s25+$0x10]  }
0x10c: {  	v6 =	vld [tilespmem:s22+$0x90];
	_ =	sdelay $0x3  }
0x10d: {  	v7 =	vld [tilespmem:s22+$0xFFFFFFA0]  }
0x10e: {  	v8 =	vld [tilespmem:s25+$0xFFFFFFF0];
	v6 =	vadd.f32 v6, v5  }
0x10f: {  	v9 =	vld [tilespmem:s22+$0xFFFFFFF0]  }
0x110: {  	v10 =	vld [tilespmem:s25+$0x0];
	v11 =	vmul.f32 $2.000000030e-01, v6  }
0x111: {  	v13 =	vld [tilespmem:s25+$0xFFFFFFE0];
	v5 =	vperm.xlane v5, v0  }
0x112: {  	v12 =	vld [tilespmem:s22+$0x40];
	v6 =	vmax.f32 v6, v11  }
0x113: {  	v5 =	vsub.f32 v6, v5;
	_ =	sdelay $0x1  }
0x114: {  	v6 =	vadd.f32 v9, v8;
	v5 =	vmul.f32 $1.442695020e+00, v5  }
0x115: {  	v7 =	vadd.f32 v7, v13  }
0x116: {  	v9 =	vadd.f32 v12, v10;
	v11 =	vmul.f32 $2.000000030e-01, v6;
	(erf) = vpow2.f32 v5  }
0x117: {  	v5 =	vperm.xlane v8, v0  }
0x118: {  	v8 =	vmul.f32 $2.000000030e-01, v9;
	v6 =	vmax.f32 v6, v11;
	v11 =	vmul.f32 $2.000000030e-01, v7  }
0x119: {  	v10 =	vperm.xlane v10, v0;
	v12 =	vperm.xlane v13, v0  }
0x11a: {  	v5 =	vsub.f32 v6, v5;
	v6 =	vmax.f32 v9, v8;
	v7 =	vmax.f32 v7, v11  }
0x11b: {  	s18 =	simm.s32 $0x173E0;
	v8 =	vld [tilespmem:s22+$0x50];
	v6 =	vsub.f32 v6, v10;
	v7 =	vsub.f32 v7, v12  }
0x11c: {  	s26 =	simm.s32 $0x19A60;
	v9 =	vld [tilespmem:s18+$0x90];
	v5 =	vmul.f32 $1.442695020e+00, v5  }
0x11d: {  	v10 =	vld [tilespmem:s26+$0x10];
	v6 =	vmul.f32 $1.442695020e+00, v6  }
0x11e: {  	(erf) = vpow2.f32 v5;
	v5 =	vmul.f32 $1.442695020e+00, v7  }
0x11f: {  	(erf) = vpow2.f32 v6;
	v7 =	vpop (erf)  }
0x120: {  	(erf) = vpow2.f32 v5;
	v6 =	vperm.xlane v7, v1  }
0x121: {  	v14 =	vld [tilespmem:s18+$0xFFFFFFF0]  }
0x122: {  	v18 =	vld [tilespmem:s26+$0x0];
	v16 =	vadd.f32 v9, v10;
	v6 =	vmul.f32 v6, v8  }
0x123: {  	s19 =	simm.s32 $0x1A2A0;
	v13 =	vld [tilespmem:s26+$0xFFFFFFF0]  }
0x124: {  	v23 =	vld [tilespmem:s26+$0xFFFFFFE0];
	v22 =	vmul.f32 $2.000000030e-01, v16;
	[tilespmem:s19+$0x50] =	vst v6  }
0x125: {  	v10 =	vperm.xlane v10, v0;
	v6 =	vld [tilespmem:s22+$0x60]  }
0x126: {  	v11 =	vld [tilespmem:s22+$0xFFFFFFB0];
	v16 =	vmax.f32 v16, v22  }
0x127: {  	v5 =	vld [tilespmem:s22+$0xFFFFFF60];
	v10 =	vsub.f32 v16, v10;
	v8 =	vpop (erf)  }
0x128: {  	v14 =	vadd.f32 v14, v13;
	v13 =	vperm.xlane v13, v0;
	v12 =	vld [tilespmem:s18+$0xFFFFFFA0];
	v19 =	vperm.xlane v7, v2;
	v15 =	vpop (erf)  }
0x129: {  	v20 =	vld [tilespmem:s18+$0x40];
	v10 =	vmul.f32 $1.442695020e+00, v10;
	v17 =	vperm.xlane v8, v1;
	v9 =	vpop (erf)  }
0x12a: {  	v21 =	vperm.xlane v9, v1;
	v6 =	vmul.f32 v19, v6  }
0x12b: {  	(erf) = vpow2.f32 v10;
	v10 =	vperm.xlane v7, v3;
	v19 =	vld [tilespmem:s22+$0x0]  }
0x12c: {  	v22 =	vperm.xlane v15, v3;
	v5 =	vmul.f32 v21, v5;
	[tilespmem:s19+$0x60] =	vst v6  }
0x12d: {  	v12 =	vadd.f32 v12, v23;
	v11 =	vmul.f32 v17, v11;
	v21 =	vmul.f32 $2.000000030e-01, v14;
	v16 =	vld [tilespmem:s22+$0x70]  }
0x12e: {  	v17 =	vperm.xlane v15, v1;
	[tilespmem:s19+$0xFFFFFF60] =	vst v5;
	v5 =	vperm.xlane v18, v0;
	v18 =	vadd.f32 v20, v18  }
0x12f: {  	v24 =	vperm.xlane v9, v4;
	v6 =	vperm.xlane v9, v2;
	v14 =	vmax.f32 v14, v21;
	v20 =	vld [tilespmem:s22+$0xFFFFFF70]  }
0x130: {  	s20 =	simm.s32 $0x17520;
	v13 =	vsub.f32 v14, v13;
	v17 =	vmul.f32 v17, v19;
	v19 =	vmul.f32 $2.000000030e-01, v18  }
0x131: {  	v26 =	vld [tilespmem:s20+$0xFFFFFFA0];
	[tilespmem:s19+$0xFFFFFFB0] =	vst v11;
	v21 =	vperm.xlane v23, v0;
	v14 =	vmul.f32 $2.000000030e-01, v12  }
0x132: {  	v13 =	vmul.f32 $1.442695020e+00, v13;
	[tilespmem:s19+$0x0] =	vst v17;
	v17 =	vmax.f32 v18, v19;
	v10 =	vmul.f32 v10, v16;
	v16 =	vld [tilespmem:s22+$0xFFFFFFC0]  }
0x133: {  	v12 =	vmax.f32 v12, v14;
	v14 =	vperm.xlane v8, v3;
	v18 =	vld [tilespmem:s22+$0x10];
	v5 =	vsub.f32 v17, v5  }
0x134: {  	s29 =	simm.s32 $0x19AA0;
	v12 =	vsub.f32 v12, v21;
	(erf) = vpow2.f32 v13;
	v6 =	vmul.f32 v6, v20;
	v17 =	vld [tilespmem:s18+$0x50]  }
0x135: {  	v20 =	vld [tilespmem:s29+$0x10];
	[tilespmem:s19+$0x70] =	vst v10;
	v10 =	vperm.xlane v8, v2;
	v5 =	vmul.f32 $1.442695020e+00, v5  }
0x136: {  	v12 =	vmul.f32 $1.442695020e+00, v12;
	[tilespmem:s19+$0xFFFFFF70] =	vst v6;
	v6 =	vperm.xlane v15, v2;
	v13 =	vld [tilespmem:s22+$0x80]  }
0x137: {  	v19 =	vld [tilespmem:s22+$0xFFFFFF80];
	(erf) = vpow2.f32 v5;
	v10 =	vmul.f32 v10, v16  }
0x138: {  	(erf) = vpow2.f32 v12;
	v16 =	vpop (erf);
	v12 =	vld [tilespmem:s20+$0x90];
	v23 =	vmul.f32 v6, v18  }
0x139: {  	v27 =	vld [tilespmem:s29+$0xFFFFFFF0];
	v18 =	vperm.xlane v7, v4;
	[tilespmem:s19+$0xFFFFFFC0] =	vst v10;
	v10 =	vperm.xlane v16, v1  }
0x13a: {  	v21 =	vld [tilespmem:s18+$0xFFFFFFB0];
	v5 =	vperm.xlane v9, v3;
	v6 =	vperm.xlane v15, v4  }
0x13b: {  	v34 =	vperm.xlane v20, v0;
	v25 =	vld [tilespmem:s22+$0xFFFFFFD0];
	v10 =	vmul.f32 v10, v17  }
0x13c: {  	s21 =	simm.s32 $0x1A3E0;
	v28 =	vmul.f32 v18, v13;
	v13 =	vmul.f32 v5, v19;
	v19 =	vld [tilespmem:s20+$0xFFFFFFF0]  }
0x13d: {  	v47 =	vld [tilespmem:s29+$0x0];
	v35 =	vperm.xlane v16, v2;
	v17 =	vperm.xlane v8, v4;
	v18 =	vpop (erf);
	[tilespmem:s21+$0x50] =	vst v10;
	v10 =	vadd.f32 v12, v20  }
0x13e: {  	v29 =	vperm.xlane v18, v2;
	v12 =	vperm.xlane v18, v1;
	v30 =	vld [tilespmem:s18+$0x60]  }
0x13f: {  	v11 =	vld [tilespmem:s18+$0xFFFFFF60];
	v31 =	vperm.xlane v18, v3;
	v33 =	vmul.f32 $2.000000030e-01, v10  }
0x140: {  	v5 =	vpop (erf);
	v14 =	vmul.f32 v14, v25;
	v25 =	vld [tilespmem:s20+$0x40];
	v12 =	vmul.f32 v12, v21  }
0x141: {  	v21 =	vld [tilespmem:s29+$0xFFFFFFE0];
	v19 =	vadd.f32 v19, v27;
	v27 =	vperm.xlane v27, v0;
	v20 =	vpop (erf);
	v10 =	vmax.f32 v10, v33  }
0x142: {  	v48 =	vld [tilespmem:s18+$0x0];
	[tilespmem:s19+$0x90] =	vst v7;
	v36 =	vperm.xlane v5, v1;
	v37 =	vperm.xlane v20, v1;
	v10 =	vsub.f32 v10, v34  }
0x143: {  	v50 =	vld [tilespmem:s20+$0xFFFFFF60];
	[tilespmem:s19+$0x10] =	vst v23;
	v51 =	vmul.f32 $2.000000030e-01, v19;
	v30 =	vmul.f32 v35, v30  }
0x144: {  	v38 =	vld [tilespmem:s20+$0xFFFFFFB0];
	[tilespmem:s19+$0xFFFFFF80] =	vst v13;
	v11 =	vmul.f32 v37, v11;
	v10 =	vmul.f32 $1.442695020e+00, v10  }
0x145: {  	v39 =	vld [tilespmem:s20+$0x0];
	v55 =	vperm.xlane v5, v3;
	v7 =	vperm.xlane v5, v4;
	v25 =	vadd.f32 v25, v47;
	[tilespmem:s21+$0x60] =	vst v30  }
0x146: {  	v13 =	vld [tilespmem:s22+$0x20];
	v26 =	vadd.f32 v26, v21;
	[tilespmem:s21+$0xFFFFFF60] =	vst v11;
	v11 =	vmax.f32 v19, v51;
	(erf) = vpow2.f32 v10  }
0x147: {  	v52 =	vld [tilespmem:s18+$0x70];
	v10 =	vmul.f32 v36, v48;
	v19 =	vmul.f32 $2.000000030e-01, v25;
	v11 =	vsub.f32 v11, v27  }
0x148: {  	[tilespmem:s21+$0xFFFFFFB0] =	vst v12;
	v30 =	vperm.xlane v47, v0;
	v53 =	vld [tilespmem:s18+$0xFFFFFF70];
	v54 =	vmul.f32 $2.000000030e-01, v26  }
0x149: {  	s24 =	simm.s32 $0x17660;
	v21 =	vperm.xlane v21, v0;
	v27 =	vld [tilespmem:s18+$0xFFFFFFC0];
	[tilespmem:s21+$0x0] =	vst v10;
	v10 =	vmax.f32 v25, v19;
	v11 =	vmul.f32 $1.442695020e+00, v11  }
0x14a: {  	[tilespmem:s19+$0x80] =	vst v28;
	v28 =	vld [tilespmem:s24+$0x90];
	v19 =	vperm.xlane v16, v3;
	v25 =	vmax.f32 v26, v54;
	v10 =	vsub.f32 v10, v30  }
0x14b: {  	s30 =	simm.s32 $0x19AE0;
	v49 =	vperm.xlane v20, v2;
	v23 =	vld [tilespmem:s18+$0x10];
	v21 =	vsub.f32 v25, v21;
	(erf) = vpow2.f32 v11  }
0x14c: {  	v30 =	vld [tilespmem:s30+$0x10];
	v19 =	vmul.f32 v19, v52;
	v10 =	vmul.f32 $1.442695020e+00, v10  }
0x14d: {  	[tilespmem:s19+$0xFFFFFFD0] =	vst v14;
	v25 =	vld [tilespmem:s22+$0xFFFFFF90];
	v11 =	vmul.f32 $1.442695020e+00, v21;
	v14 =	vmul.f32 v49, v53  }
0x14e: {  	v12 =	vperm.xlane v5, v2;
	v21 =	vld [tilespmem:s20+$0x50];
	v27 =	vmul.f32 v29, v27;
	[tilespmem:s21+$0x70] =	vst v19  }
0x14f: {  	v22 =	vmul.f32 v22, v13;
	(erf) = vpow2.f32 v10;
	[tilespmem:s21+$0xFFFFFF70] =	vst v14;
	v19 =	vld [tilespmem:s18+$0x80]  }
0x150: {  	v13 =	vperm.xlane v20, v4;
	v26 =	vperm.xlane v20, v3;
	[tilespmem:s21+$0xFFFFFFC0] =	vst v27;
	v14 =	vld [tilespmem:s18+$0xFFFFFF80]  }
0x151: {  	(erf) = vpow2.f32 v11;
	v12 =	vmul.f32 v12, v23;
	v23 =	vld [tilespmem:s18+$0xFFFFFFD0];
	v28 =	vadd.f32 v28, v30;
	v11 =	vpop (erf)  }
0x152: {  	[tilespmem:s19+$0x20] =	vst v22;
	v29 =	vld [tilespmem:s22+$0xFFFFFFE0];
	v24 =	vmul.f32 v24, v25;
	v10 =	vperm.xlane v11, v1  }
0x153: {  	v57 =	vld [tilespmem:s24+$0xFFFFFFA0];
	[tilespmem:s19+$0xFFFFFFA0] =	vst v9;
	v27 =	vperm.xlane v16, v4;
	v60 =	vmul.f32 $2.000000030e-01, v28  }
0x154: {  	[tilespmem:s19+$0xFFFFFF90] =	vst v24;
	v24 =	vld [tilespmem:s30+$0xFFFFFFE0];
	v21 =	vmul.f32 v10, v21;
	v10 =	vperm.xlane v18, v4  }
0x155: {  	s23 =	simm.s32 $0x1A520;
	[tilespmem:s19+$0xFFFFFFF0] =	vst v8;
	v25 =	vld [tilespmem:s30+$0xFFFFFFF0];
	v19 =	vmul.f32 v27, v19;
	v26 =	vmul.f32 v26, v14  }
0x156: {  	v9 =	vpop (erf);
	v27 =	vld [tilespmem:s24+$0xFFFFFFF0];
	v23 =	vmul.f32 v31, v23;
	v31 =	vperm.xlane v11, v2;
	[tilespmem:s23+$0x50] =	vst v21  }
0x157: {  	[tilespmem:s21+$0x90] =	vst v16;
	v21 =	vmul.f32 v17, v29;
	v29 =	vperm.xlane v9, v1;
	v17 =	vld [tilespmem:s20+$0x60]  }
0x158: {  	v58 =	vld [tilespmem:s24+$0x40];
	[tilespmem:s21+$0x10] =	vst v12;
	v56 =	vperm.xlane v9, v2;
	v14 =	vperm.xlane v9, v3;
	v8 =	vpop (erf)  }
0x159: {  	v22 =	vld [tilespmem:s30+$0x0];
	[tilespmem:s21+$0x80] =	vst v19;
	v62 =	vperm.xlane v24, v0;
	v16 =	vperm.xlane v8, v1  }
0x15a: {  	[tilespmem:s21+$0xFFFFFFD0] =	vst v23;
	v23 =	vperm.xlane v11, v3;
	v29 =	vmul.f32 v29, v38;
	v12 =	vpop (erf)  }
0x15b: {  	[tilespmem:s21+$0xFFFFFF80] =	vst v26;
	v59 =	vperm.xlane v12, v1;
	v19 =	vadd.f32 v27, v25;
	v16 =	vmul.f32 v16, v39  }
0x15c: {  	v63 =	vld [tilespmem:s18+$0x20];
	v28 =	vmax.f32 v28, v60;
	v27 =	vperm.xlane v30, v0;
	[tilespmem:s23+$0xFFFFFFB0] =	vst v29;
	v31 =	vmul.f32 v31, v17  }
0x15d: {  	v34 =	vadd.f32 v57, v24;
	v29 =	vmul.f32 v59, v50;
	v30 =	vmul.f32 $2.000000030e-01, v19;
	[tilespmem:s23+$0x0] =	vst v16  }
0x15e: {  	v17 =	vld [tilespmem:s24+$0xFFFFFF60];
	v27 =	vsub.f32 v28, v27;
	[tilespmem:s23+$0x60] =	vst v31;
	v31 =	vperm.xlane v22, v0;
	v22 =	vadd.f32 v58, v22  }
0x15f: {  	[tilespmem:s19+$0xFFFFFFE0] =	vst v21;
	v21 =	vmul.f32 $2.000000030e-01, v34;
	v25 =	vperm.xlane v25, v0;
	v16 =	vmax.f32 v19, v30;
	v30 =	vld [tilespmem:s20+$0x10]  }
0x160: {  	[tilespmem:s23+$0xFFFFFF60] =	vst v29;
	v24 =	vmul.f32 $1.442695020e+00, v27;
	v29 =	vld [tilespmem:s20+$0x70];
	v26 =	vmul.f32 $2.000000030e-01, v22  }
0x161: {  	v32 =	vmul.f32 v55, v63;
	v21 =	vmax.f32 v34, v21;
	v27 =	vld [tilespmem:s20+$0xFFFFFF70];
	v25 =	vsub.f32 v16, v25  }
0x162: {  	(erf) = vpow2.f32 v24;
	v24 =	vld [tilespmem:s18+$0xFFFFFF90];
	[tilespmem:s21+$0xFFFFFFA0] =	vst v20;
	v20 =	vsub.f32 v21, v62;
	v22 =	vmax.f32 v22, v26  }
0x163: {  	v61 =	vperm.xlane v8, v2;
	v40 =	vperm.xlane v12, v2;
	v28 =	vld [tilespmem:s20+$0xFFFFFFC0];
	v26 =	vsub.f32 v22, v31  }
0x164: {  	v21 =	vld [tilespmem:s22+$0x30];
	v25 =	vmul.f32 $1.442695020e+00, v25;
	v20 =	vmul.f32 $1.442695020e+00, v20  }
0x165: {  	[tilespmem:s19+$0x40] =	vst v15;
	v15 =	vld [tilespmem:s24+$0x0];
	v23 =	vmul.f32 v23, v29;
	v26 =	vmul.f32 $1.442695020e+00, v26  }
0x166: {  	v22 =	vld [tilespmem:s18+$0xFFFFFFE0];
	[tilespmem:s21+$0xFFFFFFF0] =	vst v18;
	(erf) = vpow2.f32 v25;
	v25 =	vmul.f32 v40, v27  }
0x167: {  	v18 =	vld [tilespmem:s24+$0xFFFFFFB0];
	[tilespmem:s23+$0x70] =	vst v23;
	(erf) = vpow2.f32 v26;
	v26 =	vmul.f32 v61, v30  }
0x168: {  	[tilespmem:s21+$0x20] =	vst v32;
	v19 =	vperm.xlane v12, v3;
	v28 =	vmul.f32 v56, v28;
	v29 =	vld [tilespmem:s20+$0x80]  }
0x169: {  	v16 =	vperm.xlane v8, v3;
	[tilespmem:s23+$0xFFFFFF70] =	vst v25;
	v30 =	vld [tilespmem:s24+$0x50];
	(erf) = vpow2.f32 v20  }
0x16a: {  	s28 =	simm.s32 $0x19B20;
	[tilespmem:s23+$0xFFFFFFC0] =	vst v28;
	v31 =	vperm.xlane v11, v4;
	v25 =	vperm.xlane v12, v4;
	v28 =	vld [tilespmem:s20+$0xFFFFFF80]  }
0x16b: {  	s25 =	simm.s32 $0x17660;
	s26 =	simm.s32 $0xC;
	s22 =	simm.s32 $0x1A520;
	v27 =	vld [tilespmem:s20+$0xFFFFFFD0];
	v23 =	vperm.xlane v9, v4;
	v20 =	vperm.xlane v8, v4;
	[tilespmem:s23+$0x10] =	vst v26;
	v26 =	vpop (erf)  }
.LBB2_5:
0x16c: {  	v32 =	vld [tilespmem:s28+$0x10];
	v33 =	vperm.xlane v26, v1;
	s24 =	sadd.s32 $0x140, s24;
	[tilespmem:s23+$0x90] =	vst v11;
	v24 =	vmul.f32 v13, v24;
	v13 =	vmovc v25;
	v11 =	vmov v26  }
0x16d: {  	s26 =	sadd.s32 $0x4, s26;
	v22 =	vmul.f32 v10, v22;
	v10 =	vmov v23;
	v25 =	vld [tilespmem:s24+$0x90];
	v26 =	vmul.f32 v31, v29  }
0x16e: {  	v21 =	vmul.f32 v6, v21;
	v6 =	vmovc v7;
	p0 =	slt.u32 s26, $0x7C;
	v7 =	vmov v20;
	v23 =	vld [tilespmem:s24+$0xFFFFFFA0];
	v29 =	vmul.f32 v33, v30;
	[tilespmem:s21+$0xFFFFFF90] =	vst v24  }
0x16f: {  	s23 =	sadd.s32 $0x140, s23;
	v20 =	vld [tilespmem:s28+$0xFFFFFFF0];
	v30 =	vpop (erf);
	v19 =	vmul.f32 v19, v28;
	[tilespmem:s22+$0x80] =	vst v26  }
0x170: {  	v24 =	vld [tilespmem:s24+$0xFFFFFFF0];
	v26 =	vperm.xlane v30, v1;
	v28 =	vperm.xlane v30, v2;
	[tilespmem:s23+$0x50] =	vst v29  }
0x171: {  	v29 =	vld [tilespmem:s25+$0x60];
	v31 =	vpop (erf);
	[tilespmem:s22+$0xFFFFFF80] =	vst v19;
	v19 =	vmul.f32 v14, v27;
	v14 =	vperm.xlane v30, v3  }
0x172: {  	v27 =	vld [tilespmem:s28+$0x0];
	v25 =	vadd.f32 v25, v32;
	v18 =	vmul.f32 v26, v18;
	v26 =	vperm.xlane v31, v1;
	v33 =	vpop (erf);
	[tilespmem:s21+$0xFFFFFFE0] =	vst v22  }
0x173: {  	v22 =	vld [tilespmem:s24+$0x40];
	v34 =	vperm.xlane v33, v1;
	v35 =	vperm.xlane v33, v2;
	[tilespmem:s22+$0xFFFFFFD0] =	vst v19  }
0x174: {  	v37 =	vperm.xlane v11, v2;
	v19 =	vld [tilespmem:s28+$0xFFFFFFE0];
	v36 =	vmul.f32 $2.000000030e-01, v25;
	[tilespmem:s23+$0xFFFFFFB0] =	vst v18  }
0x175: {  	v32 =	vperm.xlane v32, v0;
	v38 =	vld [tilespmem:s24+$0xFFFFFF60];
	v24 =	vadd.f32 v24, v20;
	v20 =	vperm.xlane v20, v0;
	[tilespmem:s19+$0x30] =	vst v21;
	s19 =	smov.u32 s21;
	s21 =	smov.u32 s22;
	s22 =	smov.u32 s23  }
0x176: {  	v17 =	vmul.f32 v34, v17;
	v18 =	vld [tilespmem:s24+$0xFFFFFFB0];
	v21 =	vmax.f32 v25, v36;
	v25 =	vmul.f32 v37, v29  }
0x177: {  	v29 =	vmul.f32 $2.000000030e-01, v24;
	v34 =	vperm.xlane v27, v0;
	v36 =	vld [tilespmem:s24+$0x0];
	v21 =	vsub.f32 v21, v32  }
0x178: {  	v15 =	vmul.f32 v26, v15;
	v26 =	vperm.xlane v31, v2;
	v22 =	vadd.f32 v22, v27;
	v27 =	vld [tilespmem:s25+$0xFFFFFFC0];
	[tilespmem:s23+$0x60] =	vst v25  }
0x179: {  	v23 =	vadd.f32 v23, v19;
	v25 =	vperm.xlane v19, v0;
	v21 =	vmul.f32 $1.442695020e+00, v21;
	[tilespmem:s23+$0xFFFFFF60] =	vst v17;
	v32 =	vld [tilespmem:s25+$0x70]  }
0x17a: {  	v24 =	vmax.f32 v24, v29;
	v19 =	vperm.xlane v33, v3;
	v29 =	vmul.f32 $2.000000030e-01, v22;
	v37 =	vld [tilespmem:s25+$0xFFFFFF70];
	[tilespmem:s23+$0x0] =	vst v15;
	v17 =	vmovc v38  }
0x17b: {  	v20 =	vsub.f32 v24, v20;
	v38 =	vmul.f32 $2.000000030e-01, v23;
	(erf) = vpow2.f32 v21;
	v39 =	vld [tilespmem:s25+$0x10]  }
0x17c: {  	v40 =	vperm.xlane v31, v3;
	v21 =	vmax.f32 v22, v29;
	v22 =	vperm.xlane v11, v3;
	v41 =	vld [tilespmem:s20+$0x20];
	v15 =	vmovc v36  }
0x17d: {  	v20 =	vmul.f32 $1.442695020e+00, v20;
	v23 =	vmax.f32 v23, v38;
	v21 =	vsub.f32 v21, v34;
	v24 =	vld [tilespmem:s20+$0xFFFFFF90];
	[tilespmem:s21+$0xFFFFFFA0] =	vst v12;
	v12 =	vmovc v33  }
0x17e: {  	v23 =	vsub.f32 v23, v25;
	v25 =	vmul.f32 v28, v27;
	v27 =	vmul.f32 v22, v32;
	v22 =	vld [tilespmem:s20+$0xFFFFFFE0];
	[tilespmem:s21+$0xFFFFFFF0] =	vst v9  }
0x17f: {  	v9 =	vmovc v30;
	v28 =	vmul.f32 $1.442695020e+00, v21;
	(erf) = vpow2.f32 v20;
	v21 =	vld [tilespmem:s18+$0x30];
	[tilespmem:s19+$0x40] =	vst v5;
	v5 =	vmovc v8;
	v8 =	vmov v31;
	s18 =	smov.u32 s20;
	s20 =	smov.u32 s25;
	s25 =	smov.u32 s24  }
.Ltmp1:
0x180: {  	v20 =	vmul.f32 $1.442695020e+00, v23;
	v23 =	vmul.f32 v35, v37;
	[tilespmem:s23+$0x70] =	vst v27;
	(pc) =	sbr.rel @p0 .LBB2_5-.Ltmp1, $4  }
0x181: {  	v27 =	vmul.f32 v26, v39;
	(erf) = vpow2.f32 v28;
	[tilespmem:s23+$0xFFFFFFC0] =	vst v25;
	v29 =	vld [tilespmem:s20+$0x80]  }
0x182: {  	v32 =	vmul.f32 v16, v41;
	v16 =	vmov v40;
	v30 =	vld [tilespmem:s24+$0x50];
	(erf) = vpow2.f32 v20;
	[tilespmem:s23+$0xFFFFFF70] =	vst v23  }
0x183: {  	v25 =	vperm.xlane v12, v4;
	v23 =	vperm.xlane v9, v4;
	v28 =	vld [tilespmem:s20+$0xFFFFFF80];
	[tilespmem:s23+$0x10] =	vst v27  }
0x184: {  	s28 =	sadd.s32 $0x40, s28;
	v31 =	vperm.xlane v11, v4;
	v20 =	vperm.xlane v8, v4;
	v26 =	vpop (erf);
	v27 =	vld [tilespmem:s20+$0xFFFFFFD0];
	[tilespmem:s21+$0x20] =	vst v32  }
0x185: {  	v32 =	vperm.xlane v26, v1;
	_ =	sdelay $0x1  }
0x186: {  	v30 =	vmul.f32 v32, v30  }
0x187: {  	s24 =	sadd.s32 $0x140, s23;
	[tilespmem:s23+$0x90] =	vst v11  }
0x188: {  	v13 =	vmul.f32 v13, v24;
	v51 =	vld [tilespmem:s18+$0x30];
	v24 =	vpop (erf);
	[tilespmem:s24+$0x50] =	vst v30  }
0x189: {  	v10 =	vmul.f32 v10, v22;
	[tilespmem:s21+$0x40] =	vst v5;
	v62 =	vmul.f32 v31, v29;
	v30 =	vld [tilespmem:s25+$0x60];
	v31 =	vpop (erf)  }
0x18a: {  	v6 =	vmul.f32 v6, v21;
	[tilespmem:s21+$0xFFFFFF90] =	vst v13;
	v63 =	vperm.xlane v24, v1;
	v33 =	vpop (erf)  }
0x18b: {  	[tilespmem:s21+$0xFFFFFFE0] =	vst v10;
	v36 =	vperm.xlane v33, v1  }
0x18c: {  	v34 =	vperm.xlane v26, v2;
	[tilespmem:s19+$0x30] =	vst v6;
	v35 =	vmul.f32 v63, v18  }
0x18d: {  	v32 =	vmul.f32 v19, v28;
	[tilespmem:s22+$0x80] =	vst v62;
	v38 =	vmul.f32 v36, v17  }
0x18e: {  	v37 =	vperm.xlane v31, v1;
	[tilespmem:s24+$0xFFFFFFB0] =	vst v35;
	v28 =	vmul.f32 v34, v30  }
0x18f: {  	v39 =	vld [tilespmem:s25+$0xFFFFFFC0];
	[tilespmem:s24+$0xFFFFFF60] =	vst v38  }
0x190: {  	v13 =	vmul.f32 v37, v15;
	[tilespmem:s24+$0x60] =	vst v28;
	v41 =	vld [tilespmem:s25+$0xFFFFFF70]  }
0x191: {  	v14 =	vmul.f32 v14, v27;
	[tilespmem:s22+$0xFFFFFF80] =	vst v32;
	v40 =	vld [tilespmem:s25+$0x70]  }
0x192: {  	v44 =	vld [tilespmem:s20+$0x20];
	v46 =	vperm.xlane v24, v2;
	[tilespmem:s24+$0x0] =	vst v13  }
0x193: {  	[tilespmem:s22+$0xFFFFFFD0] =	vst v14;
	v45 =	vperm.xlane v33, v2;
	v42 =	vld [tilespmem:s25+$0x10]  }
0x194: {  	v43 =	vperm.xlane v26, v3;
	v6 =	vld [tilespmem:s20+$0xFFFFFF90];
	[tilespmem:s22+$0xFFFFFFA0] =	vst v12;
	v50 =	vmul.f32 v46, v39  }
0x195: {  	v47 =	vld [tilespmem:s20+$0xFFFFFFE0];
	[tilespmem:s22+$0xFFFFFFF0] =	vst v9;
	v48 =	vmul.f32 v45, v41  }
0x196: {  	v49 =	vperm.xlane v31, v2;
	[tilespmem:s24+$0xFFFFFFC0] =	vst v50;
	v11 =	vmul.f32 v43, v40  }
0x197: {  	v5 =	vmul.f32 v16, v44;
	v54 =	vld [tilespmem:s25+$0xFFFFFFD0];
	[tilespmem:s24+$0xFFFFFF70] =	vst v48  }
0x198: {  	v52 =	vmul.f32 v49, v42;
	[tilespmem:s24+$0x70] =	vst v11;
	v53 =	vld [tilespmem:s25+$0xFFFFFF80]  }
0x199: {  	[tilespmem:s22+$0x20] =	vst v5;
	v5 =	vmul.f32 v25, v6;
	v11 =	vld [tilespmem:s25+$0x80]  }
0x19a: {  	v6 =	vperm.xlane v24, v3;
	v59 =	vmul.f32 v23, v47;
	[tilespmem:s24+$0x10] =	vst v52  }
0x19b: {  	v56 =	vperm.xlane v33, v3;
	[tilespmem:s22+$0xFFFFFF90] =	vst v5;
	v57 =	vld [tilespmem:s25+$0x20]  }
0x19c: {  	v55 =	vperm.xlane v26, v4;
	[tilespmem:s22+$0xFFFFFFE0] =	vst v59;
	v6 =	vmul.f32 v6, v54  }
0x19d: {  	[tilespmem:s24+$0x90] =	vst v26;
	v5 =	vmul.f32 v56, v53  }
0x19e: {  	v58 =	vperm.xlane v31, v3;
	[tilespmem:s24+$0xFFFFFFD0] =	vst v6;
	v9 =	vmul.f32 v55, v11  }
0x19f: {  	[tilespmem:s24+$0xFFFFFF80] =	vst v5;
	v5 =	vmul.f32 v7, v51  }
0x1a0: {  	v7 =	vld [tilespmem:s25+$0xFFFFFFE0];
	[tilespmem:s24+$0x80] =	vst v9;
	v9 =	vmul.f32 v58, v57  }
0x1a1: {  	[tilespmem:s21+$0x30] =	vst v5;
	v5 =	vld [tilespmem:s20+$0x30]  }
0x1a2: {  	v6 =	vld [tilespmem:s25+$0xFFFFFF90];
	[tilespmem:s24+$0x20] =	vst v9  }
0x1a3: {  	v61 =	vperm.xlane v24, v4;
	[tilespmem:s24+$0xFFFFFFF0] =	vst v24;
	v62 =	vld [tilespmem:s25+$0x30]  }
0x1a4: {  	[tilespmem:s24+$0xFFFFFFA0] =	vst v33  }
0x1a5: {  	s16 =	sadd.s32 $0x1, s16;
	v60 =	vperm.xlane v33, v4;
	[tilespmem:s22+$0x40] =	vst v8;
	v7 =	vmul.f32 v61, v7  }
0x1a6: {  	p0 =	sne.s32 s16, $0x29;
	v63 =	vperm.xlane v31, v4;
	[tilespmem:s24+$0x40] =	vst v31;
	v5 =	vmul.f32 v20, v5  }
.Ltmp2:
0x1a7: {  	v6 =	vmul.f32 v60, v6;
	[tilespmem:s24+$0xFFFFFFE0] =	vst v7;
	(pc) =	sbr.rel @p0 .LBB2_2-.Ltmp2, $4  }
0x1a8: {  	[tilespmem:s22+$0x30] =	vst v5;
	v5 =	vmul.f32 v63, v62  }
0x1a9: {  	[tilespmem:s24+$0xFFFFFF90] =	vst v6  }
0x1aa: {  	[tilespmem:s24+$0x30] =	vst v5  }
0x1ab: {  	[spmem:s2] =	stream.indirect.scatter.add.f32 [tilespmem:s14], [sflag:$0x6], $0x50, s17, s3, $0xb8;
	[tilespmem:$0x1CA00] =	vst v63  }
0x1ac: {  	_ =	swait.ge [sflag:s0], $0x2800  }
0x1ad: {  	[sflag:s0] =	ssyncset.done $0x0  }
0x1ae: {  	[sflag:s0] =	ssyncadd.s32 $0xFFFFD800  }
0x1af: {  	_ =	swait.ge [sflag:s1], $0x2800  }
0x1b0: {  	[sflag:s1] =	ssyncset.done $0x0  }
0x1b1: {  	[sflag:s1] =	ssyncadd.s32 $0xFFFFD800  }
0x1b2: {  	[bflag:$0x0] =	sbarrier.arrive $0xFFFF  }
0x1b3: {  	s16 =	rddreg [dreg:$0xc]  }
0x1b4: {  	s17 =	rddreg [dreg:$0x16]  }
0x1b5: {  	[hbm:s16], [sflag:s10] =	dma.local [spmem:s17], $0x500  }
0x1b6: {  	_ =	swait.ge [sflag:s31], $0x500  }
0x1b7: {  	[sflag:s31] =	ssyncset.done $0x0;
	s21 =	rddreg [dreg:$0xd]  }
0x1b8: {  	s22 =	rddreg [dreg:$0x17];
	[sflag:s31] =	ssyncadd.s32 $0xFFFFFB00  }
0x1b9: {  	[hbm:s21], [sflag:s10] =	dma.local [spmem:s22], $0x500  }
0x1ba: {  	_ =	swait.ge [sflag:s31], $0x500  }
0x1bb: {  	[sflag:s31] =	ssyncset.done $0x0;
	s23 =	rddreg [dreg:$0xe]  }
0x1bc: {  	s24 =	rddreg [dreg:$0x18];
	[sflag:s31] =	ssyncadd.s32 $0xFFFFFB00  }
0x1bd: {  	[hbm:s23], [sflag:s10] =	dma.local [spmem:s24], $0x500  }
0x1be: {  	_ =	swait.ge [sflag:s31], $0x500  }
0x1bf: {  	[sflag:s31] =	ssyncset.done $0x0;
	s25 =	rddreg [dreg:$0xf]  }
0x1c0: {  	s26 =	rddreg [dreg:$0x19];
	[sflag:s31] =	ssyncadd.s32 $0xFFFFFB00  }
0x1c1: {  	[hbm:s25], [sflag:s10] =	dma.local [spmem:s26], $0x500  }
0x1c2: {  	_ =	swait.ge [sflag:s31], $0x500  }
0x1c3: {  	[sflag:s31] =	ssyncset.done $0x0;
	s28 =	rddreg [dreg:$0x10]  }
0x1c4: {  	s29 =	rddreg [dreg:$0x1a];
	[sflag:s31] =	ssyncadd.s32 $0xFFFFFB00  }
0x1c5: {  	[hbm:s28], [sflag:s10] =	dma.local [spmem:s29], $0x500  }
0x1c6: {  	_ =	swait.ge [sflag:s31], $0x500  }
0x1c7: {  	s15 =	sadd.s32 $0x1, s15;
	s30 =	rddreg [dreg:$0x6]  }
0x1c8: {  	p0 =	sne.s32 s15, s30  }
.Ltmp3:
0x1c9: {  	_ = 	snop;
	(pc) =	sbr.rel @p0 .LBB2_1-.Ltmp3, $3  }
0x1ca: {  	_ =	sdelay $0x1  }
0x1cb: {  	[sflag:s31] =	ssyncset.done $0x0  }
0x1cc: {  	[sflag:s31] =	ssyncadd.s32 $0xFFFFFB00  }
0x1cd: {  	_ =	sfence.sel $0x180000  }
0x1ce: {  	[bflag:$0x0] =	sbarrier.arrive $0xFFFF  }
0x1cf: {  	_ =	strace $0x90000047  }
0x1d0: {  	s0 =	stileid.u32;
	[bflag:$0x2] =	sbarrier.arrive $0xFFFF  }
0x1d1: {  	p0 =	sne.s32 s0, $0x0;
	s0 =	rddreg [dreg:$0x3]  }
0x1d2: {  	s0 =	sadd.s32 @!p0 $0x100000, s0  }
0x1d3: {  	[sflag:s0] =	ssyncadd.tile.s32 @!p0 $0x1;
	_ =	shalt  }
.Lfunc_end2:
_tile_overlayer_lowered:
.L_overlay_start_2:
0x1d4: {  	(tag) =	ssettag $0x2  }
0x1d5: {  	s0 =	rddreg [dreg:$0x0];
	s2 =	stileid.u32  }
0x1d6: {  	s1 =	rddreg [dreg:$0x1];
	p0 =	sne.s32 s2, $0x0  }
0x1d7: {  	s3 =	rddreg [dreg:$0x2];
	[bflag:$0x3] =	sbarrier.arrive $0xFFFF;
	s2 =	simm.s32 @!p0 $0x1C07  }
0x1d8: {  	[timem:s3], [sflag:s2] =	dma.local @!p0 [hbm:s0], s1  }
0x1d9: {  	s0 =	simm.s32 @!p0 $0x7  }
0x1da: {  	_ =	swait.ge @!p0 [sflag:s0], s1  }
0x1db: {  	s1 =	ssub.s32 @!p0 $0x0, s1;
	[sflag:s0] =	ssyncset.done @!p0 $0x0  }
0x1dc: {  	[sflag:s0] =	ssyncadd.s32 @!p0 s1  }
0x1dd: {  	[bflag:$0x3] =	sbarrier.arrive $0xFFFF  }
0x1de: {  	_ =	shalt  }

</sc_bundles>
